<compile_context>
chip_gen: v7x
topology: tpu7x:2x2x1
jax: 0.10.2.dev20260603
libtpu: 0.0.44.dev20260713+nightly
codegen_flags: <defaults>
</compile_context>

<pallas_src>
import functools
import math
import jax
import jax.numpy as jnp
from jax import lax
from jax.experimental import pallas as pl
from jax.experimental.pallas import tpu as pltpu
from jax.experimental.pallas import tpu_sc as plsc

N = 2048
D = 256
K = 4
TOPK = 16
CHEB_T = 2
OUT = 256

BLK = 256
_CB = 1024


def _dot3(a, b):
    return jnp.dot(a.astype(jnp.bfloat16), b.astype(jnp.bfloat16),
                   preferred_element_type=jnp.float32)


def _ln(x):
    mu = x.mean(-1, keepdims=True)
    v = ((x - mu) ** 2).mean(-1, keepdims=True)
    return (x - mu) / jnp.sqrt(v + 1e-5)


def _attn_kernel(q_ref, kt_ref, hn_ref, hm_ref, x_ref):
    q = q_ref[...]
    m = jnp.full((BLK, 1), -jnp.inf, jnp.float32)
    l = jnp.zeros((BLK, 1), jnp.float32)
    acc = jnp.zeros((BLK, D), jnp.float32)
    for j in range(N // _CB):
        ktj = kt_ref[j * _CB:(j + 1) * _CB, :]
        vj = hn_ref[j * _CB:(j + 1) * _CB, :]
        sj = _dot3(q, ktj.T) * (1.0 / math.sqrt(D))
        mj = jnp.maximum(m, jnp.max(sj, axis=-1, keepdims=True))
        c = jnp.exp(m - mj)
        p = jnp.exp(sj - mj)
        l = l * c + jnp.sum(p, axis=-1, keepdims=True)
        acc = acc * c + _dot3(p, vj)
        m = mj
    x_ref[...] = acc / l + hm_ref[...]


def _compute_x(H_m, H_n, WQ, bQ, WK, bK):
    Q = _ln(H_m) @ WQ.T + bQ
    Kt = _ln(H_n) @ WK.T + bK
    X = pl.pallas_call(
        _attn_kernel,
        grid=(N // BLK,),
        in_specs=[
            pl.BlockSpec((BLK, D), lambda i: (i, 0)),
            pl.BlockSpec((N, D), lambda i: (0, 0)),
            pl.BlockSpec((N, D), lambda i: (0, 0)),
            pl.BlockSpec((BLK, D), lambda i: (i, 0)),
        ],
        out_specs=pl.BlockSpec((BLK, D), lambda i: (i, 0)),
        out_shape=jax.ShapeDtypeStruct((N, D), jnp.float32),
    )(Q, Kt, H_n, H_m)
    return X


def _fuse_kernel(xb_ref, xf_ref, lk_ref, w_ref,
                 r_ref, r2_ref, fx_ref, dv_ref, idx_ref, vn_ref, pf_ref):
    i = pl.program_id(0)
    k = pl.program_id(1)
    xb = xb_ref[...]
    xf = xf_ref[...]
    t = _dot3(xb, lk_ref[0])
    s = _dot3(t, xf.T) * (1.0 / math.sqrt(D))
    m = jnp.max(s, axis=-1, keepdims=True)
    p = jnp.exp(s - m)
    z = jnp.sum(p, axis=-1, keepdims=True)
    h = p / z

    colid = lax.broadcasted_iota(jnp.int32, (BLK, N), 1)
    work = h
    mask = jnp.zeros((BLK, N), jnp.bool_)
    idxs = []
    vals = []
    for t_ in range(TOPK):
        v = jnp.max(work, axis=-1, keepdims=True)
        cand = jnp.where(work == v, colid, N)
        am = jnp.min(cand, axis=-1, keepdims=True)
        sel = colid == am
        mask = mask | sel
        work = jnp.where(sel, -1.0, work)
        idxs.append(am)
        vals.append(v)
    idxcat = jnp.concatenate(idxs, axis=1)
    valcat = jnp.concatenate(vals, axis=1)
    s16 = jnp.sum(valcat, axis=-1, keepdims=True)
    denom = s16 + 1e-9
    vn = valcat / denom
    de = s16 / denom + 1e-9
    rv = jnp.where(mask, h, 0.0) / denom
    r_ref[0] = rv.astype(jnp.bfloat16)
    r2_ref[0] = (rv / de).astype(jnp.bfloat16)
    idx_ref[0] = idxcat
    vn_ref[0] = vn

    dvpart = jnp.sum(rv, axis=0, keepdims=True)

    @pl.when(jnp.logical_and(i == 0, k == 0))
    def _():
        dv_ref[...] = jnp.zeros_like(dv_ref)

    dv_ref[...] += dvpart

    wk = jnp.sum(jnp.where(
        lax.broadcasted_iota(jnp.int32, (1, K), 1) == k, w_ref[...], 0.0))

    @pl.when(k == 0)
    def _():
        pf_ref[...] = wk * h

    @pl.when(k > 0)
    def _():
        pf_ref[...] += wk * h

    @pl.when(k == K - 1)
    def _():
        fx_ref[...] = _dot3(pf_ref[...], xf)


def _fuse(X, L_k, w):
    return pl.pallas_call(
        _fuse_kernel,
        grid=(N // BLK, K),
        in_specs=[
            pl.BlockSpec((BLK, D), lambda i, k: (i, 0)),
            pl.BlockSpec((N, D), lambda i, k: (0, 0)),
            pl.BlockSpec((1, D, D), lambda i, k: (k, 0, 0)),
            pl.BlockSpec((1, K), lambda i, k: (0, 0)),
        ],
        out_specs=[
            pl.BlockSpec((1, BLK, N), lambda i, k: (k, i, 0)),
            pl.BlockSpec((1, BLK, N), lambda i, k: (k, i, 0)),
            pl.BlockSpec((BLK, D), lambda i, k: (i, 0)),
            pl.BlockSpec((1, N), lambda i, k: (0, 0)),
            pl.BlockSpec((1, BLK, TOPK), lambda i, k: (k, i, 0)),
            pl.BlockSpec((1, BLK, TOPK), lambda i, k: (k, i, 0)),
        ],
        out_shape=[
            jax.ShapeDtypeStruct((K, N, N), jnp.bfloat16),
            jax.ShapeDtypeStruct((K, N, N), jnp.bfloat16),
            jax.ShapeDtypeStruct((N, D), jnp.float32),
            jax.ShapeDtypeStruct((1, N), jnp.float32),
            jax.ShapeDtypeStruct((K, N, TOPK), jnp.int32),
            jax.ShapeDtypeStruct((K, N, TOPK), jnp.float32),
        ],
        scratch_shapes=[pltpu.VMEM((BLK, N), jnp.float32)],
    )(X, X, L_k, w.reshape(1, K))


def _smat_kernel(r2_ref, r_ref, smat_ref, acc_ref):
    k = pl.program_id(1)
    part = lax.dot_general(r2_ref[0], r_ref[0],
                           (((0,), (0,)), ((), ())),
                           preferred_element_type=jnp.float32)

    @pl.when(k == 0)
    def _():
        acc_ref[...] = part

    @pl.when(k > 0)
    def _():
        acc_ref[...] += part

    @pl.when(k == K - 1)
    def _():
        smat_ref[...] = acc_ref[...]


def _smat(R, R2):
    return pl.pallas_call(
        _smat_kernel,
        grid=(N // BLK, K),
        in_specs=[
            pl.BlockSpec((1, N, BLK), lambda a, k: (k, 0, a)),
            pl.BlockSpec((1, N, N), lambda a, k: (k, 0, 0)),
        ],
        out_specs=pl.BlockSpec((BLK, N), lambda a, k: (a, 0)),
        out_shape=jax.ShapeDtypeStruct((N, N), jnp.float32),
        scratch_shapes=[pltpu.VMEM((BLK, N), jnp.float32)],
    )(R2, R)


_E = K * N
_EPW = _E // 16
_NCH = N // 16


def _ssum(x):
    lane = lax.broadcasted_iota(jnp.int32, (16,), 0)
    for sh in (8, 4, 2, 1):
        x = x + x.at[(lane + sh) & 15].get(mode='promise_in_bounds')
    return x


def _power_sc_kernel(idx_hbm, vn_hbm, dvis_hbm, v0_hbm, zid_hbm, out_hbm,
                     outu_hbm, idx_v, vn_v, y_v, yd_v, outp_v, outp2_v, dvis_v,
                     comb_v, zid_v, out16_v, acc_sh):
    sid = lax.axis_index("s")
    cid = lax.axis_index("c")
    wid = sid + cid * 16
    base = sid * _EPW
    zero16 = jnp.zeros((16,), jnp.float32)
    zidx16 = jnp.zeros((16,), jnp.int32)

    pltpu.sync_copy(idx_hbm.at[pl.ds(base * TOPK, _EPW * TOPK)], idx_v)
    pltpu.sync_copy(vn_hbm.at[pl.ds(base * TOPK, _EPW * TOPK)], vn_v)
    pltpu.sync_copy(dvis_hbm, dvis_v)
    pltpu.sync_copy(v0_hbm, y_v)
    pltpu.sync_copy(zid_hbm, zid_v)

    def do_apply():
        def prep(c, _):
            sl = pl.ds(c * 16, 16)
            yd_v[sl] = dvis_v[0, sl] * y_v[0, sl]
            outp_v[sl] = zero16
            return 0
        lax.fori_loop(0, _NCH, prep, 0)

        def ebody(e, _):
            sl = pl.ds(e * TOPK, TOPK)
            iv = idx_v[sl]
            vv = vn_v[sl]
            g = plsc.load_gather(yd_v, [iv])
            z = _ssum(vv * g)
            q = vv / (_ssum(vv) + 1e-9)
            plsc.addupdate_scatter(outp_v, [iv], q * z)
            return 0
        lax.fori_loop(0, _EPW, ebody, 0)

        def stage(c, _):
            sl = pl.ds(c * 16, 16)
            outp2_v[0, sl] = outp_v[sl]
            return 0
        lax.fori_loop(0, _NCH, stage, 0)

        @pl.when(sid == 0)
        def _():
            def zsh(c, _):
                comb_v[0, pl.ds(c * 16, 16)] = zero16
                return 0
            lax.fori_loop(0, _NCH, zsh, 0)
            pltpu.sync_copy(comb_v, acc_sh)
        plsc.subcore_barrier()
        pltpu.sync_copy(outp2_v, acc_sh.at[zid_v], add=True)
        plsc.subcore_barrier()
        pltpu.sync_copy(acc_sh, comb_v)

    for _r in range(5):
        do_apply()

        def upd(c, _):
            sl = pl.ds(c * 16, 16)
            y_v[0, sl] = y_v[0, sl] - dvis_v[0, sl] * comb_v[0, sl]
            return 0
        lax.fori_loop(0, _NCH, upd, 0)
        plsc.subcore_barrier()

    do_apply()

    def rq(c, carry):
        num, den = carry
        sl = pl.ds(c * 16, 16)
        u = y_v[0, sl]
        w = u - dvis_v[0, sl] * comb_v[0, sl]
        return num + u * w, den + u * u
    zv = jnp.zeros((16,), jnp.float32)
    num, den = lax.fori_loop(0, _NCH, rq, (zv, zv))
    num = _ssum(num)
    den = _ssum(den)

    @pl.when(wid == 0)
    def _():
        lane = lax.broadcasted_iota(jnp.int32, (16,), 0)
        out16_v[...] = jnp.where(lane == 0, num,
                                 jnp.where(lane == 1, den, 0.0))
        pltpu.sync_copy(out16_v, out_hbm)
        pltpu.sync_copy(y_v, outu_hbm)


def _power_sc(idx16, vn16, dvis, v0n):
    mesh = plsc.VectorSubcoreMesh(core_axis_name="c", subcore_axis_name="s")
    kfn = functools.partial(
        pl.kernel, mesh=mesh,
        compiler_params=pltpu.CompilerParams(needs_layout_passes=False),
        out_type=[jax.ShapeDtypeStruct((16,), jnp.float32),
                  jax.ShapeDtypeStruct((1, N), jnp.float32)],
        scratch_types=[
            pltpu.VMEM((_EPW * TOPK,), jnp.int32),
            pltpu.VMEM((_EPW * TOPK,), jnp.float32),
            pltpu.VMEM((1, N), jnp.float32),
            pltpu.VMEM((N,), jnp.float32),
            pltpu.VMEM((N,), jnp.float32),
            pltpu.VMEM((1, N), jnp.float32),
            pltpu.VMEM((1, N), jnp.float32),
            pltpu.VMEM((1, N), jnp.float32),
            pltpu.VMEM((1,), jnp.int32),
            pltpu.VMEM((16,), jnp.float32),
            pltpu.VMEM_SHARED((1, N), jnp.float32),
        ],
    )(_power_sc_kernel)
    zid = jnp.zeros((1,), jnp.int32)
    out16, u = kfn(idx16.reshape(_E * TOPK), vn16.reshape(_E * TOPK),
                   dvis.reshape(1, N), v0n.reshape(1, N), zid)
    num = out16[0]
    den = out16[1]
    return jnp.maximum(num / den, 0.001), u


def _cheb_kernel(smat_ref, x_ref, fx_ref, dv_ref, lam_ref, th_ref,
                 rho_ref, pw_ref, pb_ref, o_ref):
    dv = dv_ref[...] + 1e-9
    dvis = (1.0 / jnp.sqrt(dv)).T
    smat = smat_ref[...]
    x = x_ref[...]

    def lapply(y):
        z = _dot3(smat, dvis * y)
        return y - dvis * z

    lam = lam_ref[0, 0]
    a = 2.0 / lam

    th0 = th_ref[0, :][None, :]
    th1 = th_ref[1, :][None, :]
    th2 = th_ref[2, :][None, :]
    t1 = a * lapply(x) - x
    out = x * th0 + t1 * th1
    t2 = 2.0 * (a * lapply(t1) - t1) - x
    out = out + t2 * th2
    h_spec = jnp.where(out > 0, out, jnp.exp(out) - 1.0)
    rho = rho_ref[0, 0]
    y = rho * h_spec + (1.0 - rho) * fx_ref[...]
    o_ref[...] = _dot3(y, pw_ref[...].T) + pb_ref[...][None, :]


def _cheb(Smat, X, FX, Dv, lam, theta, rho, proj_W, proj_b):
    return pl.pallas_call(
        _cheb_kernel,
        grid=(1,),
        in_specs=[
            pl.BlockSpec((N, N), lambda i: (0, 0)),
            pl.BlockSpec((N, D), lambda i: (0, 0)),
            pl.BlockSpec((N, D), lambda i: (0, 0)),
            pl.BlockSpec((1, N), lambda i: (0, 0)),
            pl.BlockSpec((1, 1), lambda i: (0, 0)),
            pl.BlockSpec((CHEB_T + 1, D), lambda i: (0, 0)),
            pl.BlockSpec((1, 1), lambda i: (0, 0)),
            pl.BlockSpec((OUT, D), lambda i: (0, 0)),
            pl.BlockSpec((OUT,), lambda i: (0,)),
        ],
        out_specs=pl.BlockSpec((N, OUT), lambda i: (0, 0)),
        out_shape=jax.ShapeDtypeStruct((N, OUT), jnp.float32),
    )(Smat, X, FX, Dv, lam, theta, rho, proj_W, proj_b)


def kernel(H_m, H_n, WQ, bQ, WK, bK, L_k, alpha, theta, rho_raw, proj_W, proj_b):
    X = _compute_x(H_m, H_n, WQ, bQ, WK, bK)
    w = jax.nn.softmax(alpha)
    R, R2, FX, Dv, idx16, vn16 = _fuse(X, L_k, w)
    Smat = _smat(R, R2)
    v0 = jax.random.normal(jax.random.key(1), (N, 1), jnp.float32)
    v0n = v0 / (jnp.linalg.norm(v0) + 1e-9)
    dvis = 1.0 / jnp.sqrt(Dv.reshape(N) + 1e-9)
    lam = _power_sc(idx16, vn16, dvis, v0n)[0].reshape(1, 1)
    rho = jax.nn.sigmoid(rho_raw).reshape(1, 1)
    out = _cheb(Smat, X, FX, Dv, lam, theta, rho, proj_W, proj_b)
    return out

# --- scband reference (transcript-rebuilt; emitter-appended) ---
"""Pipeline reference for scband-hyper-co-co-fusion-25933012533388 (READ-ONLY COPY).

The authoritative reference and input builder live on the scoring server;
editing this copy changes nothing except your own understanding.
"""

import math
import jax, jax.numpy as jnp
import numpy as np

N = 2048
D = 256
K = 4
TOPK = 16
CHEB_T = 2
OUT = 256


def setup_inputs(seed: int = 0) -> dict:
    key = jax.random.key(seed)
    ks = jax.random.split(key, 8)
    s = 0.02
    return {
        'H_m': jax.random.normal(ks[0], (N, D), jnp.float32),
        'H_n': jax.random.normal(ks[1], (N, D), jnp.float32),
        'WQ': jax.random.normal(ks[2], (D, D), jnp.float32) * s,
        'bQ': jnp.zeros((D,), jnp.float32),
        'WK': jax.random.normal(ks[3], (D, D), jnp.float32) * s,
        'bK': jnp.zeros((D,), jnp.float32),
        'L_k': jax.random.normal(ks[4], (K, D, D), jnp.float32) * s,
        'alpha': jnp.ones((K,), jnp.float32),
        'theta': jax.random.normal(ks[5], (CHEB_T + 1, D), jnp.float32) * s,
        'rho_raw': jnp.zeros((), jnp.float32),
        'proj_W': jax.random.normal(ks[6], (OUT, D), jnp.float32) * s,
        'proj_b': jnp.zeros((OUT,), jnp.float32),
    }


def _ln(x):
    mu = x.mean(-1, keepdims=True)
    v = ((x - mu) ** 2).mean(-1, keepdims=True)
    return (x - mu) / jnp.sqrt(v + 1e-5)


def _forward(H_m, H_n, WQ, bQ, WK, bK, L_k, alpha, theta, rho_raw, proj_W, proj_b):
    d = H_m.shape[-1]
    # CMSIPlus (cross_attention): NxN interaction matrix
    Q = _ln(H_m) @ WQ.T + bQ
    Kt = _ln(H_n) @ WK.T + bK
    A = jax.nn.softmax((Q @ Kt.T) / math.sqrt(d), axis=-1)
    # cross-modal fusion into shared node features
    X = A @ H_n + H_m
    n = X.shape[0]
    # HypergraphFusion: K bilinear row-stochastic kernels
    S = jnp.einsum('nd,kde,me->knm', X, L_k, X) / math.sqrt(d)
    H_stack = jax.nn.softmax(S / 1.0, axis=2)
    w = jax.nn.softmax(alpha)
    H_fused = (H_stack * w[:, None, None]).sum(0)
    # soft incidence via per-row top-k (scatter into N x K*N)
    vals, idx = jax.lax.top_k(H_stack, TOPK)
    vals = vals / (vals.sum(-1, keepdims=True) + 1e-9)
    E = K * n
    cols = jnp.broadcast_to((jnp.arange(K) * n)[:, None, None] + jnp.arange(n)[None, :, None], idx.shape)
    B = jnp.zeros((n, E), X.dtype).at[idx.reshape(-1), cols.reshape(-1)].set(vals.reshape(-1))
    W_e = jnp.ones((E,), X.dtype)
    # normalized hypergraph Laplacian
    De = B.sum(0) + 1e-9
    Dv = (B * W_e[None, :]).sum(1) + 1e-9
    dvis = 1.0 / jnp.sqrt(Dv)
    BWDe = B * (W_e / De)[None, :]
    Smat = BWDe @ B.T
    L = jnp.eye(n, dtype=X.dtype) - dvis[:, None] * Smat * dvis[None, :]
    # power iteration for lambda_max (on detached L)
    Ld = jax.lax.stop_gradient(L)
    v = jax.random.normal(jax.random.key(1), (n, 1), X.dtype)
    v = v / (jnp.linalg.norm(v) + 1e-9)
    for _ in range(5):
        v = Ld @ v
        v = v / (jnp.linalg.norm(v) + 1e-9)
    lam = jnp.maximum((v.T @ (Ld @ v)).squeeze(), 0.001)
    # Chebyshev filter
    L_t = (2.0 / lam) * L - jnp.eye(n, dtype=X.dtype)
    T0 = X
    out = T0 * theta[0][None, :]
    T1 = L_t @ X
    out = out + T1 * theta[1][None, :]
    for t in range(2, CHEB_T + 1):
        T2 = 2.0 * (L_t @ T1) - T0
        out = out + T2 * theta[t][None, :]
        T0, T1 = T1, T2
    H_spec = jax.nn.elu(out)
    # residual blend with kernel diffusion + projection
    rho = jax.nn.sigmoid(rho_raw)
    Y = rho * H_spec + (1.0 - rho) * (H_fused @ X)
    return Y @ proj_W.T + proj_b


def reference(H_m, H_n, WQ, bQ, WK, bK, L_k, alpha, theta, rho_raw, proj_W, proj_b):
    return _forward(H_m, H_n, WQ, bQ, WK, bK, L_k, alpha, theta, rho_raw, proj_W, proj_b)

if __name__ == "__main__":
    import jax
    _d = setup_inputs()
    print(jax.jit(kernel)(*tuple(_d.values())))

</pallas_src>

<mosaic_0001>
#map = affine_map<(d0, d1) -> (0)>
#map1 = affine_map<(d0, d1) -> (0, 0)>
module attributes {stable_mosaic.version = 14 : i64} {
  func.func @_power_sc_kernel(%arg0: i32, %arg1: i32, %arg2: memref<131072xi32, #tpu.memory_space<hbm>>, %arg3: memref<131072xf32, #tpu.memory_space<hbm>>, %arg4: memref<1x2048xf32, #tpu.memory_space<hbm>>, %arg5: memref<1x2048xf32, #tpu.memory_space<hbm>>, %arg6: memref<1xi32, #tpu.memory_space<hbm>>, %arg7: memref<16xf32, #tpu.memory_space<hbm>>, %arg8: memref<1x2048xf32, #tpu.memory_space<hbm>>, %arg9: memref<8192xi32, #tpu.memory_space<vmem>>, %arg10: memref<8192xf32, #tpu.memory_space<vmem>>, %arg11: memref<1x2048xf32, #tpu.memory_space<vmem>>, %arg12: memref<2048xf32, #tpu.memory_space<vmem>>, %arg13: memref<2048xf32, #tpu.memory_space<vmem>>, %arg14: memref<1x2048xf32, #tpu.memory_space<vmem>>, %arg15: memref<1x2048xf32, #tpu.memory_space<vmem>>, %arg16: memref<1x2048xf32, #tpu.memory_space<vmem>>, %arg17: memref<1xi32, #tpu.memory_space<vmem>>, %arg18: memref<16xf32, #tpu.memory_space<vmem>>, %arg19: memref<1x2048xf32, #tpu.memory_space<vmem_shared>>) attributes {dimension_semantics = [#tpu.dimension_semantics<core_parallel>, #tpu.dimension_semantics<subcore_parallel>], iteration_bounds = array<i64: 2, 16>, scalar_prefetch = 0 : i64, scratch_operands = 11 : i64, tpu.core_type = #tpu.core_type<sc_vector_subcore>, window_params = [{transform_indices = #map}, {transform_indices = #map}, {transform_indices = #map1}, {transform_indices = #map1}, {transform_indices = #map}, {transform_indices = #map}, {transform_indices = #map1}]} {
    %mul3A = arith.constant 16 : i32
    %mul3A_0 = arith.muli %arg0, %mul3A : i32
    %add3A = arith.addi %arg1, %mul3A_0 : i32
    %mul3A_1 = arith.constant 512 : i32
    %mul3A_2 = arith.muli %arg1, %mul3A_1 : i32
    %broadcast_in_dim3A = arith.constant 0.000000e+00 : f32
    %broadcast_in_dim3A_3 = vector.broadcast %broadcast_in_dim3A : f32 to vector<16xf32>
    %broadcast_in_dim3A_4 = arith.constant 0 : i32
    %broadcast_in_dim3A_5 = vector.broadcast %broadcast_in_dim3A_4 : i32 to vector<16xi32>
    %mul3A_6 = arith.constant 16 : i32
    %mul3A_7 = arith.muli %mul3A_2, %mul3A_6 : i32
    "tpu.region"() ({
      %run_scoped3A = tpu.sem_alloc : memref<!tpu.dma_semaphore, #tpu.memory_space<semaphore_mem>>
      %dma_start3A = tpu.memref_slice %arg2[%mul3A_7] : memref<131072xi32, #tpu.memory_space<hbm>> -> memref<8192xi32, #tpu.memory_space<hbm>>
      %dma_start3A_359 = tpu.memref_slice %arg2[%mul3A_7] : memref<131072xi32, #tpu.memory_space<hbm>> -> memref<8192xi32, #tpu.memory_space<hbm>>
      tpu.enqueue_dma source(%dma_start3A_359 : memref<8192xi32, #tpu.memory_space<hbm>>) target(%arg9 : memref<8192xi32, #tpu.memory_space<vmem>>) target_semaphore(%run_scoped3A : memref<!tpu.dma_semaphore, #tpu.memory_space<semaphore_mem>>)
      %dma_wait3A = tpu.memref_slice %arg2[%mul3A_7] : memref<131072xi32, #tpu.memory_space<hbm>> -> memref<8192xi32, #tpu.memory_space<hbm>>
      %dma_wait3A_360 = tpu.memref_slice %arg2[%mul3A_7] : memref<131072xi32, #tpu.memory_space<hbm>> -> memref<8192xi32, #tpu.memory_space<hbm>>
      tpu.wait_dma2 semaphore(%run_scoped3A : memref<!tpu.dma_semaphore, #tpu.memory_space<semaphore_mem>>) src(%dma_wait3A_360 : memref<8192xi32, #tpu.memory_space<hbm>>) dst(%arg9 : memref<8192xi32, #tpu.memory_space<vmem>>)
      tpu.yield
    }) : () -> ()
    %mul3A_8 = arith.constant 16 : i32
    %mul3A_9 = arith.muli %mul3A_2, %mul3A_8 : i32
    "tpu.region"() ({
      %run_scoped3A = tpu.sem_alloc : memref<!tpu.dma_semaphore, #tpu.memory_space<semaphore_mem>>
      %dma_start3A = tpu.memref_slice %arg3[%mul3A_9] : memref<131072xf32, #tpu.memory_space<hbm>> -> memref<8192xf32, #tpu.memory_space<hbm>>
      %dma_start3A_359 = tpu.memref_slice %arg3[%mul3A_9] : memref<131072xf32, #tpu.memory_space<hbm>> -> memref<8192xf32, #tpu.memory_space<hbm>>
      tpu.enqueue_dma source(%dma_start3A_359 : memref<8192xf32, #tpu.memory_space<hbm>>) target(%arg10 : memref<8192xf32, #tpu.memory_space<vmem>>) target_semaphore(%run_scoped3A : memref<!tpu.dma_semaphore, #tpu.memory_space<semaphore_mem>>)
      %dma_wait3A = tpu.memref_slice %arg3[%mul3A_9] : memref<131072xf32, #tpu.memory_space<hbm>> -> memref<8192xf32, #tpu.memory_space<hbm>>
      %dma_wait3A_360 = tpu.memref_slice %arg3[%mul3A_9] : memref<131072xf32, #tpu.memory_space<hbm>> -> memref<8192xf32, #tpu.memory_space<hbm>>
      tpu.wait_dma2 semaphore(%run_scoped3A : memref<!tpu.dma_semaphore, #tpu.memory_space<semaphore_mem>>) src(%dma_wait3A_360 : memref<8192xf32, #tpu.memory_space<hbm>>) dst(%arg10 : memref<8192xf32, #tpu.memory_space<vmem>>)
      tpu.yield
    }) : () -> ()
    "tpu.region"() ({
      %run_scoped3A = tpu.sem_alloc : memref<!tpu.dma_semaphore, #tpu.memory_space<semaphore_mem>>
      tpu.enqueue_dma source(%arg4 : memref<1x2048xf32, #tpu.memory_space<hbm>>) target(%arg15 : memref<1x2048xf32, #tpu.memory_space<vmem>>) target_semaphore(%run_scoped3A : memref<!tpu.dma_semaphore, #tpu.memory_space<semaphore_mem>>)
      tpu.wait_dma2 semaphore(%run_scoped3A : memref<!tpu.dma_semaphore, #tpu.memory_space<semaphore_mem>>) src(%arg4 : memref<1x2048xf32, #tpu.memory_space<hbm>>) dst(%arg15 : memref<1x2048xf32, #tpu.memory_space<vmem>>)
      tpu.yield
    }) : () -> ()
    "tpu.region"() ({
      %run_scoped3A = tpu.sem_alloc : memref<!tpu.dma_semaphore, #tpu.memory_space<semaphore_mem>>
      tpu.enqueue_dma source(%arg5 : memref<1x2048xf32, #tpu.memory_space<hbm>>) target(%arg11 : memref<1x2048xf32, #tpu.memory_space<vmem>>) target_semaphore(%run_scoped3A : memref<!tpu.dma_semaphore, #tpu.memory_space<semaphore_mem>>)
      tpu.wait_dma2 semaphore(%run_scoped3A : memref<!tpu.dma_semaphore, #tpu.memory_space<semaphore_mem>>) src(%arg5 : memref<1x2048xf32, #tpu.memory_space<hbm>>) dst(%arg11 : memref<1x2048xf32, #tpu.memory_space<vmem>>)
      tpu.yield
    }) : () -> ()
    "tpu.region"() ({
      %run_scoped3A = tpu.sem_alloc : memref<!tpu.dma_semaphore, #tpu.memory_space<semaphore_mem>>
      tpu.enqueue_dma source(%arg6 : memref<1xi32, #tpu.memory_space<hbm>>) target(%arg17 : memref<1xi32, #tpu.memory_space<vmem>>) target_semaphore(%run_scoped3A : memref<!tpu.dma_semaphore, #tpu.memory_space<semaphore_mem>>)
      tpu.wait_dma2 semaphore(%run_scoped3A : memref<!tpu.dma_semaphore, #tpu.memory_space<semaphore_mem>>) src(%arg6 : memref<1xi32, #tpu.memory_space<hbm>>) dst(%arg17 : memref<1xi32, #tpu.memory_space<vmem>>)
      tpu.yield
    }) : () -> ()
    %scan3A = arith.constant 0 : i32
    %scan3A_10 = arith.constant 0 : i32
    %scan3A_11 = arith.constant 128 : i32
    %scan3A_12 = arith.addi %scan3A_10, %scan3A_11 : i32
    %scan3A_13 = arith.constant 1 : i32
    %scan3A_14 = scf.for %scan3A_359 = %scan3A_10 to %scan3A_12 step %scan3A_13 iter_args(%scan3A_360 = %scan3A) -> (i32)  : i32 {
      %mul3A_361 = arith.constant 16 : i32
      %mul3A_362 = arith.muli %scan3A_359, %mul3A_361 : i32
      %get3A = arith.constant 0 : i32
      %get3A_363 = arith.index_cast %get3A : i32 to index
      %get3A_364 = arith.index_cast %mul3A_362 : i32 to index
      %get3A_365 = tpu.vector_load %arg15[%get3A_363, %get3A_364] {strides = array<i32>} : memref<1x2048xf32, #tpu.memory_space<vmem>>, vector<16xf32>,
      %get3A_366 = arith.constant 0 : i32
      %get3A_367 = arith.index_cast %get3A_366 : i32 to index
      %get3A_368 = arith.index_cast %mul3A_362 : i32 to index
      %get3A_369 = tpu.vector_load %arg11[%get3A_367, %get3A_368] {strides = array<i32>} : memref<1x2048xf32, #tpu.memory_space<vmem>>, vector<16xf32>,
      %mul3A_370 = arith.mulf %get3A_365, %get3A_369 : vector<16xf32>
      %swap3A = arith.index_cast %mul3A_362 : i32 to index
      %swap3A_371 = tpu.vector_load %arg12[%swap3A] {strides = array<i32>} : memref<2048xf32, #tpu.memory_space<vmem>>, vector<16xf32>,
      tpu.vector_store %arg12[%swap3A], %mul3A_370 {strides = array<i32>} : memref<2048xf32, #tpu.memory_space<vmem>>, vector<16xf32>,
      %swap3A_372 = arith.index_cast %mul3A_362 : i32 to index
      %swap3A_373 = tpu.vector_load %arg13[%swap3A_372] {strides = array<i32>} : memref<2048xf32, #tpu.memory_space<vmem>>, vector<16xf32>,
      tpu.vector_store %arg13[%swap3A_372], %broadcast_in_dim3A_3 {strides = array<i32>} : memref<2048xf32, #tpu.memory_space<vmem>>, vector<16xf32>,
      %scan3A_374 = arith.constant 0 : i32
      scf.yield %scan3A_374 : i32
    }
    %scan3A_15 = arith.constant 128 : i32
    %scan3A_16 = arith.constant 0 : i32
    %scan3A_17 = arith.constant 0 : i32
    %scan3A_18 = arith.constant 512 : i32
    %scan3A_19 = arith.addi %scan3A_17, %scan3A_18 : i32
    %scan3A_20 = arith.constant 1 : i32
    %scan3A_21 = scf.for %scan3A_359 = %scan3A_17 to %scan3A_19 step %scan3A_20 iter_args(%scan3A_360 = %scan3A_16) -> (i32)  : i32 {
      %mul3A_361 = arith.constant 16 : i32
      %mul3A_362 = arith.muli %scan3A_359, %mul3A_361 : i32
      %get3A = arith.index_cast %mul3A_362 : i32 to index
      %get3A_363 = tpu.vector_load %arg9[%get3A] {strides = array<i32>} : memref<8192xi32, #tpu.memory_space<vmem>>, vector<16xi32>,
      %get3A_364 = arith.index_cast %mul3A_362 : i32 to index
      %get3A_365 = tpu.vector_load %arg10[%get3A_364] {strides = array<i32>} : memref<8192xf32, #tpu.memory_space<vmem>>, vector<16xf32>,
      %gather3A_366 = tpu.vector_load_idx %arg12[%get3A_363] : memref<2048xf32, #tpu.memory_space<vmem>>[vector<16xi32>], vector<16xf32>,
      %mul3A_367 = arith.mulf %get3A_365, %gather3A_366 : vector<16xf32>
      %iota3A_368 = tpu.iota {dimensions = array<i32: 0>} : vector<16xi32>
      %add3A_369 = arith.constant 8 : i32
      %add3A_370 = vector.broadcast %add3A_369 : i32 to vector<16xi32>
      %add3A_371 = arith.addi %iota3A_368, %add3A_370 : vector<16xi32>
      %and3A_372 = arith.constant 15 : i32
      %and3A_373 = vector.broadcast %and3A_372 : i32 to vector<16xi32>
      %and3A_374 = arith.andi %add3A_371, %and3A_373 : vector<16xi32>
      %lt3A_375 = arith.constant 0 : i32
      %lt3A_376 = vector.broadcast %lt3A_375 : i32 to vector<16xi32>
      %lt3A_377 = arith.cmpi slt, %and3A_374, %lt3A_376 : vector<16xi32>
      %add3A_378 = arith.constant 16 : i32
      %add3A_379 = vector.broadcast %add3A_378 : i32 to vector<16xi32>
      %add3A_380 = arith.addi %and3A_374, %add3A_379 : vector<16xi32>
      %select_n3A_381 = arith.select %lt3A_377, %add3A_380, %and3A_374 : vector<16xi1>, vector<16xi32>
      %broadcast_in_dim3A_382 = vector.shape_cast %select_n3A_381 : vector<16xi32> to vector<16x1xi32>
      %gather3A_383 = vector.shape_cast %broadcast_in_dim3A_382 : vector<16x1xi32> to vector<16xi32>
      %gather3A_384 = tpu.dynamic_gather %mul3A_367[%gather3A_383] in [0] : vector<16xf32>, vector<16xi32> -> vector<16xf32>
      %add3A_385 = arith.addf %mul3A_367, %gather3A_384 : vector<16xf32>
      %add3A_386 = arith.constant 4 : i32
      %add3A_387 = vector.broadcast %add3A_386 : i32 to vector<16xi32>
      %add3A_388 = arith.addi %iota3A_368, %add3A_387 : vector<16xi32>
      %and3A_389 = arith.constant 15 : i32
      %and3A_390 = vector.broadcast %and3A_389 : i32 to vector<16xi32>
      %and3A_391 = arith.andi %add3A_388, %and3A_390 : vector<16xi32>
      %lt3A_392 = arith.constant 0 : i32
      %lt3A_393 = vector.broadcast %lt3A_392 : i32 to vector<16xi32>
      %lt3A_394 = arith.cmpi slt, %and3A_391, %lt3A_393 : vector<16xi32>
      %add3A_395 = arith.constant 16 : i32
      %add3A_396 = vector.broadcast %add3A_395 : i32 to vector<16xi32>
      %add3A_397 = arith.addi %and3A_391, %add3A_396 : vector<16xi32>
      %select_n3A_398 = arith.select %lt3A_394, %add3A_397, %and3A_391 : vector<16xi1>, vector<16xi32>
      %broadcast_in_dim3A_399 = vector.shape_cast %select_n3A_398 : vector<16xi32> to vector<16x1xi32>
      %gather3A_400 = vector.shape_cast %broadcast_in_dim3A_399 : vector<16x1xi32> to vector<16xi32>
      %gather3A_401 = tpu.dynamic_gather %add3A_385[%gather3A_400] in [0] : vector<16xf32>, vector<16xi32> -> vector<16xf32>
      %add3A_402 = arith.addf %add3A_385, %gather3A_401 : vector<16xf32>
      %add3A_403 = arith.constant 2 : i32
      %add3A_404 = vector.broadcast %add3A_403 : i32 to vector<16xi32>
      %add3A_405 = arith.addi %iota3A_368, %add3A_404 : vector<16xi32>
      %and3A_406 = arith.constant 15 : i32
      %and3A_407 = vector.broadcast %and3A_406 : i32 to vector<16xi32>
      %and3A_408 = arith.andi %add3A_405, %and3A_407 : vector<16xi32>
      %lt3A_409 = arith.constant 0 : i32
      %lt3A_410 = vector.broadcast %lt3A_409 : i32 to vector<16xi32>
      %lt3A_411 = arith.cmpi slt, %and3A_408, %lt3A_410 : vector<16xi32>
      %add3A_412 = arith.constant 16 : i32
      %add3A_413 = vector.broadcast %add3A_412 : i32 to vector<16xi32>
      %add3A_414 = arith.addi %and3A_408, %add3A_413 : vector<16xi32>
      %select_n3A_415 = arith.select %lt3A_411, %add3A_414, %and3A_408 : vector<16xi1>, vector<16xi32>
      %broadcast_in_dim3A_416 = vector.shape_cast %select_n3A_415 : vector<16xi32> to vector<16x1xi32>
      %gather3A_417 = vector.shape_cast %broadcast_in_dim3A_416 : vector<16x1xi32> to vector<16xi32>
      %gather3A_418 = tpu.dynamic_gather %add3A_402[%gather3A_417] in [0] : vector<16xf32>, vector<16xi32> -> vector<16xf32>
      %add3A_419 = arith.addf %add3A_402, %gather3A_418 : vector<16xf32>
      %add3A_420 = arith.constant 1 : i32
      %add3A_421 = vector.broadcast %add3A_420 : i32 to vector<16xi32>
      %add3A_422 = arith.addi %iota3A_368, %add3A_421 : vector<16xi32>
      %and3A_423 = arith.constant 15 : i32
      %and3A_424 = vector.broadcast %and3A_423 : i32 to vector<16xi32>
      %and3A_425 = arith.andi %add3A_422, %and3A_424 : vector<16xi32>
      %lt3A_426 = arith.constant 0 : i32
      %lt3A_427 = vector.broadcast %lt3A_426 : i32 to vector<16xi32>
      %lt3A_428 = arith.cmpi slt, %and3A_425, %lt3A_427 : vector<16xi32>
      %add3A_429 = arith.constant 16 : i32
      %add3A_430 = vector.broadcast %add3A_429 : i32 to vector<16xi32>
      %add3A_431 = arith.addi %and3A_425, %add3A_430 : vector<16xi32>
      %select_n3A_432 = arith.select %lt3A_428, %add3A_431, %and3A_425 : vector<16xi1>, vector<16xi32>
      %broadcast_in_dim3A_433 = vector.shape_cast %select_n3A_432 : vector<16xi32> to vector<16x1xi32>
      %gather3A_434 = vector.shape_cast %broadcast_in_dim3A_433 : vector<16x1xi32> to vector<16xi32>
      %gather3A_435 = tpu.dynamic_gather %add3A_419[%gather3A_434] in [0] : vector<16xf32>, vector<16xi32> -> vector<16xf32>
      %add3A_436 = arith.addf %add3A_419, %gather3A_435 : vector<16xf32>
      %iota3A_437 = tpu.iota {dimensions = array<i32: 0>} : vector<16xi32>
      %add3A_438 = arith.constant 8 : i32
      %add3A_439 = vector.broadcast %add3A_438 : i32 to vector<16xi32>
      %add3A_440 = arith.addi %iota3A_437, %add3A_439 : vector<16xi32>
      %and3A_441 = arith.constant 15 : i32
      %and3A_442 = vector.broadcast %and3A_441 : i32 to vector<16xi32>
      %and3A_443 = arith.andi %add3A_440, %and3A_442 : vector<16xi32>
      %lt3A_444 = arith.constant 0 : i32
      %lt3A_445 = vector.broadcast %lt3A_444 : i32 to vector<16xi32>
      %lt3A_446 = arith.cmpi slt, %and3A_443, %lt3A_445 : vector<16xi32>
      %add3A_447 = arith.constant 16 : i32
      %add3A_448 = vector.broadcast %add3A_447 : i32 to vector<16xi32>
      %add3A_449 = arith.addi %and3A_443, %add3A_448 : vector<16xi32>
      %select_n3A_450 = arith.select %lt3A_446, %add3A_449, %and3A_443 : vector<16xi1>, vector<16xi32>
      %broadcast_in_dim3A_451 = vector.shape_cast %select_n3A_450 : vector<16xi32> to vector<16x1xi32>
      %gather3A_452 = vector.shape_cast %broadcast_in_dim3A_451 : vector<16x1xi32> to vector<16xi32>
      %gather3A_453 = tpu.dynamic_gather %get3A_365[%gather3A_452] in [0] : vector<16xf32>, vector<16xi32> -> vector<16xf32>
      %add3A_454 = arith.addf %get3A_365, %gather3A_453 : vector<16xf32>
      %add3A_455 = arith.constant 4 : i32
      %add3A_456 = vector.broadcast %add3A_455 : i32 to vector<16xi32>
      %add3A_457 = arith.addi %iota3A_437, %add3A_456 : vector<16xi32>
      %and3A_458 = arith.constant 15 : i32
      %and3A_459 = vector.broadcast %and3A_458 : i32 to vector<16xi32>
      %and3A_460 = arith.andi %add3A_457, %and3A_459 : vector<16xi32>
      %lt3A_461 = arith.constant 0 : i32
      %lt3A_462 = vector.broadcast %lt3A_461 : i32 to vector<16xi32>
      %lt3A_463 = arith.cmpi slt, %and3A_460, %lt3A_462 : vector<16xi32>
      %add3A_464 = arith.constant 16 : i32
      %add3A_465 = vector.broadcast %add3A_464 : i32 to vector<16xi32>
      %add3A_466 = arith.addi %and3A_460, %add3A_465 : vector<16xi32>
      %select_n3A_467 = arith.select %lt3A_463, %add3A_466, %and3A_460 : vector<16xi1>, vector<16xi32>
      %broadcast_in_dim3A_468 = vector.shape_cast %select_n3A_467 : vector<16xi32> to vector<16x1xi32>
      %gather3A_469 = vector.shape_cast %broadcast_in_dim3A_468 : vector<16x1xi32> to vector<16xi32>
      %gather3A_470 = tpu.dynamic_gather %add3A_454[%gather3A_469] in [0] : vector<16xf32>, vector<16xi32> -> vector<16xf32>
      %add3A_471 = arith.addf %add3A_454, %gather3A_470 : vector<16xf32>
      %add3A_472 = arith.constant 2 : i32
      %add3A_473 = vector.broadcast %add3A_472 : i32 to vector<16xi32>
      %add3A_474 = arith.addi %iota3A_437, %add3A_473 : vector<16xi32>
      %and3A_475 = arith.constant 15 : i32
      %and3A_476 = vector.broadcast %and3A_475 : i32 to vector<16xi32>
      %and3A_477 = arith.andi %add3A_474, %and3A_476 : vector<16xi32>
      %lt3A_478 = arith.constant 0 : i32
      %lt3A_479 = vector.broadcast %lt3A_478 : i32 to vector<16xi32>
      %lt3A_480 = arith.cmpi slt, %and3A_477, %lt3A_479 : vector<16xi32>
      %add3A_481 = arith.constant 16 : i32
      %add3A_482 = vector.broadcast %add3A_481 : i32 to vector<16xi32>
      %add3A_483 = arith.addi %and3A_477, %add3A_482 : vector<16xi32>
      %select_n3A_484 = arith.select %lt3A_480, %add3A_483, %and3A_477 : vector<16xi1>, vector<16xi32>
      %broadcast_in_dim3A_485 = vector.shape_cast %select_n3A_484 : vector<16xi32> to vector<16x1xi32>
      %gather3A_486 = vector.shape_cast %broadcast_in_dim3A_485 : vector<16x1xi32> to vector<16xi32>
      %gather3A_487 = tpu.dynamic_gather %add3A_471[%gather3A_486] in [0] : vector<16xf32>, vector<16xi32> -> vector<16xf32>
      %add3A_488 = arith.addf %add3A_471, %gather3A_487 : vector<16xf32>
      %add3A_489 = arith.constant 1 : i32
      %add3A_490 = vector.broadcast %add3A_489 : i32 to vector<16xi32>
      %add3A_491 = arith.addi %iota3A_437, %add3A_490 : vector<16xi32>
      %and3A_492 = arith.constant 15 : i32
      %and3A_493 = vector.broadcast %and3A_492 : i32 to vector<16xi32>
      %and3A_494 = arith.andi %add3A_491, %and3A_493 : vector<16xi32>
      %lt3A_495 = arith.constant 0 : i32
      %lt3A_496 = vector.broadcast %lt3A_495 : i32 to vector<16xi32>
      %lt3A_497 = arith.cmpi slt, %and3A_494, %lt3A_496 : vector<16xi32>
      %add3A_498 = arith.constant 16 : i32
      %add3A_499 = vector.broadcast %add3A_498 : i32 to vector<16xi32>
      %add3A_500 = arith.addi %and3A_494, %add3A_499 : vector<16xi32>
      %select_n3A_501 = arith.select %lt3A_497, %add3A_500, %and3A_494 : vector<16xi1>, vector<16xi32>
      %broadcast_in_dim3A_502 = vector.shape_cast %select_n3A_501 : vector<16xi32> to vector<16x1xi32>
      %gather3A_503 = vector.shape_cast %broadcast_in_dim3A_502 : vector<16x1xi32> to vector<16xi32>
      %gather3A_504 = tpu.dynamic_gather %add3A_488[%gather3A_503] in [0] : vector<16xf32>, vector<16xi32> -> vector<16xf32>
      %add3A_505 = arith.addf %add3A_488, %gather3A_504 : vector<16xf32>
      %add3A_506 = arith.constant 9.99999971E-10 : f32
      %add3A_507 = vector.broadcast %add3A_506 : f32 to vector<16xf32>
      %add3A_508 = arith.addf %add3A_505, %add3A_507 : vector<16xf32>
      %div3A = arith.divf %get3A_365, %add3A_508 : vector<16xf32>
      %mul3A_509 = arith.mulf %div3A, %add3A_436 : vector<16xf32>
      tpu.vector_store_idx %arg13[%get3A_363], %mul3A_509 {add = true} : memref<2048xf32, #tpu.memory_space<vmem>>[vector<16xi32>], vector<16xf32>,
      %scan3A_510 = arith.constant 0 : i32
      scf.yield %scan3A_510 : i32
    }
    %scan3A_22 = arith.constant 512 : i32
    %scan3A_23 = arith.constant 0 : i32
    %scan3A_24 = arith.constant 0 : i32
    %scan3A_25 = arith.constant 128 : i32
    %scan3A_26 = arith.addi %scan3A_24, %scan3A_25 : i32
    %scan3A_27 = arith.constant 1 : i32
    %scan3A_28 = scf.for %scan3A_359 = %scan3A_24 to %scan3A_26 step %scan3A_27 iter_args(%scan3A_360 = %scan3A_23) -> (i32)  : i32 {
      %mul3A_361 = arith.constant 16 : i32
      %mul3A_362 = arith.muli %scan3A_359, %mul3A_361 : i32
      %get3A = arith.index_cast %mul3A_362 : i32 to index
      %get3A_363 = tpu.vector_load %arg13[%get3A] {strides = array<i32>} : memref<2048xf32, #tpu.memory_space<vmem>>, vector<16xf32>,
      %swap3A = arith.constant 0 : i32
      %swap3A_364 = arith.index_cast %swap3A : i32 to index
      %swap3A_365 = arith.index_cast %mul3A_362 : i32 to index
      %swap3A_366 = tpu.vector_load %arg14[%swap3A_364, %swap3A_365] {strides = array<i32>} : memref<1x2048xf32, #tpu.memory_space<vmem>>, vector<16xf32>,
      tpu.vector_store %arg14[%swap3A_364, %swap3A_365], %get3A_363 {strides = array<i32>} : memref<1x2048xf32, #tpu.memory_space<vmem>>, vector<16xf32>,
      %scan3A_367 = arith.constant 0 : i32
      scf.yield %scan3A_367 : i32
    }
    %scan3A_29 = arith.constant 128 : i32
    %eq3A = arith.constant 0 : i32
    %eq3A_30 = arith.cmpi eq, %arg1, %eq3A : i32
    %convert_element_type3A = arith.extui %eq3A_30 : i1 to i32
    %cond3A = arith.constant 0 : i32
    %cond3A_31 = arith.cmpi ne, %convert_element_type3A, %cond3A : i32
    scf.if %cond3A_31 {
      %scan3A_359 = arith.constant 0 : i32
      %scan3A_360 = arith.constant 0 : i32
      %scan3A_361 = arith.constant 128 : i32
      %scan3A_362 = arith.addi %scan3A_360, %scan3A_361 : i32
      %scan3A_363 = arith.constant 1 : i32
      %scan3A_364 = scf.for %scan3A_366 = %scan3A_360 to %scan3A_362 step %scan3A_363 iter_args(%scan3A_367 = %scan3A_359) -> (i32)  : i32 {
        %mul3A_368 = arith.constant 16 : i32
        %mul3A_369 = arith.muli %scan3A_366, %mul3A_368 : i32
        %swap3A = arith.constant 0 : i32
        %swap3A_370 = arith.index_cast %swap3A : i32 to index
        %swap3A_371 = arith.index_cast %mul3A_369 : i32 to index
        %swap3A_372 = tpu.vector_load %arg16[%swap3A_370, %swap3A_371] {strides = array<i32>} : memref<1x2048xf32, #tpu.memory_space<vmem>>, vector<16xf32>,
        tpu.vector_store %arg16[%swap3A_370, %swap3A_371], %broadcast_in_dim3A_3 {strides = array<i32>} : memref<1x2048xf32, #tpu.memory_space<vmem>>, vector<16xf32>,
        %scan3A_373 = arith.constant 0 : i32
        scf.yield %scan3A_373 : i32
      }
      %scan3A_365 = arith.constant 128 : i32
      "tpu.region"() ({
        %run_scoped3A = tpu.sem_alloc : memref<!tpu.dma_semaphore, #tpu.memory_space<semaphore_mem>>
        tpu.enqueue_dma source(%arg16 : memref<1x2048xf32, #tpu.memory_space<vmem>>) target(%arg19 : memref<1x2048xf32, #tpu.memory_space<vmem_shared>>) target_semaphore(%run_scoped3A : memref<!tpu.dma_semaphore, #tpu.memory_space<semaphore_mem>>)
        tpu.wait_dma2 semaphore(%run_scoped3A : memref<!tpu.dma_semaphore, #tpu.memory_space<semaphore_mem>>) src(%arg16 : memref<1x2048xf32, #tpu.memory_space<vmem>>) dst(%arg19 : memref<1x2048xf32, #tpu.memory_space<vmem_shared>>)
        tpu.yield
      }) : () -> ()
    } else {
    }
    %barrier3A = arith.constant 0 : index
    tpu.barrier barrier_id(%barrier3A)
    "tpu.region"() ({
      %run_scoped3A = tpu.sem_alloc : memref<!tpu.dma_semaphore, #tpu.memory_space<semaphore_mem>>
      %dma_start3A = arith.constant 0 : i32
      %dma_start3A_359 = arith.constant 0 : i32
      %dma_start3A_360 = tpu.memref_slice %arg19[%dma_start3A, %dma_start3A_359] : memref<1x2048xf32, #tpu.memory_space<vmem_shared>> -> memref<1x2048xf32, #tpu.memory_space<vmem_shared>>
      tpu.enqueue_indirect_dma source(%arg14 : memref<1x2048xf32, #tpu.memory_space<vmem>>) target(%dma_start3A_360 : memref<1x2048xf32, #tpu.memory_space<vmem_shared>>) offsets(%arg17 : memref<1xi32, #tpu.memory_space<vmem>>) semaphore(%run_scoped3A : memref<!tpu.dma_semaphore, #tpu.memory_space<semaphore_mem>>) {add = true}
      %dma_wait3A = arith.constant 0 : i32
      %dma_wait3A_361 = arith.constant 0 : i32
      %dma_wait3A_362 = tpu.memref_slice %arg19[%dma_wait3A, %dma_wait3A_361] : memref<1x2048xf32, #tpu.memory_space<vmem_shared>> -> memref<1x2048xf32, #tpu.memory_space<vmem_shared>>
      tpu.wait_indirect_dma semaphore(%run_scoped3A : memref<!tpu.dma_semaphore, #tpu.memory_space<semaphore_mem>>) src(%arg14 : memref<1x2048xf32, #tpu.memory_space<vmem>>) dst(%dma_wait3A_362 : memref<1x2048xf32, #tpu.memory_space<vmem_shared>>)
      tpu.yield
    }) : () -> ()
    %barrier3A_32 = arith.constant 0 : index
    tpu.barrier barrier_id(%barrier3A_32)
    "tpu.region"() ({
      %run_scoped3A = tpu.sem_alloc : memref<!tpu.dma_semaphore, #tpu.memory_space<semaphore_mem>>
      tpu.enqueue_dma source(%arg19 : memref<1x2048xf32, #tpu.memory_space<vmem_shared>>) target(%arg16 : memref<1x2048xf32, #tpu.memory_space<vmem>>) target_semaphore(%run_scoped3A : memref<!tpu.dma_semaphore, #tpu.memory_space<semaphore_mem>>)
      tpu.wait_dma2 semaphore(%run_scoped3A : memref<!tpu.dma_semaphore, #tpu.memory_space<semaphore_mem>>) src(%arg19 : memref<1x2048xf32, #tpu.memory_space<vmem_shared>>) dst(%arg16 : memref<1x2048xf32, #tpu.memory_space<vmem>>)
      tpu.yield
    }) : () -> ()
    %scan3A_33 = arith.constant 0 : i32
    %scan3A_34 = arith.constant 0 : i32
    %scan3A_35 = arith.constant 128 : i32
    %scan3A_36 = arith.addi %scan3A_34, %scan3A_35 : i32
    %scan3A_37 = arith.constant 1 : i32
    %scan3A_38 = scf.for %scan3A_359 = %scan3A_34 to %scan3A_36 step %scan3A_37 iter_args(%scan3A_360 = %scan3A_33) -> (i32)  : i32 {
      %mul3A_361 = arith.constant 16 : i32
      %mul3A_362 = arith.muli %scan3A_359, %mul3A_361 : i32
      %get3A = arith.constant 0 : i32
      %get3A_363 = arith.index_cast %get3A : i32 to index
      %get3A_364 = arith.index_cast %mul3A_362 : i32 to index
      %get3A_365 = tpu.vector_load %arg11[%get3A_363, %get3A_364] {strides = array<i32>} : memref<1x2048xf32, #tpu.memory_space<vmem>>, vector<16xf32>,
      %get3A_366 = arith.constant 0 : i32
      %get3A_367 = arith.index_cast %get3A_366 : i32 to index
      %get3A_368 = arith.index_cast %mul3A_362 : i32 to index
      %get3A_369 = tpu.vector_load %arg15[%get3A_367, %get3A_368] {strides = array<i32>} : memref<1x2048xf32, #tpu.memory_space<vmem>>, vector<16xf32>,
      %get3A_370 = arith.constant 0 : i32
      %get3A_371 = arith.index_cast %get3A_370 : i32 to index
      %get3A_372 = arith.index_cast %mul3A_362 : i32 to index
      %get3A_373 = tpu.vector_load %arg16[%get3A_371, %get3A_372] {strides = array<i32>} : memref<1x2048xf32, #tpu.memory_space<vmem>>, vector<16xf32>,
      %mul3A_374 = arith.mulf %get3A_369, %get3A_373 : vector<16xf32>
      %sub3A = arith.subf %get3A_365, %mul3A_374 : vector<16xf32>
      %swap3A = arith.constant 0 : i32
      %swap3A_375 = arith.index_cast %swap3A : i32 to index
      %swap3A_376 = arith.index_cast %mul3A_362 : i32 to index
      %swap3A_377 = tpu.vector_load %arg11[%swap3A_375, %swap3A_376] {strides = array<i32>} : memref<1x2048xf32, #tpu.memory_space<vmem>>, vector<16xf32>,
      tpu.vector_store %arg11[%swap3A_375, %swap3A_376], %sub3A {strides = array<i32>} : memref<1x2048xf32, #tpu.memory_space<vmem>>, vector<16xf32>,
      %scan3A_378 = arith.constant 0 : i32
      scf.yield %scan3A_378 : i32
    }
    %scan3A_39 = arith.constant 128 : i32
    %barrier3A_40 = arith.constant 0 : index
    tpu.barrier barrier_id(%barrier3A_40)
    %scan3A_41 = arith.constant 0 : i32
    %scan3A_42 = arith.constant 0 : i32
    %scan3A_43 = arith.constant 128 : i32
    %scan3A_44 = arith.addi %scan3A_42, %scan3A_43 : i32
    %scan3A_45 = arith.constant 1 : i32
    %scan3A_46 = scf.for %scan3A_359 = %scan3A_42 to %scan3A_44 step %scan3A_45 iter_args(%scan3A_360 = %scan3A_41) -> (i32)  : i32 {
      %mul3A_361 = arith.constant 16 : i32
      %mul3A_362 = arith.muli %scan3A_359, %mul3A_361 : i32
      %get3A = arith.constant 0 : i32
      %get3A_363 = arith.index_cast %get3A : i32 to index
      %get3A_364 = arith.index_cast %mul3A_362 : i32 to index
      %get3A_365 = tpu.vector_load %arg15[%get3A_363, %get3A_364] {strides = array<i32>} : memref<1x2048xf32, #tpu.memory_space<vmem>>, vector<16xf32>,
      %get3A_366 = arith.constant 0 : i32
      %get3A_367 = arith.index_cast %get3A_366 : i32 to index
      %get3A_368 = arith.index_cast %mul3A_362 : i32 to index
      %get3A_369 = tpu.vector_load %arg11[%get3A_367, %get3A_368] {strides = array<i32>} : memref<1x2048xf32, #tpu.memory_space<vmem>>, vector<16xf32>,
      %mul3A_370 = arith.mulf %get3A_365, %get3A_369 : vector<16xf32>
      %swap3A = arith.index_cast %mul3A_362 : i32 to index
      %swap3A_371 = tpu.vector_load %arg12[%swap3A] {strides = array<i32>} : memref<2048xf32, #tpu.memory_space<vmem>>, vector<16xf32>,
      tpu.vector_store %arg12[%swap3A], %mul3A_370 {strides = array<i32>} : memref<2048xf32, #tpu.memory_space<vmem>>, vector<16xf32>,
      %swap3A_372 = arith.index_cast %mul3A_362 : i32 to index
      %swap3A_373 = tpu.vector_load %arg13[%swap3A_372] {strides = array<i32>} : memref<2048xf32, #tpu.memory_space<vmem>>, vector<16xf32>,
      tpu.vector_store %arg13[%swap3A_372], %broadcast_in_dim3A_3 {strides = array<i32>} : memref<2048xf32, #tpu.memory_space<vmem>>, vector<16xf32>,
      %scan3A_374 = arith.constant 0 : i32
      scf.yield %scan3A_374 : i32
    }
    %scan3A_47 = arith.constant 128 : i32
    %scan3A_48 = arith.constant 0 : i32
    %scan3A_49 = arith.constant 0 : i32
    %scan3A_50 = arith.constant 512 : i32
    %scan3A_51 = arith.addi %scan3A_49, %scan3A_50 : i32
    %scan3A_52 = arith.constant 1 : i32
    %scan3A_53 = scf.for %scan3A_359 = %scan3A_49 to %scan3A_51 step %scan3A_52 iter_args(%scan3A_360 = %scan3A_48) -> (i32)  : i32 {
      %mul3A_361 = arith.constant 16 : i32
      %mul3A_362 = arith.muli %scan3A_359, %mul3A_361 : i32
      %get3A = arith.index_cast %mul3A_362 : i32 to index
      %get3A_363 = tpu.vector_load %arg9[%get3A] {strides = array<i32>} : memref<8192xi32, #tpu.memory_space<vmem>>, vector<16xi32>,
      %get3A_364 = arith.index_cast %mul3A_362 : i32 to index
      %get3A_365 = tpu.vector_load %arg10[%get3A_364] {strides = array<i32>} : memref<8192xf32, #tpu.memory_space<vmem>>, vector<16xf32>,
      %gather3A_366 = tpu.vector_load_idx %arg12[%get3A_363] : memref<2048xf32, #tpu.memory_space<vmem>>[vector<16xi32>], vector<16xf32>,
      %mul3A_367 = arith.mulf %get3A_365, %gather3A_366 : vector<16xf32>
      %iota3A_368 = tpu.iota {dimensions = array<i32: 0>} : vector<16xi32>
      %add3A_369 = arith.constant 8 : i32
      %add3A_370 = vector.broadcast %add3A_369 : i32 to vector<16xi32>
      %add3A_371 = arith.addi %iota3A_368, %add3A_370 : vector<16xi32>
      %and3A_372 = arith.constant 15 : i32
      %and3A_373 = vector.broadcast %and3A_372 : i32 to vector<16xi32>
      %and3A_374 = arith.andi %add3A_371, %and3A_373 : vector<16xi32>
      %lt3A_375 = arith.constant 0 : i32
      %lt3A_376 = vector.broadcast %lt3A_375 : i32 to vector<16xi32>
      %lt3A_377 = arith.cmpi slt, %and3A_374, %lt3A_376 : vector<16xi32>
      %add3A_378 = arith.constant 16 : i32
      %add3A_379 = vector.broadcast %add3A_378 : i32 to vector<16xi32>
      %add3A_380 = arith.addi %and3A_374, %add3A_379 : vector<16xi32>
      %select_n3A_381 = arith.select %lt3A_377, %add3A_380, %and3A_374 : vector<16xi1>, vector<16xi32>
      %broadcast_in_dim3A_382 = vector.shape_cast %select_n3A_381 : vector<16xi32> to vector<16x1xi32>
      %gather3A_383 = vector.shape_cast %broadcast_in_dim3A_382 : vector<16x1xi32> to vector<16xi32>
      %gather3A_384 = tpu.dynamic_gather %mul3A_367[%gather3A_383] in [0] : vector<16xf32>, vector<16xi32> -> vector<16xf32>
      %add3A_385 = arith.addf %mul3A_367, %gather3A_384 : vector<16xf32>
      %add3A_386 = arith.constant 4 : i32
      %add3A_387 = vector.broadcast %add3A_386 : i32 to vector<16xi32>
      %add3A_388 = arith.addi %iota3A_368, %add3A_387 : vector<16xi32>
      %and3A_389 = arith.constant 15 : i32
      %and3A_390 = vector.broadcast %and3A_389 : i32 to vector<16xi32>
      %and3A_391 = arith.andi %add3A_388, %and3A_390 : vector<16xi32>
      %lt3A_392 = arith.constant 0 : i32
      %lt3A_393 = vector.broadcast %lt3A_392 : i32 to vector<16xi32>
      %lt3A_394 = arith.cmpi slt, %and3A_391, %lt3A_393 : vector<16xi32>
      %add3A_395 = arith.constant 16 : i32
      %add3A_396 = vector.broadcast %add3A_395 : i32 to vector<16xi32>
      %add3A_397 = arith.addi %and3A_391, %add3A_396 : vector<16xi32>
      %select_n3A_398 = arith.select %lt3A_394, %add3A_397, %and3A_391 : vector<16xi1>, vector<16xi32>
      %broadcast_in_dim3A_399 = vector.shape_cast %select_n3A_398 : vector<16xi32> to vector<16x1xi32>
      %gather3A_400 = vector.shape_cast %broadcast_in_dim3A_399 : vector<16x1xi32> to vector<16xi32>
      %gather3A_401 = tpu.dynamic_gather %add3A_385[%gather3A_400] in [0] : vector<16xf32>, vector<16xi32> -> vector<16xf32>
      %add3A_402 = arith.addf %add3A_385, %gather3A_401 : vector<16xf32>
      %add3A_403 = arith.constant 2 : i32
      %add3A_404 = vector.broadcast %add3A_403 : i32 to vector<16xi32>
      %add3A_405 = arith.addi %iota3A_368, %add3A_404 : vector<16xi32>
      %and3A_406 = arith.constant 15 : i32
      %and3A_407 = vector.broadcast %and3A_406 : i32 to vector<16xi32>
      %and3A_408 = arith.andi %add3A_405, %and3A_407 : vector<16xi32>
      %lt3A_409 = arith.constant 0 : i32
      %lt3A_410 = vector.broadcast %lt3A_409 : i32 to vector<16xi32>
      %lt3A_411 = arith.cmpi slt, %and3A_408, %lt3A_410 : vector<16xi32>
      %add3A_412 = arith.constant 16 : i32
      %add3A_413 = vector.broadcast %add3A_412 : i32 to vector<16xi32>
      %add3A_414 = arith.addi %and3A_408, %add3A_413 : vector<16xi32>
      %select_n3A_415 = arith.select %lt3A_411, %add3A_414, %and3A_408 : vector<16xi1>, vector<16xi32>
      %broadcast_in_dim3A_416 = vector.shape_cast %select_n3A_415 : vector<16xi32> to vector<16x1xi32>
      %gather3A_417 = vector.shape_cast %broadcast_in_dim3A_416 : vector<16x1xi32> to vector<16xi32>
      %gather3A_418 = tpu.dynamic_gather %add3A_402[%gather3A_417] in [0] : vector<16xf32>, vector<16xi32> -> vector<16xf32>
      %add3A_419 = arith.addf %add3A_402, %gather3A_418 : vector<16xf32>
      %add3A_420 = arith.constant 1 : i32
      %add3A_421 = vector.broadcast %add3A_420 : i32 to vector<16xi32>
      %add3A_422 = arith.addi %iota3A_368, %add3A_421 : vector<16xi32>
      %and3A_423 = arith.constant 15 : i32
      %and3A_424 = vector.broadcast %and3A_423 : i32 to vector<16xi32>
      %and3A_425 = arith.andi %add3A_422, %and3A_424 : vector<16xi32>
      %lt3A_426 = arith.constant 0 : i32
      %lt3A_427 = vector.broadcast %lt3A_426 : i32 to vector<16xi32>
      %lt3A_428 = arith.cmpi slt, %and3A_425, %lt3A_427 : vector<16xi32>
      %add3A_429 = arith.constant 16 : i32
      %add3A_430 = vector.broadcast %add3A_429 : i32 to vector<16xi32>
      %add3A_431 = arith.addi %and3A_425, %add3A_430 : vector<16xi32>
      %select_n3A_432 = arith.select %lt3A_428, %add3A_431, %and3A_425 : vector<16xi1>, vector<16xi32>
      %broadcast_in_dim3A_433 = vector.shape_cast %select_n3A_432 : vector<16xi32> to vector<16x1xi32>
      %gather3A_434 = vector.shape_cast %broadcast_in_dim3A_433 : vector<16x1xi32> to vector<16xi32>
      %gather3A_435 = tpu.dynamic_gather %add3A_419[%gather3A_434] in [0] : vector<16xf32>, vector<16xi32> -> vector<16xf32>
      %add3A_436 = arith.addf %add3A_419, %gather3A_435 : vector<16xf32>
      %iota3A_437 = tpu.iota {dimensions = array<i32: 0>} : vector<16xi32>
      %add3A_438 = arith.constant 8 : i32
      %add3A_439 = vector.broadcast %add3A_438 : i32 to vector<16xi32>
      %add3A_440 = arith.addi %iota3A_437, %add3A_439 : vector<16xi32>
      %and3A_441 = arith.constant 15 : i32
      %and3A_442 = vector.broadcast %and3A_441 : i32 to vector<16xi32>
      %and3A_443 = arith.andi %add3A_440, %and3A_442 : vector<16xi32>
      %lt3A_444 = arith.constant 0 : i32
      %lt3A_445 = vector.broadcast %lt3A_444 : i32 to vector<16xi32>
      %lt3A_446 = arith.cmpi slt, %and3A_443, %lt3A_445 : vector<16xi32>
      %add3A_447 = arith.constant 16 : i32
      %add3A_448 = vector.broadcast %add3A_447 : i32 to vector<16xi32>
      %add3A_449 = arith.addi %and3A_443, %add3A_448 : vector<16xi32>
      %select_n3A_450 = arith.select %lt3A_446, %add3A_449, %and3A_443 : vector<16xi1>, vector<16xi32>
      %broadcast_in_dim3A_451 = vector.shape_cast %select_n3A_450 : vector<16xi32> to vector<16x1xi32>
      %gather3A_452 = vector.shape_cast %broadcast_in_dim3A_451 : vector<16x1xi32> to vector<16xi32>
      %gather3A_453 = tpu.dynamic_gather %get3A_365[%gather3A_452] in [0] : vector<16xf32>, vector<16xi32> -> vector<16xf32>
      %add3A_454 = arith.addf %get3A_365, %gather3A_453 : vector<16xf32>
      %add3A_455 = arith.constant 4 : i32
      %add3A_456 = vector.broadcast %add3A_455 : i32 to vector<16xi32>
      %add3A_457 = arith.addi %iota3A_437, %add3A_456 : vector<16xi32>
      %and3A_458 = arith.constant 15 : i32
      %and3A_459 = vector.broadcast %and3A_458 : i32 to vector<16xi32>
      %and3A_460 = arith.andi %add3A_457, %and3A_459 : vector<16xi32>
      %lt3A_461 = arith.constant 0 : i32
      %lt3A_462 = vector.broadcast %lt3A_461 : i32 to vector<16xi32>
      %lt3A_463 = arith.cmpi slt, %and3A_460, %lt3A_462 : vector<16xi32>
      %add3A_464 = arith.constant 16 : i32
      %add3A_465 = vector.broadcast %add3A_464 : i32 to vector<16xi32>
      %add3A_466 = arith.addi %and3A_460, %add3A_465 : vector<16xi32>
      %select_n3A_467 = arith.select %lt3A_463, %add3A_466, %and3A_460 : vector<16xi1>, vector<16xi32>
      %broadcast_in_dim3A_468 = vector.shape_cast %select_n3A_467 : vector<16xi32> to vector<16x1xi32>
      %gather3A_469 = vector.shape_cast %broadcast_in_dim3A_468 : vector<16x1xi32> to vector<16xi32>
      %gather3A_470 = tpu.dynamic_gather %add3A_454[%gather3A_469] in [0] : vector<16xf32>, vector<16xi32> -> vector<16xf32>
      %add3A_471 = arith.addf %add3A_454, %gather3A_470 : vector<16xf32>
      %add3A_472 = arith.constant 2 : i32
      %add3A_473 = vector.broadcast %add3A_472 : i32 to vector<16xi32>
      %add3A_474 = arith.addi %iota3A_437, %add3A_473 : vector<16xi32>
      %and3A_475 = arith.constant 15 : i32
      %and3A_476 = vector.broadcast %and3A_475 : i32 to vector<16xi32>
      %and3A_477 = arith.andi %add3A_474, %and3A_476 : vector<16xi32>
      %lt3A_478 = arith.constant 0 : i32
      %lt3A_479 = vector.broadcast %lt3A_478 : i32 to vector<16xi32>
      %lt3A_480 = arith.cmpi slt, %and3A_477, %lt3A_479 : vector<16xi32>
      %add3A_481 = arith.constant 16 : i32
      %add3A_482 = vector.broadcast %add3A_481 : i32 to vector<16xi32>
      %add3A_483 = arith.addi %and3A_477, %add3A_482 : vector<16xi32>
      %select_n3A_484 = arith.select %lt3A_480, %add3A_483, %and3A_477 : vector<16xi1>, vector<16xi32>
      %broadcast_in_dim3A_485 = vector.shape_cast %select_n3A_484 : vector<16xi32> to vector<16x1xi32>
      %gather3A_486 = vector.shape_cast %broadcast_in_dim3A_485 : vector<16x1xi32> to vector<16xi32>
      %gather3A_487 = tpu.dynamic_gather %add3A_471[%gather3A_486] in [0] : vector<16xf32>, vector<16xi32> -> vector<16xf32>
      %add3A_488 = arith.addf %add3A_471, %gather3A_487 : vector<16xf32>
      %add3A_489 = arith.constant 1 : i32
      %add3A_490 = vector.broadcast %add3A_489 : i32 to vector<16xi32>
      %add3A_491 = arith.addi %iota3A_437, %add3A_490 : vector<16xi32>
      %and3A_492 = arith.constant 15 : i32
      %and3A_493 = vector.broadcast %and3A_492 : i32 to vector<16xi32>
      %and3A_494 = arith.andi %add3A_491, %and3A_493 : vector<16xi32>
      %lt3A_495 = arith.constant 0 : i32
      %lt3A_496 = vector.broadcast %lt3A_495 : i32 to vector<16xi32>
      %lt3A_497 = arith.cmpi slt, %and3A_494, %lt3A_496 : vector<16xi32>
      %add3A_498 = arith.constant 16 : i32
      %add3A_499 = vector.broadcast %add3A_498 : i32 to vector<16xi32>
      %add3A_500 = arith.addi %and3A_494, %add3A_499 : vector<16xi32>
      %select_n3A_501 = arith.select %lt3A_497, %add3A_500, %and3A_494 : vector<16xi1>, vector<16xi32>
      %broadcast_in_dim3A_502 = vector.shape_cast %select_n3A_501 : vector<16xi32> to vector<16x1xi32>
      %gather3A_503 = vector.shape_cast %broadcast_in_dim3A_502 : vector<16x1xi32> to vector<16xi32>
      %gather3A_504 = tpu.dynamic_gather %add3A_488[%gather3A_503] in [0] : vector<16xf32>, vector<16xi32> -> vector<16xf32>
      %add3A_505 = arith.addf %add3A_488, %gather3A_504 : vector<16xf32>
      %add3A_506 = arith.constant 9.99999971E-10 : f32
      %add3A_507 = vector.broadcast %add3A_506 : f32 to vector<16xf32>
      %add3A_508 = arith.addf %add3A_505, %add3A_507 : vector<16xf32>
      %div3A = arith.divf %get3A_365, %add3A_508 : vector<16xf32>
      %mul3A_509 = arith.mulf %div3A, %add3A_436 : vector<16xf32>
      tpu.vector_store_idx %arg13[%get3A_363], %mul3A_509 {add = true} : memref<2048xf32, #tpu.memory_space<vmem>>[vector<16xi32>], vector<16xf32>,
      %scan3A_510 = arith.constant 0 : i32
      scf.yield %scan3A_510 : i32
    }
    %scan3A_54 = arith.constant 512 : i32
    %scan3A_55 = arith.constant 0 : i32
    %scan3A_56 = arith.constant 0 : i32
    %scan3A_57 = arith.constant 128 : i32
    %scan3A_58 = arith.addi %scan3A_56, %scan3A_57 : i32
    %scan3A_59 = arith.constant 1 : i32
    %scan3A_60 = scf.for %scan3A_359 = %scan3A_56 to %scan3A_58 step %scan3A_59 iter_args(%scan3A_360 = %scan3A_55) -> (i32)  : i32 {
      %mul3A_361 = arith.constant 16 : i32
      %mul3A_362 = arith.muli %scan3A_359, %mul3A_361 : i32
      %get3A = arith.index_cast %mul3A_362 : i32 to index
      %get3A_363 = tpu.vector_load %arg13[%get3A] {strides = array<i32>} : memref<2048xf32, #tpu.memory_space<vmem>>, vector<16xf32>,
      %swap3A = arith.constant 0 : i32
      %swap3A_364 = arith.index_cast %swap3A : i32 to index
      %swap3A_365 = arith.index_cast %mul3A_362 : i32 to index
      %swap3A_366 = tpu.vector_load %arg14[%swap3A_364, %swap3A_365] {strides = array<i32>} : memref<1x2048xf32, #tpu.memory_space<vmem>>, vector<16xf32>,
      tpu.vector_store %arg14[%swap3A_364, %swap3A_365], %get3A_363 {strides = array<i32>} : memref<1x2048xf32, #tpu.memory_space<vmem>>, vector<16xf32>,
      %scan3A_367 = arith.constant 0 : i32
      scf.yield %scan3A_367 : i32
    }
    %scan3A_61 = arith.constant 128 : i32
    %eq3A_62 = arith.constant 0 : i32
    %eq3A_63 = arith.cmpi eq, %arg1, %eq3A_62 : i32
    %convert_element_type3A_64 = arith.extui %eq3A_63 : i1 to i32
    %cond3A_65 = arith.constant 0 : i32
    %cond3A_66 = arith.cmpi ne, %convert_element_type3A_64, %cond3A_65 : i32
    scf.if %cond3A_66 {
      %scan3A_359 = arith.constant 0 : i32
      %scan3A_360 = arith.constant 0 : i32
      %scan3A_361 = arith.constant 128 : i32
      %scan3A_362 = arith.addi %scan3A_360, %scan3A_361 : i32
      %scan3A_363 = arith.constant 1 : i32
      %scan3A_364 = scf.for %scan3A_366 = %scan3A_360 to %scan3A_362 step %scan3A_363 iter_args(%scan3A_367 = %scan3A_359) -> (i32)  : i32 {
        %mul3A_368 = arith.constant 16 : i32
        %mul3A_369 = arith.muli %scan3A_366, %mul3A_368 : i32
        %swap3A = arith.constant 0 : i32
        %swap3A_370 = arith.index_cast %swap3A : i32 to index
        %swap3A_371 = arith.index_cast %mul3A_369 : i32 to index
        %swap3A_372 = tpu.vector_load %arg16[%swap3A_370, %swap3A_371] {strides = array<i32>} : memref<1x2048xf32, #tpu.memory_space<vmem>>, vector<16xf32>,
        tpu.vector_store %arg16[%swap3A_370, %swap3A_371], %broadcast_in_dim3A_3 {strides = array<i32>} : memref<1x2048xf32, #tpu.memory_space<vmem>>, vector<16xf32>,
        %scan3A_373 = arith.constant 0 : i32
        scf.yield %scan3A_373 : i32
      }
      %scan3A_365 = arith.constant 128 : i32
      "tpu.region"() ({
        %run_scoped3A = tpu.sem_alloc : memref<!tpu.dma_semaphore, #tpu.memory_space<semaphore_mem>>
        tpu.enqueue_dma source(%arg16 : memref<1x2048xf32, #tpu.memory_space<vmem>>) target(%arg19 : memref<1x2048xf32, #tpu.memory_space<vmem_shared>>) target_semaphore(%run_scoped3A : memref<!tpu.dma_semaphore, #tpu.memory_space<semaphore_mem>>)
        tpu.wait_dma2 semaphore(%run_scoped3A : memref<!tpu.dma_semaphore, #tpu.memory_space<semaphore_mem>>) src(%arg16 : memref<1x2048xf32, #tpu.memory_space<vmem>>) dst(%arg19 : memref<1x2048xf32, #tpu.memory_space<vmem_shared>>)
        tpu.yield
      }) : () -> ()
    } else {
    }
    %barrier3A_67 = arith.constant 0 : index
    tpu.barrier barrier_id(%barrier3A_67)
    "tpu.region"() ({
      %run_scoped3A = tpu.sem_alloc : memref<!tpu.dma_semaphore, #tpu.memory_space<semaphore_mem>>
      %dma_start3A = arith.constant 0 : i32
      %dma_start3A_359 = arith.constant 0 : i32
      %dma_start3A_360 = tpu.memref_slice %arg19[%dma_start3A, %dma_start3A_359] : memref<1x2048xf32, #tpu.memory_space<vmem_shared>> -> memref<1x2048xf32, #tpu.memory_space<vmem_shared>>
      tpu.enqueue_indirect_dma source(%arg14 : memref<1x2048xf32, #tpu.memory_space<vmem>>) target(%dma_start3A_360 : memref<1x2048xf32, #tpu.memory_space<vmem_shared>>) offsets(%arg17 : memref<1xi32, #tpu.memory_space<vmem>>) semaphore(%run_scoped3A : memref<!tpu.dma_semaphore, #tpu.memory_space<semaphore_mem>>) {add = true}
      %dma_wait3A = arith.constant 0 : i32
      %dma_wait3A_361 = arith.constant 0 : i32
      %dma_wait3A_362 = tpu.memref_slice %arg19[%dma_wait3A, %dma_wait3A_361] : memref<1x2048xf32, #tpu.memory_space<vmem_shared>> -> memref<1x2048xf32, #tpu.memory_space<vmem_shared>>
      tpu.wait_indirect_dma semaphore(%run_scoped3A : memref<!tpu.dma_semaphore, #tpu.memory_space<semaphore_mem>>) src(%arg14 : memref<1x2048xf32, #tpu.memory_space<vmem>>) dst(%dma_wait3A_362 : memref<1x2048xf32, #tpu.memory_space<vmem_shared>>)
      tpu.yield
    }) : () -> ()
    %barrier3A_68 = arith.constant 0 : index
    tpu.barrier barrier_id(%barrier3A_68)
    "tpu.region"() ({
      %run_scoped3A = tpu.sem_alloc : memref<!tpu.dma_semaphore, #tpu.memory_space<semaphore_mem>>
      tpu.enqueue_dma source(%arg19 : memref<1x2048xf32, #tpu.memory_space<vmem_shared>>) target(%arg16 : memref<1x2048xf32, #tpu.memory_space<vmem>>) target_semaphore(%run_scoped3A : memref<!tpu.dma_semaphore, #tpu.memory_space<semaphore_mem>>)
      tpu.wait_dma2 semaphore(%run_scoped3A : memref<!tpu.dma_semaphore, #tpu.memory_space<semaphore_mem>>) src(%arg19 : memref<1x2048xf32, #tpu.memory_space<vmem_shared>>) dst(%arg16 : memref<1x2048xf32, #tpu.memory_space<vmem>>)
      tpu.yield
    }) : () -> ()
    %scan3A_69 = arith.constant 0 : i32
    %scan3A_70 = arith.constant 0 : i32
    %scan3A_71 = arith.constant 128 : i32
    %scan3A_72 = arith.addi %scan3A_70, %scan3A_71 : i32
    %scan3A_73 = arith.constant 1 : i32
    %scan3A_74 = scf.for %scan3A_359 = %scan3A_70 to %scan3A_72 step %scan3A_73 iter_args(%scan3A_360 = %scan3A_69) -> (i32)  : i32 {
      %mul3A_361 = arith.constant 16 : i32
      %mul3A_362 = arith.muli %scan3A_359, %mul3A_361 : i32
      %get3A = arith.constant 0 : i32
      %get3A_363 = arith.index_cast %get3A : i32 to index
      %get3A_364 = arith.index_cast %mul3A_362 : i32 to index
      %get3A_365 = tpu.vector_load %arg11[%get3A_363, %get3A_364] {strides = array<i32>} : memref<1x2048xf32, #tpu.memory_space<vmem>>, vector<16xf32>,
      %get3A_366 = arith.constant 0 : i32
      %get3A_367 = arith.index_cast %get3A_366 : i32 to index
      %get3A_368 = arith.index_cast %mul3A_362 : i32 to index
      %get3A_369 = tpu.vector_load %arg15[%get3A_367, %get3A_368] {strides = array<i32>} : memref<1x2048xf32, #tpu.memory_space<vmem>>, vector<16xf32>,
      %get3A_370 = arith.constant 0 : i32
      %get3A_371 = arith.index_cast %get3A_370 : i32 to index
      %get3A_372 = arith.index_cast %mul3A_362 : i32 to index
      %get3A_373 = tpu.vector_load %arg16[%get3A_371, %get3A_372] {strides = array<i32>} : memref<1x2048xf32, #tpu.memory_space<vmem>>, vector<16xf32>,
      %mul3A_374 = arith.mulf %get3A_369, %get3A_373 : vector<16xf32>
      %sub3A = arith.subf %get3A_365, %mul3A_374 : vector<16xf32>
      %swap3A = arith.constant 0 : i32
      %swap3A_375 = arith.index_cast %swap3A : i32 to index
      %swap3A_376 = arith.index_cast %mul3A_362 : i32 to index
      %swap3A_377 = tpu.vector_load %arg11[%swap3A_375, %swap3A_376] {strides = array<i32>} : memref<1x2048xf32, #tpu.memory_space<vmem>>, vector<16xf32>,
      tpu.vector_store %arg11[%swap3A_375, %swap3A_376], %sub3A {strides = array<i32>} : memref<1x2048xf32, #tpu.memory_space<vmem>>, vector<16xf32>,
      %scan3A_378 = arith.constant 0 : i32
      scf.yield %scan3A_378 : i32
    }
    %scan3A_75 = arith.constant 128 : i32
    %barrier3A_76 = arith.constant 0 : index
    tpu.barrier barrier_id(%barrier3A_76)
    %scan3A_77 = arith.constant 0 : i32
    %scan3A_78 = arith.constant 0 : i32
    %scan3A_79 = arith.constant 128 : i32
    %scan3A_80 = arith.addi %scan3A_78, %scan3A_79 : i32
    %scan3A_81 = arith.constant 1 : i32
    %scan3A_82 = scf.for %scan3A_359 = %scan3A_78 to %scan3A_80 step %scan3A_81 iter_args(%scan3A_360 = %scan3A_77) -> (i32)  : i32 {
      %mul3A_361 = arith.constant 16 : i32
      %mul3A_362 = arith.muli %scan3A_359, %mul3A_361 : i32
      %get3A = arith.constant 0 : i32
      %get3A_363 = arith.index_cast %get3A : i32 to index
      %get3A_364 = arith.index_cast %mul3A_362 : i32 to index
      %get3A_365 = tpu.vector_load %arg15[%get3A_363, %get3A_364] {strides = array<i32>} : memref<1x2048xf32, #tpu.memory_space<vmem>>, vector<16xf32>,
      %get3A_366 = arith.constant 0 : i32
      %get3A_367 = arith.index_cast %get3A_366 : i32 to index
      %get3A_368 = arith.index_cast %mul3A_362 : i32 to index
      %get3A_369 = tpu.vector_load %arg11[%get3A_367, %get3A_368] {strides = array<i32>} : memref<1x2048xf32, #tpu.memory_space<vmem>>, vector<16xf32>,
      %mul3A_370 = arith.mulf %get3A_365, %get3A_369 : vector<16xf32>
      %swap3A = arith.index_cast %mul3A_362 : i32 to index
      %swap3A_371 = tpu.vector_load %arg12[%swap3A] {strides = array<i32>} : memref<2048xf32, #tpu.memory_space<vmem>>, vector<16xf32>,
      tpu.vector_store %arg12[%swap3A], %mul3A_370 {strides = array<i32>} : memref<2048xf32, #tpu.memory_space<vmem>>, vector<16xf32>,
      %swap3A_372 = arith.index_cast %mul3A_362 : i32 to index
      %swap3A_373 = tpu.vector_load %arg13[%swap3A_372] {strides = array<i32>} : memref<2048xf32, #tpu.memory_space<vmem>>, vector<16xf32>,
      tpu.vector_store %arg13[%swap3A_372], %broadcast_in_dim3A_3 {strides = array<i32>} : memref<2048xf32, #tpu.memory_space<vmem>>, vector<16xf32>,
      %scan3A_374 = arith.constant 0 : i32
      scf.yield %scan3A_374 : i32
    }
    %scan3A_83 = arith.constant 128 : i32
    %scan3A_84 = arith.constant 0 : i32
    %scan3A_85 = arith.constant 0 : i32
    %scan3A_86 = arith.constant 512 : i32
    %scan3A_87 = arith.addi %scan3A_85, %scan3A_86 : i32
    %scan3A_88 = arith.constant 1 : i32
    %scan3A_89 = scf.for %scan3A_359 = %scan3A_85 to %scan3A_87 step %scan3A_88 iter_args(%scan3A_360 = %scan3A_84) -> (i32)  : i32 {
      %mul3A_361 = arith.constant 16 : i32
      %mul3A_362 = arith.muli %scan3A_359, %mul3A_361 : i32
      %get3A = arith.index_cast %mul3A_362 : i32 to index
      %get3A_363 = tpu.vector_load %arg9[%get3A] {strides = array<i32>} : memref<8192xi32, #tpu.memory_space<vmem>>, vector<16xi32>,
      %get3A_364 = arith.index_cast %mul3A_362 : i32 to index
      %get3A_365 = tpu.vector_load %arg10[%get3A_364] {strides = array<i32>} : memref<8192xf32, #tpu.memory_space<vmem>>, vector<16xf32>,
      %gather3A_366 = tpu.vector_load_idx %arg12[%get3A_363] : memref<2048xf32, #tpu.memory_space<vmem>>[vector<16xi32>], vector<16xf32>,
      %mul3A_367 = arith.mulf %get3A_365, %gather3A_366 : vector<16xf32>
      %iota3A_368 = tpu.iota {dimensions = array<i32: 0>} : vector<16xi32>
      %add3A_369 = arith.constant 8 : i32
      %add3A_370 = vector.broadcast %add3A_369 : i32 to vector<16xi32>
      %add3A_371 = arith.addi %iota3A_368, %add3A_370 : vector<16xi32>
      %and3A_372 = arith.constant 15 : i32
      %and3A_373 = vector.broadcast %and3A_372 : i32 to vector<16xi32>
      %and3A_374 = arith.andi %add3A_371, %and3A_373 : vector<16xi32>
      %lt3A_375 = arith.constant 0 : i32
      %lt3A_376 = vector.broadcast %lt3A_375 : i32 to vector<16xi32>
      %lt3A_377 = arith.cmpi slt, %and3A_374, %lt3A_376 : vector<16xi32>
      %add3A_378 = arith.constant 16 : i32
      %add3A_379 = vector.broadcast %add3A_378 : i32 to vector<16xi32>
      %add3A_380 = arith.addi %and3A_374, %add3A_379 : vector<16xi32>
      %select_n3A_381 = arith.select %lt3A_377, %add3A_380, %and3A_374 : vector<16xi1>, vector<16xi32>
      %broadcast_in_dim3A_382 = vector.shape_cast %select_n3A_381 : vector<16xi32> to vector<16x1xi32>
      %gather3A_383 = vector.shape_cast %broadcast_in_dim3A_382 : vector<16x1xi32> to vector<16xi32>
      %gather3A_384 = tpu.dynamic_gather %mul3A_367[%gather3A_383] in [0] : vector<16xf32>, vector<16xi32> -> vector<16xf32>
      %add3A_385 = arith.addf %mul3A_367, %gather3A_384 : vector<16xf32>
      %add3A_386 = arith.constant 4 : i32
      %add3A_387 = vector.broadcast %add3A_386 : i32 to vector<16xi32>
      %add3A_388 = arith.addi %iota3A_368, %add3A_387 : vector<16xi32>
      %and3A_389 = arith.constant 15 : i32
      %and3A_390 = vector.broadcast %and3A_389 : i32 to vector<16xi32>
      %and3A_391 = arith.andi %add3A_388, %and3A_390 : vector<16xi32>
      %lt3A_392 = arith.constant 0 : i32
      %lt3A_393 = vector.broadcast %lt3A_392 : i32 to vector<16xi32>
      %lt3A_394 = arith.cmpi slt, %and3A_391, %lt3A_393 : vector<16xi32>
      %add3A_395 = arith.constant 16 : i32
      %add3A_396 = vector.broadcast %add3A_395 : i32 to vector<16xi32>
      %add3A_397 = arith.addi %and3A_391, %add3A_396 : vector<16xi32>
      %select_n3A_398 = arith.select %lt3A_394, %add3A_397, %and3A_391 : vector<16xi1>, vector<16xi32>
      %broadcast_in_dim3A_399 = vector.shape_cast %select_n3A_398 : vector<16xi32> to vector<16x1xi32>
      %gather3A_400 = vector.shape_cast %broadcast_in_dim3A_399 : vector<16x1xi32> to vector<16xi32>
      %gather3A_401 = tpu.dynamic_gather %add3A_385[%gather3A_400] in [0] : vector<16xf32>, vector<16xi32> -> vector<16xf32>
      %add3A_402 = arith.addf %add3A_385, %gather3A_401 : vector<16xf32>
      %add3A_403 = arith.constant 2 : i32
      %add3A_404 = vector.broadcast %add3A_403 : i32 to vector<16xi32>
      %add3A_405 = arith.addi %iota3A_368, %add3A_404 : vector<16xi32>
      %and3A_406 = arith.constant 15 : i32
      %and3A_407 = vector.broadcast %and3A_406 : i32 to vector<16xi32>
      %and3A_408 = arith.andi %add3A_405, %and3A_407 : vector<16xi32>
      %lt3A_409 = arith.constant 0 : i32
      %lt3A_410 = vector.broadcast %lt3A_409 : i32 to vector<16xi32>
      %lt3A_411 = arith.cmpi slt, %and3A_408, %lt3A_410 : vector<16xi32>
      %add3A_412 = arith.constant 16 : i32
      %add3A_413 = vector.broadcast %add3A_412 : i32 to vector<16xi32>
      %add3A_414 = arith.addi %and3A_408, %add3A_413 : vector<16xi32>
      %select_n3A_415 = arith.select %lt3A_411, %add3A_414, %and3A_408 : vector<16xi1>, vector<16xi32>
      %broadcast_in_dim3A_416 = vector.shape_cast %select_n3A_415 : vector<16xi32> to vector<16x1xi32>
      %gather3A_417 = vector.shape_cast %broadcast_in_dim3A_416 : vector<16x1xi32> to vector<16xi32>
      %gather3A_418 = tpu.dynamic_gather %add3A_402[%gather3A_417] in [0] : vector<16xf32>, vector<16xi32> -> vector<16xf32>
      %add3A_419 = arith.addf %add3A_402, %gather3A_418 : vector<16xf32>
      %add3A_420 = arith.constant 1 : i32
      %add3A_421 = vector.broadcast %add3A_420 : i32 to vector<16xi32>
      %add3A_422 = arith.addi %iota3A_368, %add3A_421 : vector<16xi32>
      %and3A_423 = arith.constant 15 : i32
      %and3A_424 = vector.broadcast %and3A_423 : i32 to vector<16xi32>
      %and3A_425 = arith.andi %add3A_422, %and3A_424 : vector<16xi32>
      %lt3A_426 = arith.constant 0 : i32
      %lt3A_427 = vector.broadcast %lt3A_426 : i32 to vector<16xi32>
      %lt3A_428 = arith.cmpi slt, %and3A_425, %lt3A_427 : vector<16xi32>
      %add3A_429 = arith.constant 16 : i32
      %add3A_430 = vector.broadcast %add3A_429 : i32 to vector<16xi32>
      %add3A_431 = arith.addi %and3A_425, %add3A_430 : vector<16xi32>
      %select_n3A_432 = arith.select %lt3A_428, %add3A_431, %and3A_425 : vector<16xi1>, vector<16xi32>
      %broadcast_in_dim3A_433 = vector.shape_cast %select_n3A_432 : vector<16xi32> to vector<16x1xi32>
      %gather3A_434 = vector.shape_cast %broadcast_in_dim3A_433 : vector<16x1xi32> to vector<16xi32>
      %gather3A_435 = tpu.dynamic_gather %add3A_419[%gather3A_434] in [0] : vector<16xf32>, vector<16xi32> -> vector<16xf32>
      %add3A_436 = arith.addf %add3A_419, %gather3A_435 : vector<16xf32>
      %iota3A_437 = tpu.iota {dimensions = array<i32: 0>} : vector<16xi32>
      %add3A_438 = arith.constant 8 : i32
      %add3A_439 = vector.broadcast %add3A_438 : i32 to vector<16xi32>
      %add3A_440 = arith.addi %iota3A_437, %add3A_439 : vector<16xi32>
      %and3A_441 = arith.constant 15 : i32
      %and3A_442 = vector.broadcast %and3A_441 : i32 to vector<16xi32>
      %and3A_443 = arith.andi %add3A_440, %and3A_442 : vector<16xi32>
      %lt3A_444 = arith.constant 0 : i32
      %lt3A_445 = vector.broadcast %lt3A_444 : i32 to vector<16xi32>
      %lt3A_446 = arith.cmpi slt, %and3A_443, %lt3A_445 : vector<16xi32>
      %add3A_447 = arith.constant 16 : i32
      %add3A_448 = vector.broadcast %add3A_447 : i32 to vector<16xi32>
      %add3A_449 = arith.addi %and3A_443, %add3A_448 : vector<16xi32>
      %select_n3A_450 = arith.select %lt3A_446, %add3A_449, %and3A_443 : vector<16xi1>, vector<16xi32>
      %broadcast_in_dim3A_451 = vector.shape_cast %select_n3A_450 : vector<16xi32> to vector<16x1xi32>
      %gather3A_452 = vector.shape_cast %broadcast_in_dim3A_451 : vector<16x1xi32> to vector<16xi32>
      %gather3A_453 = tpu.dynamic_gather %get3A_365[%gather3A_452] in [0] : vector<16xf32>, vector<16xi32> -> vector<16xf32>
      %add3A_454 = arith.addf %get3A_365, %gather3A_453 : vector<16xf32>
      %add3A_455 = arith.constant 4 : i32
      %add3A_456 = vector.broadcast %add3A_455 : i32 to vector<16xi32>
      %add3A_457 = arith.addi %iota3A_437, %add3A_456 : vector<16xi32>
      %and3A_458 = arith.constant 15 : i32
      %and3A_459 = vector.broadcast %and3A_458 : i32 to vector<16xi32>
      %and3A_460 = arith.andi %add3A_457, %and3A_459 : vector<16xi32>
      %lt3A_461 = arith.constant 0 : i32
      %lt3A_462 = vector.broadcast %lt3A_461 : i32 to vector<16xi32>
      %lt3A_463 = arith.cmpi slt, %and3A_460, %lt3A_462 : vector<16xi32>
      %add3A_464 = arith.constant 16 : i32
      %add3A_465 = vector.broadcast %add3A_464 : i32 to vector<16xi32>
      %add3A_466 = arith.addi %and3A_460, %add3A_465 : vector<16xi32>
      %select_n3A_467 = arith.select %lt3A_463, %add3A_466, %and3A_460 : vector<16xi1>, vector<16xi32>
      %broadcast_in_dim3A_468 = vector.shape_cast %select_n3A_467 : vector<16xi32> to vector<16x1xi32>
      %gather3A_469 = vector.shape_cast %broadcast_in_dim3A_468 : vector<16x1xi32> to vector<16xi32>
      %gather3A_470 = tpu.dynamic_gather %add3A_454[%gather3A_469] in [0] : vector<16xf32>, vector<16xi32> -> vector<16xf32>
      %add3A_471 = arith.addf %add3A_454, %gather3A_470 : vector<16xf32>
      %add3A_472 = arith.constant 2 : i32
      %add3A_473 = vector.broadcast %add3A_472 : i32 to vector<16xi32>
      %add3A_474 = arith.addi %iota3A_437, %add3A_473 : vector<16xi32>
      %and3A_475 = arith.constant 15 : i32
      %and3A_476 = vector.broadcast %and3A_475 : i32 to vector<16xi32>
      %and3A_477 = arith.andi %add3A_474, %and3A_476 : vector<16xi32>
      %lt3A_478 = arith.constant 0 : i32
      %lt3A_479 = vector.broadcast %lt3A_478 : i32 to vector<16xi32>
      %lt3A_480 = arith.cmpi slt, %and3A_477, %lt3A_479 : vector<16xi32>
      %add3A_481 = arith.constant 16 : i32
      %add3A_482 = vector.broadcast %add3A_481 : i32 to vector<16xi32>
      %add3A_483 = arith.addi %and3A_477, %add3A_482 : vector<16xi32>
      %select_n3A_484 = arith.select %lt3A_480, %add3A_483, %and3A_477 : vector<16xi1>, vector<16xi32>
      %broadcast_in_dim3A_485 = vector.shape_cast %select_n3A_484 : vector<16xi32> to vector<16x1xi32>
      %gather3A_486 = vector.shape_cast %broadcast_in_dim3A_485 : vector<16x1xi32> to vector<16xi32>
      %gather3A_487 = tpu.dynamic_gather %add3A_471[%gather3A_486] in [0] : vector<16xf32>, vector<16xi32> -> vector<16xf32>
      %add3A_488 = arith.addf %add3A_471, %gather3A_487 : vector<16xf32>
      %add3A_489 = arith.constant 1 : i32
      %add3A_490 = vector.broadcast %add3A_489 : i32 to vector<16xi32>
      %add3A_491 = arith.addi %iota3A_437, %add3A_490 : vector<16xi32>
      %and3A_492 = arith.constant 15 : i32
      %and3A_493 = vector.broadcast %and3A_492 : i32 to vector<16xi32>
      %and3A_494 = arith.andi %add3A_491, %and3A_493 : vector<16xi32>
      %lt3A_495 = arith.constant 0 : i32
      %lt3A_496 = vector.broadcast %lt3A_495 : i32 to vector<16xi32>
      %lt3A_497 = arith.cmpi slt, %and3A_494, %lt3A_496 : vector<16xi32>
      %add3A_498 = arith.constant 16 : i32
      %add3A_499 = vector.broadcast %add3A_498 : i32 to vector<16xi32>
      %add3A_500 = arith.addi %and3A_494, %add3A_499 : vector<16xi32>
      %select_n3A_501 = arith.select %lt3A_497, %add3A_500, %and3A_494 : vector<16xi1>, vector<16xi32>
      %broadcast_in_dim3A_502 = vector.shape_cast %select_n3A_501 : vector<16xi32> to vector<16x1xi32>
      %gather3A_503 = vector.shape_cast %broadcast_in_dim3A_502 : vector<16x1xi32> to vector<16xi32>
      %gather3A_504 = tpu.dynamic_gather %add3A_488[%gather3A_503] in [0] : vector<16xf32>, vector<16xi32> -> vector<16xf32>
      %add3A_505 = arith.addf %add3A_488, %gather3A_504 : vector<16xf32>
      %add3A_506 = arith.constant 9.99999971E-10 : f32
      %add3A_507 = vector.broadcast %add3A_506 : f32 to vector<16xf32>
      %add3A_508 = arith.addf %add3A_505, %add3A_507 : vector<16xf32>
      %div3A = arith.divf %get3A_365, %add3A_508 : vector<16xf32>
      %mul3A_509 = arith.mulf %div3A, %add3A_436 : vector<16xf32>
      tpu.vector_store_idx %arg13[%get3A_363], %mul3A_509 {add = true} : memref<2048xf32, #tpu.memory_space<vmem>>[vector<16xi32>], vector<16xf32>,
      %scan3A_510 = arith.constant 0 : i32
      scf.yield %scan3A_510 : i32
    }
    %scan3A_90 = arith.constant 512 : i32
    %scan3A_91 = arith.constant 0 : i32
    %scan3A_92 = arith.constant 0 : i32
    %scan3A_93 = arith.constant 128 : i32
    %scan3A_94 = arith.addi %scan3A_92, %scan3A_93 : i32
    %scan3A_95 = arith.constant 1 : i32
    %scan3A_96 = scf.for %scan3A_359 = %scan3A_92 to %scan3A_94 step %scan3A_95 iter_args(%scan3A_360 = %scan3A_91) -> (i32)  : i32 {
      %mul3A_361 = arith.constant 16 : i32
      %mul3A_362 = arith.muli %scan3A_359, %mul3A_361 : i32
      %get3A = arith.index_cast %mul3A_362 : i32 to index
      %get3A_363 = tpu.vector_load %arg13[%get3A] {strides = array<i32>} : memref<2048xf32, #tpu.memory_space<vmem>>, vector<16xf32>,
      %swap3A = arith.constant 0 : i32
      %swap3A_364 = arith.index_cast %swap3A : i32 to index
      %swap3A_365 = arith.index_cast %mul3A_362 : i32 to index
      %swap3A_366 = tpu.vector_load %arg14[%swap3A_364, %swap3A_365] {strides = array<i32>} : memref<1x2048xf32, #tpu.memory_space<vmem>>, vector<16xf32>,
      tpu.vector_store %arg14[%swap3A_364, %swap3A_365], %get3A_363 {strides = array<i32>} : memref<1x2048xf32, #tpu.memory_space<vmem>>, vector<16xf32>,
      %scan3A_367 = arith.constant 0 : i32
      scf.yield %scan3A_367 : i32
    }
    %scan3A_97 = arith.constant 128 : i32
    %eq3A_98 = arith.constant 0 : i32
    %eq3A_99 = arith.cmpi eq, %arg1, %eq3A_98 : i32
    %convert_element_type3A_100 = arith.extui %eq3A_99 : i1 to i32
    %cond3A_101 = arith.constant 0 : i32
    %cond3A_102 = arith.cmpi ne, %convert_element_type3A_100, %cond3A_101 : i32
    scf.if %cond3A_102 {
      %scan3A_359 = arith.constant 0 : i32
      %scan3A_360 = arith.constant 0 : i32
      %scan3A_361 = arith.constant 128 : i32
      %scan3A_362 = arith.addi %scan3A_360, %scan3A_361 : i32
      %scan3A_363 = arith.constant 1 : i32
      %scan3A_364 = scf.for %scan3A_366 = %scan3A_360 to %scan3A_362 step %scan3A_363 iter_args(%scan3A_367 = %scan3A_359) -> (i32)  : i32 {
        %mul3A_368 = arith.constant 16 : i32
        %mul3A_369 = arith.muli %scan3A_366, %mul3A_368 : i32
        %swap3A = arith.constant 0 : i32
        %swap3A_370 = arith.index_cast %swap3A : i32 to index
        %swap3A_371 = arith.index_cast %mul3A_369 : i32 to index
        %swap3A_372 = tpu.vector_load %arg16[%swap3A_370, %swap3A_371] {strides = array<i32>} : memref<1x2048xf32, #tpu.memory_space<vmem>>, vector<16xf32>,
        tpu.vector_store %arg16[%swap3A_370, %swap3A_371], %broadcast_in_dim3A_3 {strides = array<i32>} : memref<1x2048xf32, #tpu.memory_space<vmem>>, vector<16xf32>,
        %scan3A_373 = arith.constant 0 : i32
        scf.yield %scan3A_373 : i32
      }
      %scan3A_365 = arith.constant 128 : i32
      "tpu.region"() ({
        %run_scoped3A = tpu.sem_alloc : memref<!tpu.dma_semaphore, #tpu.memory_space<semaphore_mem>>
        tpu.enqueue_dma source(%arg16 : memref<1x2048xf32, #tpu.memory_space<vmem>>) target(%arg19 : memref<1x2048xf32, #tpu.memory_space<vmem_shared>>) target_semaphore(%run_scoped3A : memref<!tpu.dma_semaphore, #tpu.memory_space<semaphore_mem>>)
        tpu.wait_dma2 semaphore(%run_scoped3A : memref<!tpu.dma_semaphore, #tpu.memory_space<semaphore_mem>>) src(%arg16 : memref<1x2048xf32, #tpu.memory_space<vmem>>) dst(%arg19 : memref<1x2048xf32, #tpu.memory_space<vmem_shared>>)
        tpu.yield
      }) : () -> ()
    } else {
    }
    %barrier3A_103 = arith.constant 0 : index
    tpu.barrier barrier_id(%barrier3A_103)
    "tpu.region"() ({
      %run_scoped3A = tpu.sem_alloc : memref<!tpu.dma_semaphore, #tpu.memory_space<semaphore_mem>>
      %dma_start3A = arith.constant 0 : i32
      %dma_start3A_359 = arith.constant 0 : i32
      %dma_start3A_360 = tpu.memref_slice %arg19[%dma_start3A, %dma_start3A_359] : memref<1x2048xf32, #tpu.memory_space<vmem_shared>> -> memref<1x2048xf32, #tpu.memory_space<vmem_shared>>
      tpu.enqueue_indirect_dma source(%arg14 : memref<1x2048xf32, #tpu.memory_space<vmem>>) target(%dma_start3A_360 : memref<1x2048xf32, #tpu.memory_space<vmem_shared>>) offsets(%arg17 : memref<1xi32, #tpu.memory_space<vmem>>) semaphore(%run_scoped3A : memref<!tpu.dma_semaphore, #tpu.memory_space<semaphore_mem>>) {add = true}
      %dma_wait3A = arith.constant 0 : i32
      %dma_wait3A_361 = arith.constant 0 : i32
      %dma_wait3A_362 = tpu.memref_slice %arg19[%dma_wait3A, %dma_wait3A_361] : memref<1x2048xf32, #tpu.memory_space<vmem_shared>> -> memref<1x2048xf32, #tpu.memory_space<vmem_shared>>
      tpu.wait_indirect_dma semaphore(%run_scoped3A : memref<!tpu.dma_semaphore, #tpu.memory_space<semaphore_mem>>) src(%arg14 : memref<1x2048xf32, #tpu.memory_space<vmem>>) dst(%dma_wait3A_362 : memref<1x2048xf32, #tpu.memory_space<vmem_shared>>)
      tpu.yield
    }) : () -> ()
    %barrier3A_104 = arith.constant 0 : index
    tpu.barrier barrier_id(%barrier3A_104)
    "tpu.region"() ({
      %run_scoped3A = tpu.sem_alloc : memref<!tpu.dma_semaphore, #tpu.memory_space<semaphore_mem>>
      tpu.enqueue_dma source(%arg19 : memref<1x2048xf32, #tpu.memory_space<vmem_shared>>) target(%arg16 : memref<1x2048xf32, #tpu.memory_space<vmem>>) target_semaphore(%run_scoped3A : memref<!tpu.dma_semaphore, #tpu.memory_space<semaphore_mem>>)
      tpu.wait_dma2 semaphore(%run_scoped3A : memref<!tpu.dma_semaphore, #tpu.memory_space<semaphore_mem>>) src(%arg19 : memref<1x2048xf32, #tpu.memory_space<vmem_shared>>) dst(%arg16 : memref<1x2048xf32, #tpu.memory_space<vmem>>)
      tpu.yield
    }) : () -> ()
    %scan3A_105 = arith.constant 0 : i32
    %scan3A_106 = arith.constant 0 : i32
    %scan3A_107 = arith.constant 128 : i32
    %scan3A_108 = arith.addi %scan3A_106, %scan3A_107 : i32
    %scan3A_109 = arith.constant 1 : i32
    %scan3A_110 = scf.for %scan3A_359 = %scan3A_106 to %scan3A_108 step %scan3A_109 iter_args(%scan3A_360 = %scan3A_105) -> (i32)  : i32 {
      %mul3A_361 = arith.constant 16 : i32
      %mul3A_362 = arith.muli %scan3A_359, %mul3A_361 : i32
      %get3A = arith.constant 0 : i32
      %get3A_363 = arith.index_cast %get3A : i32 to index
      %get3A_364 = arith.index_cast %mul3A_362 : i32 to index
      %get3A_365 = tpu.vector_load %arg11[%get3A_363, %get3A_364] {strides = array<i32>} : memref<1x2048xf32, #tpu.memory_space<vmem>>, vector<16xf32>,
      %get3A_366 = arith.constant 0 : i32
      %get3A_367 = arith.index_cast %get3A_366 : i32 to index
      %get3A_368 = arith.index_cast %mul3A_362 : i32 to index
      %get3A_369 = tpu.vector_load %arg15[%get3A_367, %get3A_368] {strides = array<i32>} : memref<1x2048xf32, #tpu.memory_space<vmem>>, vector<16xf32>,
      %get3A_370 = arith.constant 0 : i32
      %get3A_371 = arith.index_cast %get3A_370 : i32 to index
      %get3A_372 = arith.index_cast %mul3A_362 : i32 to index
      %get3A_373 = tpu.vector_load %arg16[%get3A_371, %get3A_372] {strides = array<i32>} : memref<1x2048xf32, #tpu.memory_space<vmem>>, vector<16xf32>,
      %mul3A_374 = arith.mulf %get3A_369, %get3A_373 : vector<16xf32>
      %sub3A = arith.subf %get3A_365, %mul3A_374 : vector<16xf32>
      %swap3A = arith.constant 0 : i32
      %swap3A_375 = arith.index_cast %swap3A : i32 to index
      %swap3A_376 = arith.index_cast %mul3A_362 : i32 to index
      %swap3A_377 = tpu.vector_load %arg11[%swap3A_375, %swap3A_376] {strides = array<i32>} : memref<1x2048xf32, #tpu.memory_space<vmem>>, vector<16xf32>,
      tpu.vector_store %arg11[%swap3A_375, %swap3A_376], %sub3A {strides = array<i32>} : memref<1x2048xf32, #tpu.memory_space<vmem>>, vector<16xf32>,
      %scan3A_378 = arith.constant 0 : i32
      scf.yield %scan3A_378 : i32
    }
    %scan3A_111 = arith.constant 128 : i32
    %barrier3A_112 = arith.constant 0 : index
    tpu.barrier barrier_id(%barrier3A_112)
    %scan3A_113 = arith.constant 0 : i32
    %scan3A_114 = arith.constant 0 : i32
    %scan3A_115 = arith.constant 128 : i32
    %scan3A_116 = arith.addi %scan3A_114, %scan3A_115 : i32
    %scan3A_117 = arith.constant 1 : i32
    %scan3A_118 = scf.for %scan3A_359 = %scan3A_114 to %scan3A_116 step %scan3A_117 iter_args(%scan3A_360 = %scan3A_113) -> (i32)  : i32 {
      %mul3A_361 = arith.constant 16 : i32
      %mul3A_362 = arith.muli %scan3A_359, %mul3A_361 : i32
      %get3A = arith.constant 0 : i32
      %get3A_363 = arith.index_cast %get3A : i32 to index
      %get3A_364 = arith.index_cast %mul3A_362 : i32 to index
      %get3A_365 = tpu.vector_load %arg15[%get3A_363, %get3A_364] {strides = array<i32>} : memref<1x2048xf32, #tpu.memory_space<vmem>>, vector<16xf32>,
      %get3A_366 = arith.constant 0 : i32
      %get3A_367 = arith.index_cast %get3A_366 : i32 to index
      %get3A_368 = arith.index_cast %mul3A_362 : i32 to index
      %get3A_369 = tpu.vector_load %arg11[%get3A_367, %get3A_368] {strides = array<i32>} : memref<1x2048xf32, #tpu.memory_space<vmem>>, vector<16xf32>,
      %mul3A_370 = arith.mulf %get3A_365, %get3A_369 : vector<16xf32>
      %swap3A = arith.index_cast %mul3A_362 : i32 to index
      %swap3A_371 = tpu.vector_load %arg12[%swap3A] {strides = array<i32>} : memref<2048xf32, #tpu.memory_space<vmem>>, vector<16xf32>,
      tpu.vector_store %arg12[%swap3A], %mul3A_370 {strides = array<i32>} : memref<2048xf32, #tpu.memory_space<vmem>>, vector<16xf32>,
      %swap3A_372 = arith.index_cast %mul3A_362 : i32 to index
      %swap3A_373 = tpu.vector_load %arg13[%swap3A_372] {strides = array<i32>} : memref<2048xf32, #tpu.memory_space<vmem>>, vector<16xf32>,
      tpu.vector_store %arg13[%swap3A_372], %broadcast_in_dim3A_3 {strides = array<i32>} : memref<2048xf32, #tpu.memory_space<vmem>>, vector<16xf32>,
      %scan3A_374 = arith.constant 0 : i32
      scf.yield %scan3A_374 : i32
    }
    %scan3A_119 = arith.constant 128 : i32
    %scan3A_120 = arith.constant 0 : i32
    %scan3A_121 = arith.constant 0 : i32
    %scan3A_122 = arith.constant 512 : i32
    %scan3A_123 = arith.addi %scan3A_121, %scan3A_122 : i32
    %scan3A_124 = arith.constant 1 : i32
    %scan3A_125 = scf.for %scan3A_359 = %scan3A_121 to %scan3A_123 step %scan3A_124 iter_args(%scan3A_360 = %scan3A_120) -> (i32)  : i32 {
      %mul3A_361 = arith.constant 16 : i32
      %mul3A_362 = arith.muli %scan3A_359, %mul3A_361 : i32
      %get3A = arith.index_cast %mul3A_362 : i32 to index
      %get3A_363 = tpu.vector_load %arg9[%get3A] {strides = array<i32>} : memref<8192xi32, #tpu.memory_space<vmem>>, vector<16xi32>,
      %get3A_364 = arith.index_cast %mul3A_362 : i32 to index
      %get3A_365 = tpu.vector_load %arg10[%get3A_364] {strides = array<i32>} : memref<8192xf32, #tpu.memory_space<vmem>>, vector<16xf32>,
      %gather3A_366 = tpu.vector_load_idx %arg12[%get3A_363] : memref<2048xf32, #tpu.memory_space<vmem>>[vector<16xi32>], vector<16xf32>,
      %mul3A_367 = arith.mulf %get3A_365, %gather3A_366 : vector<16xf32>
      %iota3A_368 = tpu.iota {dimensions = array<i32: 0>} : vector<16xi32>
      %add3A_369 = arith.constant 8 : i32
      %add3A_370 = vector.broadcast %add3A_369 : i32 to vector<16xi32>
      %add3A_371 = arith.addi %iota3A_368, %add3A_370 : vector<16xi32>
      %and3A_372 = arith.constant 15 : i32
      %and3A_373 = vector.broadcast %and3A_372 : i32 to vector<16xi32>
      %and3A_374 = arith.andi %add3A_371, %and3A_373 : vector<16xi32>
      %lt3A_375 = arith.constant 0 : i32
      %lt3A_376 = vector.broadcast %lt3A_375 : i32 to vector<16xi32>
      %lt3A_377 = arith.cmpi slt, %and3A_374, %lt3A_376 : vector<16xi32>
      %add3A_378 = arith.constant 16 : i32
      %add3A_379 = vector.broadcast %add3A_378 : i32 to vector<16xi32>
      %add3A_380 = arith.addi %and3A_374, %add3A_379 : vector<16xi32>
      %select_n3A_381 = arith.select %lt3A_377, %add3A_380, %and3A_374 : vector<16xi1>, vector<16xi32>
      %broadcast_in_dim3A_382 = vector.shape_cast %select_n3A_381 : vector<16xi32> to vector<16x1xi32>
      %gather3A_383 = vector.shape_cast %broadcast_in_dim3A_382 : vector<16x1xi32> to vector<16xi32>
      %gather3A_384 = tpu.dynamic_gather %mul3A_367[%gather3A_383] in [0] : vector<16xf32>, vector<16xi32> -> vector<16xf32>
      %add3A_385 = arith.addf %mul3A_367, %gather3A_384 : vector<16xf32>
      %add3A_386 = arith.constant 4 : i32
      %add3A_387 = vector.broadcast %add3A_386 : i32 to vector<16xi32>
      %add3A_388 = arith.addi %iota3A_368, %add3A_387 : vector<16xi32>
      %and3A_389 = arith.constant 15 : i32
      %and3A_390 = vector.broadcast %and3A_389 : i32 to vector<16xi32>
      %and3A_391 = arith.andi %add3A_388, %and3A_390 : vector<16xi32>
      %lt3A_392 = arith.constant 0 : i32
      %lt3A_393 = vector.broadcast %lt3A_392 : i32 to vector<16xi32>
      %lt3A_394 = arith.cmpi slt, %and3A_391, %lt3A_393 : vector<16xi32>
      %add3A_395 = arith.constant 16 : i32
      %add3A_396 = vector.broadcast %add3A_395 : i32 to vector<16xi32>
      %add3A_397 = arith.addi %and3A_391, %add3A_396 : vector<16xi32>
      %select_n3A_398 = arith.select %lt3A_394, %add3A_397, %and3A_391 : vector<16xi1>, vector<16xi32>
      %broadcast_in_dim3A_399 = vector.shape_cast %select_n3A_398 : vector<16xi32> to vector<16x1xi32>
      %gather3A_400 = vector.shape_cast %broadcast_in_dim3A_399 : vector<16x1xi32> to vector<16xi32>
      %gather3A_401 = tpu.dynamic_gather %add3A_385[%gather3A_400] in [0] : vector<16xf32>, vector<16xi32> -> vector<16xf32>
      %add3A_402 = arith.addf %add3A_385, %gather3A_401 : vector<16xf32>
      %add3A_403 = arith.constant 2 : i32
      %add3A_404 = vector.broadcast %add3A_403 : i32 to vector<16xi32>
      %add3A_405 = arith.addi %iota3A_368, %add3A_404 : vector<16xi32>
      %and3A_406 = arith.constant 15 : i32
      %and3A_407 = vector.broadcast %and3A_406 : i32 to vector<16xi32>
      %and3A_408 = arith.andi %add3A_405, %and3A_407 : vector<16xi32>
      %lt3A_409 = arith.constant 0 : i32
      %lt3A_410 = vector.broadcast %lt3A_409 : i32 to vector<16xi32>
      %lt3A_411 = arith.cmpi slt, %and3A_408, %lt3A_410 : vector<16xi32>
      %add3A_412 = arith.constant 16 : i32
      %add3A_413 = vector.broadcast %add3A_412 : i32 to vector<16xi32>
      %add3A_414 = arith.addi %and3A_408, %add3A_413 : vector<16xi32>
      %select_n3A_415 = arith.select %lt3A_411, %add3A_414, %and3A_408 : vector<16xi1>, vector<16xi32>
      %broadcast_in_dim3A_416 = vector.shape_cast %select_n3A_415 : vector<16xi32> to vector<16x1xi32>
      %gather3A_417 = vector.shape_cast %broadcast_in_dim3A_416 : vector<16x1xi32> to vector<16xi32>
      %gather3A_418 = tpu.dynamic_gather %add3A_402[%gather3A_417] in [0] : vector<16xf32>, vector<16xi32> -> vector<16xf32>
      %add3A_419 = arith.addf %add3A_402, %gather3A_418 : vector<16xf32>
      %add3A_420 = arith.constant 1 : i32
      %add3A_421 = vector.broadcast %add3A_420 : i32 to vector<16xi32>
      %add3A_422 = arith.addi %iota3A_368, %add3A_421 : vector<16xi32>
      %and3A_423 = arith.constant 15 : i32
      %and3A_424 = vector.broadcast %and3A_423 : i32 to vector<16xi32>
      %and3A_425 = arith.andi %add3A_422, %and3A_424 : vector<16xi32>
      %lt3A_426 = arith.constant 0 : i32
      %lt3A_427 = vector.broadcast %lt3A_426 : i32 to vector<16xi32>
      %lt3A_428 = arith.cmpi slt, %and3A_425, %lt3A_427 : vector<16xi32>
      %add3A_429 = arith.constant 16 : i32
      %add3A_430 = vector.broadcast %add3A_429 : i32 to vector<16xi32>
      %add3A_431 = arith.addi %and3A_425, %add3A_430 : vector<16xi32>
      %select_n3A_432 = arith.select %lt3A_428, %add3A_431, %and3A_425 : vector<16xi1>, vector<16xi32>
      %broadcast_in_dim3A_433 = vector.shape_cast %select_n3A_432 : vector<16xi32> to vector<16x1xi32>
      %gather3A_434 = vector.shape_cast %broadcast_in_dim3A_433 : vector<16x1xi32> to vector<16xi32>
      %gather3A_435 = tpu.dynamic_gather %add3A_419[%gather3A_434] in [0] : vector<16xf32>, vector<16xi32> -> vector<16xf32>
      %add3A_436 = arith.addf %add3A_419, %gather3A_435 : vector<16xf32>
      %iota3A_437 = tpu.iota {dimensions = array<i32: 0>} : vector<16xi32>
      %add3A_438 = arith.constant 8 : i32
      %add3A_439 = vector.broadcast %add3A_438 : i32 to vector<16xi32>
      %add3A_440 = arith.addi %iota3A_437, %add3A_439 : vector<16xi32>
      %and3A_441 = arith.constant 15 : i32
      %and3A_442 = vector.broadcast %and3A_441 : i32 to vector<16xi32>
      %and3A_443 = arith.andi %add3A_440, %and3A_442 : vector<16xi32>
      %lt3A_444 = arith.constant 0 : i32
      %lt3A_445 = vector.broadcast %lt3A_444 : i32 to vector<16xi32>
      %lt3A_446 = arith.cmpi slt, %and3A_443, %lt3A_445 : vector<16xi32>
      %add3A_447 = arith.constant 16 : i32
      %add3A_448 = vector.broadcast %add3A_447 : i32 to vector<16xi32>
      %add3A_449 = arith.addi %and3A_443, %add3A_448 : vector<16xi32>
      %select_n3A_450 = arith.select %lt3A_446, %add3A_449, %and3A_443 : vector<16xi1>, vector<16xi32>
      %broadcast_in_dim3A_451 = vector.shape_cast %select_n3A_450 : vector<16xi32> to vector<16x1xi32>
      %gather3A_452 = vector.shape_cast %broadcast_in_dim3A_451 : vector<16x1xi32> to vector<16xi32>
      %gather3A_453 = tpu.dynamic_gather %get3A_365[%gather3A_452] in [0] : vector<16xf32>, vector<16xi32> -> vector<16xf32>
      %add3A_454 = arith.addf %get3A_365, %gather3A_453 : vector<16xf32>
      %add3A_455 = arith.constant 4 : i32
      %add3A_456 = vector.broadcast %add3A_455 : i32 to vector<16xi32>
      %add3A_457 = arith.addi %iota3A_437, %add3A_456 : vector<16xi32>
      %and3A_458 = arith.constant 15 : i32
      %and3A_459 = vector.broadcast %and3A_458 : i32 to vector<16xi32>
      %and3A_460 = arith.andi %add3A_457, %and3A_459 : vector<16xi32>
      %lt3A_461 = arith.constant 0 : i32
      %lt3A_462 = vector.broadcast %lt3A_461 : i32 to vector<16xi32>
      %lt3A_463 = arith.cmpi slt, %and3A_460, %lt3A_462 : vector<16xi32>
      %add3A_464 = arith.constant 16 : i32
      %add3A_465 = vector.broadcast %add3A_464 : i32 to vector<16xi32>
      %add3A_466 = arith.addi %and3A_460, %add3A_465 : vector<16xi32>
      %select_n3A_467 = arith.select %lt3A_463, %add3A_466, %and3A_460 : vector<16xi1>, vector<16xi32>
      %broadcast_in_dim3A_468 = vector.shape_cast %select_n3A_467 : vector<16xi32> to vector<16x1xi32>
      %gather3A_469 = vector.shape_cast %broadcast_in_dim3A_468 : vector<16x1xi32> to vector<16xi32>
      %gather3A_470 = tpu.dynamic_gather %add3A_454[%gather3A_469] in [0] : vector<16xf32>, vector<16xi32> -> vector<16xf32>
      %add3A_471 = arith.addf %add3A_454, %gather3A_470 : vector<16xf32>
      %add3A_472 = arith.constant 2 : i32
      %add3A_473 = vector.broadcast %add3A_472 : i32 to vector<16xi32>
      %add3A_474 = arith.addi %iota3A_437, %add3A_473 : vector<16xi32>
      %and3A_475 = arith.constant 15 : i32
      %and3A_476 = vector.broadcast %and3A_475 : i32 to vector<16xi32>
      %and3A_477 = arith.andi %add3A_474, %and3A_476 : vector<16xi32>
      %lt3A_478 = arith.constant 0 : i32
      %lt3A_479 = vector.broadcast %lt3A_478 : i32 to vector<16xi32>
      %lt3A_480 = arith.cmpi slt, %and3A_477, %lt3A_479 : vector<16xi32>
      %add3A_481 = arith.constant 16 : i32
      %add3A_482 = vector.broadcast %add3A_481 : i32 to vector<16xi32>
      %add3A_483 = arith.addi %and3A_477, %add3A_482 : vector<16xi32>
      %select_n3A_484 = arith.select %lt3A_480, %add3A_483, %and3A_477 : vector<16xi1>, vector<16xi32>
      %broadcast_in_dim3A_485 = vector.shape_cast %select_n3A_484 : vector<16xi32> to vector<16x1xi32>
      %gather3A_486 = vector.shape_cast %broadcast_in_dim3A_485 : vector<16x1xi32> to vector<16xi32>
      %gather3A_487 = tpu.dynamic_gather %add3A_471[%gather3A_486] in [0] : vector<16xf32>, vector<16xi32> -> vector<16xf32>
      %add3A_488 = arith.addf %add3A_471, %gather3A_487 : vector<16xf32>
      %add3A_489 = arith.constant 1 : i32
      %add3A_490 = vector.broadcast %add3A_489 : i32 to vector<16xi32>
      %add3A_491 = arith.addi %iota3A_437, %add3A_490 : vector<16xi32>
      %and3A_492 = arith.constant 15 : i32
      %and3A_493 = vector.broadcast %and3A_492 : i32 to vector<16xi32>
      %and3A_494 = arith.andi %add3A_491, %and3A_493 : vector<16xi32>
      %lt3A_495 = arith.constant 0 : i32
      %lt3A_496 = vector.broadcast %lt3A_495 : i32 to vector<16xi32>
      %lt3A_497 = arith.cmpi slt, %and3A_494, %lt3A_496 : vector<16xi32>
      %add3A_498 = arith.constant 16 : i32
      %add3A_499 = vector.broadcast %add3A_498 : i32 to vector<16xi32>
      %add3A_500 = arith.addi %and3A_494, %add3A_499 : vector<16xi32>
      %select_n3A_501 = arith.select %lt3A_497, %add3A_500, %and3A_494 : vector<16xi1>, vector<16xi32>
      %broadcast_in_dim3A_502 = vector.shape_cast %select_n3A_501 : vector<16xi32> to vector<16x1xi32>
      %gather3A_503 = vector.shape_cast %broadcast_in_dim3A_502 : vector<16x1xi32> to vector<16xi32>
      %gather3A_504 = tpu.dynamic_gather %add3A_488[%gather3A_503] in [0] : vector<16xf32>, vector<16xi32> -> vector<16xf32>
      %add3A_505 = arith.addf %add3A_488, %gather3A_504 : vector<16xf32>
      %add3A_506 = arith.constant 9.99999971E-10 : f32
      %add3A_507 = vector.broadcast %add3A_506 : f32 to vector<16xf32>
      %add3A_508 = arith.addf %add3A_505, %add3A_507 : vector<16xf32>
      %div3A = arith.divf %get3A_365, %add3A_508 : vector<16xf32>
      %mul3A_509 = arith.mulf %div3A, %add3A_436 : vector<16xf32>
      tpu.vector_store_idx %arg13[%get3A_363], %mul3A_509 {add = true} : memref<2048xf32, #tpu.memory_space<vmem>>[vector<16xi32>], vector<16xf32>,
      %scan3A_510 = arith.constant 0 : i32
      scf.yield %scan3A_510 : i32
    }
    %scan3A_126 = arith.constant 512 : i32
    %scan3A_127 = arith.constant 0 : i32
    %scan3A_128 = arith.constant 0 : i32
    %scan3A_129 = arith.constant 128 : i32
    %scan3A_130 = arith.addi %scan3A_128, %scan3A_129 : i32
    %scan3A_131 = arith.constant 1 : i32
    %scan3A_132 = scf.for %scan3A_359 = %scan3A_128 to %scan3A_130 step %scan3A_131 iter_args(%scan3A_360 = %scan3A_127) -> (i32)  : i32 {
      %mul3A_361 = arith.constant 16 : i32
      %mul3A_362 = arith.muli %scan3A_359, %mul3A_361 : i32
      %get3A = arith.index_cast %mul3A_362 : i32 to index
      %get3A_363 = tpu.vector_load %arg13[%get3A] {strides = array<i32>} : memref<2048xf32, #tpu.memory_space<vmem>>, vector<16xf32>,
      %swap3A = arith.constant 0 : i32
      %swap3A_364 = arith.index_cast %swap3A : i32 to index
      %swap3A_365 = arith.index_cast %mul3A_362 : i32 to index
      %swap3A_366 = tpu.vector_load %arg14[%swap3A_364, %swap3A_365] {strides = array<i32>} : memref<1x2048xf32, #tpu.memory_space<vmem>>, vector<16xf32>,
      tpu.vector_store %arg14[%swap3A_364, %swap3A_365], %get3A_363 {strides = array<i32>} : memref<1x2048xf32, #tpu.memory_space<vmem>>, vector<16xf32>,
      %scan3A_367 = arith.constant 0 : i32
      scf.yield %scan3A_367 : i32
    }
    %scan3A_133 = arith.constant 128 : i32
    %eq3A_134 = arith.constant 0 : i32
    %eq3A_135 = arith.cmpi eq, %arg1, %eq3A_134 : i32
    %convert_element_type3A_136 = arith.extui %eq3A_135 : i1 to i32
    %cond3A_137 = arith.constant 0 : i32
    %cond3A_138 = arith.cmpi ne, %convert_element_type3A_136, %cond3A_137 : i32
    scf.if %cond3A_138 {
      %scan3A_359 = arith.constant 0 : i32
      %scan3A_360 = arith.constant 0 : i32
      %scan3A_361 = arith.constant 128 : i32
      %scan3A_362 = arith.addi %scan3A_360, %scan3A_361 : i32
      %scan3A_363 = arith.constant 1 : i32
      %scan3A_364 = scf.for %scan3A_366 = %scan3A_360 to %scan3A_362 step %scan3A_363 iter_args(%scan3A_367 = %scan3A_359) -> (i32)  : i32 {
        %mul3A_368 = arith.constant 16 : i32
        %mul3A_369 = arith.muli %scan3A_366, %mul3A_368 : i32
        %swap3A = arith.constant 0 : i32
        %swap3A_370 = arith.index_cast %swap3A : i32 to index
        %swap3A_371 = arith.index_cast %mul3A_369 : i32 to index
        %swap3A_372 = tpu.vector_load %arg16[%swap3A_370, %swap3A_371] {strides = array<i32>} : memref<1x2048xf32, #tpu.memory_space<vmem>>, vector<16xf32>,
        tpu.vector_store %arg16[%swap3A_370, %swap3A_371], %broadcast_in_dim3A_3 {strides = array<i32>} : memref<1x2048xf32, #tpu.memory_space<vmem>>, vector<16xf32>,
        %scan3A_373 = arith.constant 0 : i32
        scf.yield %scan3A_373 : i32
      }
      %scan3A_365 = arith.constant 128 : i32
      "tpu.region"() ({
        %run_scoped3A = tpu.sem_alloc : memref<!tpu.dma_semaphore, #tpu.memory_space<semaphore_mem>>
        tpu.enqueue_dma source(%arg16 : memref<1x2048xf32, #tpu.memory_space<vmem>>) target(%arg19 : memref<1x2048xf32, #tpu.memory_space<vmem_shared>>) target_semaphore(%run_scoped3A : memref<!tpu.dma_semaphore, #tpu.memory_space<semaphore_mem>>)
        tpu.wait_dma2 semaphore(%run_scoped3A : memref<!tpu.dma_semaphore, #tpu.memory_space<semaphore_mem>>) src(%arg16 : memref<1x2048xf32, #tpu.memory_space<vmem>>) dst(%arg19 : memref<1x2048xf32, #tpu.memory_space<vmem_shared>>)
        tpu.yield
      }) : () -> ()
    } else {
    }
    %barrier3A_139 = arith.constant 0 : index
    tpu.barrier barrier_id(%barrier3A_139)
    "tpu.region"() ({
      %run_scoped3A = tpu.sem_alloc : memref<!tpu.dma_semaphore, #tpu.memory_space<semaphore_mem>>
      %dma_start3A = arith.constant 0 : i32
      %dma_start3A_359 = arith.constant 0 : i32
      %dma_start3A_360 = tpu.memref_slice %arg19[%dma_start3A, %dma_start3A_359] : memref<1x2048xf32, #tpu.memory_space<vmem_shared>> -> memref<1x2048xf32, #tpu.memory_space<vmem_shared>>
      tpu.enqueue_indirect_dma source(%arg14 : memref<1x2048xf32, #tpu.memory_space<vmem>>) target(%dma_start3A_360 : memref<1x2048xf32, #tpu.memory_space<vmem_shared>>) offsets(%arg17 : memref<1xi32, #tpu.memory_space<vmem>>) semaphore(%run_scoped3A : memref<!tpu.dma_semaphore, #tpu.memory_space<semaphore_mem>>) {add = true}
      %dma_wait3A = arith.constant 0 : i32
      %dma_wait3A_361 = arith.constant 0 : i32
      %dma_wait3A_362 = tpu.memref_slice %arg19[%dma_wait3A, %dma_wait3A_361] : memref<1x2048xf32, #tpu.memory_space<vmem_shared>> -> memref<1x2048xf32, #tpu.memory_space<vmem_shared>>
      tpu.wait_indirect_dma semaphore(%run_scoped3A : memref<!tpu.dma_semaphore, #tpu.memory_space<semaphore_mem>>) src(%arg14 : memref<1x2048xf32, #tpu.memory_space<vmem>>) dst(%dma_wait3A_362 : memref<1x2048xf32, #tpu.memory_space<vmem_shared>>)
      tpu.yield
    }) : () -> ()
    %barrier3A_140 = arith.constant 0 : index
    tpu.barrier barrier_id(%barrier3A_140)
    "tpu.region"() ({
      %run_scoped3A = tpu.sem_alloc : memref<!tpu.dma_semaphore, #tpu.memory_space<semaphore_mem>>
      tpu.enqueue_dma source(%arg19 : memref<1x2048xf32, #tpu.memory_space<vmem_shared>>) target(%arg16 : memref<1x2048xf32, #tpu.memory_space<vmem>>) target_semaphore(%run_scoped3A : memref<!tpu.dma_semaphore, #tpu.memory_space<semaphore_mem>>)
      tpu.wait_dma2 semaphore(%run_scoped3A : memref<!tpu.dma_semaphore, #tpu.memory_space<semaphore_mem>>) src(%arg19 : memref<1x2048xf32, #tpu.memory_space<vmem_shared>>) dst(%arg16 : memref<1x2048xf32, #tpu.memory_space<vmem>>)
      tpu.yield
    }) : () -> ()
    %scan3A_141 = arith.constant 0 : i32
    %scan3A_142 = arith.constant 0 : i32
    %scan3A_143 = arith.constant 128 : i32
    %scan3A_144 = arith.addi %scan3A_142, %scan3A_143 : i32
    %scan3A_145 = arith.constant 1 : i32
    %scan3A_146 = scf.for %scan3A_359 = %scan3A_142 to %scan3A_144 step %scan3A_145 iter_args(%scan3A_360 = %scan3A_141) -> (i32)  : i32 {
      %mul3A_361 = arith.constant 16 : i32
      %mul3A_362 = arith.muli %scan3A_359, %mul3A_361 : i32
      %get3A = arith.constant 0 : i32
      %get3A_363 = arith.index_cast %get3A : i32 to index
      %get3A_364 = arith.index_cast %mul3A_362 : i32 to index
      %get3A_365 = tpu.vector_load %arg11[%get3A_363, %get3A_364] {strides = array<i32>} : memref<1x2048xf32, #tpu.memory_space<vmem>>, vector<16xf32>,
      %get3A_366 = arith.constant 0 : i32
      %get3A_367 = arith.index_cast %get3A_366 : i32 to index
      %get3A_368 = arith.index_cast %mul3A_362 : i32 to index
      %get3A_369 = tpu.vector_load %arg15[%get3A_367, %get3A_368] {strides = array<i32>} : memref<1x2048xf32, #tpu.memory_space<vmem>>, vector<16xf32>,
      %get3A_370 = arith.constant 0 : i32
      %get3A_371 = arith.index_cast %get3A_370 : i32 to index
      %get3A_372 = arith.index_cast %mul3A_362 : i32 to index
      %get3A_373 = tpu.vector_load %arg16[%get3A_371, %get3A_372] {strides = array<i32>} : memref<1x2048xf32, #tpu.memory_space<vmem>>, vector<16xf32>,
      %mul3A_374 = arith.mulf %get3A_369, %get3A_373 : vector<16xf32>
      %sub3A = arith.subf %get3A_365, %mul3A_374 : vector<16xf32>
      %swap3A = arith.constant 0 : i32
      %swap3A_375 = arith.index_cast %swap3A : i32 to index
      %swap3A_376 = arith.index_cast %mul3A_362 : i32 to index
      %swap3A_377 = tpu.vector_load %arg11[%swap3A_375, %swap3A_376] {strides = array<i32>} : memref<1x2048xf32, #tpu.memory_space<vmem>>, vector<16xf32>,
      tpu.vector_store %arg11[%swap3A_375, %swap3A_376], %sub3A {strides = array<i32>} : memref<1x2048xf32, #tpu.memory_space<vmem>>, vector<16xf32>,
      %scan3A_378 = arith.constant 0 : i32
      scf.yield %scan3A_378 : i32
    }
    %scan3A_147 = arith.constant 128 : i32
    %barrier3A_148 = arith.constant 0 : index
    tpu.barrier barrier_id(%barrier3A_148)
    %scan3A_149 = arith.constant 0 : i32
    %scan3A_150 = arith.constant 0 : i32
    %scan3A_151 = arith.constant 128 : i32
    %scan3A_152 = arith.addi %scan3A_150, %scan3A_151 : i32
    %scan3A_153 = arith.constant 1 : i32
    %scan3A_154 = scf.for %scan3A_359 = %scan3A_150 to %scan3A_152 step %scan3A_153 iter_args(%scan3A_360 = %scan3A_149) -> (i32)  : i32 {
      %mul3A_361 = arith.constant 16 : i32
      %mul3A_362 = arith.muli %scan3A_359, %mul3A_361 : i32
      %get3A = arith.constant 0 : i32
      %get3A_363 = arith.index_cast %get3A : i32 to index
      %get3A_364 = arith.index_cast %mul3A_362 : i32 to index
      %get3A_365 = tpu.vector_load %arg15[%get3A_363, %get3A_364] {strides = array<i32>} : memref<1x2048xf32, #tpu.memory_space<vmem>>, vector<16xf32>,
      %get3A_366 = arith.constant 0 : i32
      %get3A_367 = arith.index_cast %get3A_366 : i32 to index
      %get3A_368 = arith.index_cast %mul3A_362 : i32 to index
      %get3A_369 = tpu.vector_load %arg11[%get3A_367, %get3A_368] {strides = array<i32>} : memref<1x2048xf32, #tpu.memory_space<vmem>>, vector<16xf32>,
      %mul3A_370 = arith.mulf %get3A_365, %get3A_369 : vector<16xf32>
      %swap3A = arith.index_cast %mul3A_362 : i32 to index
      %swap3A_371 = tpu.vector_load %arg12[%swap3A] {strides = array<i32>} : memref<2048xf32, #tpu.memory_space<vmem>>, vector<16xf32>,
      tpu.vector_store %arg12[%swap3A], %mul3A_370 {strides = array<i32>} : memref<2048xf32, #tpu.memory_space<vmem>>, vector<16xf32>,
      %swap3A_372 = arith.index_cast %mul3A_362 : i32 to index
      %swap3A_373 = tpu.vector_load %arg13[%swap3A_372] {strides = array<i32>} : memref<2048xf32, #tpu.memory_space<vmem>>, vector<16xf32>,
      tpu.vector_store %arg13[%swap3A_372], %broadcast_in_dim3A_3 {strides = array<i32>} : memref<2048xf32, #tpu.memory_space<vmem>>, vector<16xf32>,
      %scan3A_374 = arith.constant 0 : i32
      scf.yield %scan3A_374 : i32
    }
    %scan3A_155 = arith.constant 128 : i32
    %scan3A_156 = arith.constant 0 : i32
    %scan3A_157 = arith.constant 0 : i32
    %scan3A_158 = arith.constant 512 : i32
    %scan3A_159 = arith.addi %scan3A_157, %scan3A_158 : i32
    %scan3A_160 = arith.constant 1 : i32
    %scan3A_161 = scf.for %scan3A_359 = %scan3A_157 to %scan3A_159 step %scan3A_160 iter_args(%scan3A_360 = %scan3A_156) -> (i32)  : i32 {
      %mul3A_361 = arith.constant 16 : i32
      %mul3A_362 = arith.muli %scan3A_359, %mul3A_361 : i32
      %get3A = arith.index_cast %mul3A_362 : i32 to index
      %get3A_363 = tpu.vector_load %arg9[%get3A] {strides = array<i32>} : memref<8192xi32, #tpu.memory_space<vmem>>, vector<16xi32>,
      %get3A_364 = arith.index_cast %mul3A_362 : i32 to index
      %get3A_365 = tpu.vector_load %arg10[%get3A_364] {strides = array<i32>} : memref<8192xf32, #tpu.memory_space<vmem>>, vector<16xf32>,
      %gather3A_366 = tpu.vector_load_idx %arg12[%get3A_363] : memref<2048xf32, #tpu.memory_space<vmem>>[vector<16xi32>], vector<16xf32>,
      %mul3A_367 = arith.mulf %get3A_365, %gather3A_366 : vector<16xf32>
      %iota3A_368 = tpu.iota {dimensions = array<i32: 0>} : vector<16xi32>
      %add3A_369 = arith.constant 8 : i32
      %add3A_370 = vector.broadcast %add3A_369 : i32 to vector<16xi32>
      %add3A_371 = arith.addi %iota3A_368, %add3A_370 : vector<16xi32>
      %and3A_372 = arith.constant 15 : i32
      %and3A_373 = vector.broadcast %and3A_372 : i32 to vector<16xi32>
      %and3A_374 = arith.andi %add3A_371, %and3A_373 : vector<16xi32>
      %lt3A_375 = arith.constant 0 : i32
      %lt3A_376 = vector.broadcast %lt3A_375 : i32 to vector<16xi32>
      %lt3A_377 = arith.cmpi slt, %and3A_374, %lt3A_376 : vector<16xi32>
      %add3A_378 = arith.constant 16 : i32
      %add3A_379 = vector.broadcast %add3A_378 : i32 to vector<16xi32>
      %add3A_380 = arith.addi %and3A_374, %add3A_379 : vector<16xi32>
      %select_n3A_381 = arith.select %lt3A_377, %add3A_380, %and3A_374 : vector<16xi1>, vector<16xi32>
      %broadcast_in_dim3A_382 = vector.shape_cast %select_n3A_381 : vector<16xi32> to vector<16x1xi32>
      %gather3A_383 = vector.shape_cast %broadcast_in_dim3A_382 : vector<16x1xi32> to vector<16xi32>
      %gather3A_384 = tpu.dynamic_gather %mul3A_367[%gather3A_383] in [0] : vector<16xf32>, vector<16xi32> -> vector<16xf32>
      %add3A_385 = arith.addf %mul3A_367, %gather3A_384 : vector<16xf32>
      %add3A_386 = arith.constant 4 : i32
      %add3A_387 = vector.broadcast %add3A_386 : i32 to vector<16xi32>
      %add3A_388 = arith.addi %iota3A_368, %add3A_387 : vector<16xi32>
      %and3A_389 = arith.constant 15 : i32
      %and3A_390 = vector.broadcast %and3A_389 : i32 to vector<16xi32>
      %and3A_391 = arith.andi %add3A_388, %and3A_390 : vector<16xi32>
      %lt3A_392 = arith.constant 0 : i32
      %lt3A_393 = vector.broadcast %lt3A_392 : i32 to vector<16xi32>
      %lt3A_394 = arith.cmpi slt, %and3A_391, %lt3A_393 : vector<16xi32>
      %add3A_395 = arith.constant 16 : i32
      %add3A_396 = vector.broadcast %add3A_395 : i32 to vector<16xi32>
      %add3A_397 = arith.addi %and3A_391, %add3A_396 : vector<16xi32>
      %select_n3A_398 = arith.select %lt3A_394, %add3A_397, %and3A_391 : vector<16xi1>, vector<16xi32>
      %broadcast_in_dim3A_399 = vector.shape_cast %select_n3A_398 : vector<16xi32> to vector<16x1xi32>
      %gather3A_400 = vector.shape_cast %broadcast_in_dim3A_399 : vector<16x1xi32> to vector<16xi32>
      %gather3A_401 = tpu.dynamic_gather %add3A_385[%gather3A_400] in [0] : vector<16xf32>, vector<16xi32> -> vector<16xf32>
      %add3A_402 = arith.addf %add3A_385, %gather3A_401 : vector<16xf32>
      %add3A_403 = arith.constant 2 : i32
      %add3A_404 = vector.broadcast %add3A_403 : i32 to vector<16xi32>
      %add3A_405 = arith.addi %iota3A_368, %add3A_404 : vector<16xi32>
      %and3A_406 = arith.constant 15 : i32
      %and3A_407 = vector.broadcast %and3A_406 : i32 to vector<16xi32>
      %and3A_408 = arith.andi %add3A_405, %and3A_407 : vector<16xi32>
      %lt3A_409 = arith.constant 0 : i32
      %lt3A_410 = vector.broadcast %lt3A_409 : i32 to vector<16xi32>
      %lt3A_411 = arith.cmpi slt, %and3A_408, %lt3A_410 : vector<16xi32>
      %add3A_412 = arith.constant 16 : i32
      %add3A_413 = vector.broadcast %add3A_412 : i32 to vector<16xi32>
      %add3A_414 = arith.addi %and3A_408, %add3A_413 : vector<16xi32>
      %select_n3A_415 = arith.select %lt3A_411, %add3A_414, %and3A_408 : vector<16xi1>, vector<16xi32>
      %broadcast_in_dim3A_416 = vector.shape_cast %select_n3A_415 : vector<16xi32> to vector<16x1xi32>
      %gather3A_417 = vector.shape_cast %broadcast_in_dim3A_416 : vector<16x1xi32> to vector<16xi32>
      %gather3A_418 = tpu.dynamic_gather %add3A_402[%gather3A_417] in [0] : vector<16xf32>, vector<16xi32> -> vector<16xf32>
      %add3A_419 = arith.addf %add3A_402, %gather3A_418 : vector<16xf32>
      %add3A_420 = arith.constant 1 : i32
      %add3A_421 = vector.broadcast %add3A_420 : i32 to vector<16xi32>
      %add3A_422 = arith.addi %iota3A_368, %add3A_421 : vector<16xi32>
      %and3A_423 = arith.constant 15 : i32
      %and3A_424 = vector.broadcast %and3A_423 : i32 to vector<16xi32>
      %and3A_425 = arith.andi %add3A_422, %and3A_424 : vector<16xi32>
      %lt3A_426 = arith.constant 0 : i32
      %lt3A_427 = vector.broadcast %lt3A_426 : i32 to vector<16xi32>
      %lt3A_428 = arith.cmpi slt, %and3A_425, %lt3A_427 : vector<16xi32>
      %add3A_429 = arith.constant 16 : i32
      %add3A_430 = vector.broadcast %add3A_429 : i32 to vector<16xi32>
      %add3A_431 = arith.addi %and3A_425, %add3A_430 : vector<16xi32>
      %select_n3A_432 = arith.select %lt3A_428, %add3A_431, %and3A_425 : vector<16xi1>, vector<16xi32>
      %broadcast_in_dim3A_433 = vector.shape_cast %select_n3A_432 : vector<16xi32> to vector<16x1xi32>
      %gather3A_434 = vector.shape_cast %broadcast_in_dim3A_433 : vector<16x1xi32> to vector<16xi32>
      %gather3A_435 = tpu.dynamic_gather %add3A_419[%gather3A_434] in [0] : vector<16xf32>, vector<16xi32> -> vector<16xf32>
      %add3A_436 = arith.addf %add3A_419, %gather3A_435 : vector<16xf32>
      %iota3A_437 = tpu.iota {dimensions = array<i32: 0>} : vector<16xi32>
      %add3A_438 = arith.constant 8 : i32
      %add3A_439 = vector.broadcast %add3A_438 : i32 to vector<16xi32>
      %add3A_440 = arith.addi %iota3A_437, %add3A_439 : vector<16xi32>
      %and3A_441 = arith.constant 15 : i32
      %and3A_442 = vector.broadcast %and3A_441 : i32 to vector<16xi32>
      %and3A_443 = arith.andi %add3A_440, %and3A_442 : vector<16xi32>
      %lt3A_444 = arith.constant 0 : i32
      %lt3A_445 = vector.broadcast %lt3A_444 : i32 to vector<16xi32>
      %lt3A_446 = arith.cmpi slt, %and3A_443, %lt3A_445 : vector<16xi32>
      %add3A_447 = arith.constant 16 : i32
      %add3A_448 = vector.broadcast %add3A_447 : i32 to vector<16xi32>
      %add3A_449 = arith.addi %and3A_443, %add3A_448 : vector<16xi32>
      %select_n3A_450 = arith.select %lt3A_446, %add3A_449, %and3A_443 : vector<16xi1>, vector<16xi32>
      %broadcast_in_dim3A_451 = vector.shape_cast %select_n3A_450 : vector<16xi32> to vector<16x1xi32>
      %gather3A_452 = vector.shape_cast %broadcast_in_dim3A_451 : vector<16x1xi32> to vector<16xi32>
      %gather3A_453 = tpu.dynamic_gather %get3A_365[%gather3A_452] in [0] : vector<16xf32>, vector<16xi32> -> vector<16xf32>
      %add3A_454 = arith.addf %get3A_365, %gather3A_453 : vector<16xf32>
      %add3A_455 = arith.constant 4 : i32
      %add3A_456 = vector.broadcast %add3A_455 : i32 to vector<16xi32>
      %add3A_457 = arith.addi %iota3A_437, %add3A_456 : vector<16xi32>
      %and3A_458 = arith.constant 15 : i32
      %and3A_459 = vector.broadcast %and3A_458 : i32 to vector<16xi32>
      %and3A_460 = arith.andi %add3A_457, %and3A_459 : vector<16xi32>
      %lt3A_461 = arith.constant 0 : i32
      %lt3A_462 = vector.broadcast %lt3A_461 : i32 to vector<16xi32>
      %lt3A_463 = arith.cmpi slt, %and3A_460, %lt3A_462 : vector<16xi32>
      %add3A_464 = arith.constant 16 : i32
      %add3A_465 = vector.broadcast %add3A_464 : i32 to vector<16xi32>
      %add3A_466 = arith.addi %and3A_460, %add3A_465 : vector<16xi32>
      %select_n3A_467 = arith.select %lt3A_463, %add3A_466, %and3A_460 : vector<16xi1>, vector<16xi32>
      %broadcast_in_dim3A_468 = vector.shape_cast %select_n3A_467 : vector<16xi32> to vector<16x1xi32>
      %gather3A_469 = vector.shape_cast %broadcast_in_dim3A_468 : vector<16x1xi32> to vector<16xi32>
      %gather3A_470 = tpu.dynamic_gather %add3A_454[%gather3A_469] in [0] : vector<16xf32>, vector<16xi32> -> vector<16xf32>
      %add3A_471 = arith.addf %add3A_454, %gather3A_470 : vector<16xf32>
      %add3A_472 = arith.constant 2 : i32
      %add3A_473 = vector.broadcast %add3A_472 : i32 to vector<16xi32>
      %add3A_474 = arith.addi %iota3A_437, %add3A_473 : vector<16xi32>
      %and3A_475 = arith.constant 15 : i32
      %and3A_476 = vector.broadcast %and3A_475 : i32 to vector<16xi32>
      %and3A_477 = arith.andi %add3A_474, %and3A_476 : vector<16xi32>
      %lt3A_478 = arith.constant 0 : i32
      %lt3A_479 = vector.broadcast %lt3A_478 : i32 to vector<16xi32>
      %lt3A_480 = arith.cmpi slt, %and3A_477, %lt3A_479 : vector<16xi32>
      %add3A_481 = arith.constant 16 : i32
      %add3A_482 = vector.broadcast %add3A_481 : i32 to vector<16xi32>
      %add3A_483 = arith.addi %and3A_477, %add3A_482 : vector<16xi32>
      %select_n3A_484 = arith.select %lt3A_480, %add3A_483, %and3A_477 : vector<16xi1>, vector<16xi32>
      %broadcast_in_dim3A_485 = vector.shape_cast %select_n3A_484 : vector<16xi32> to vector<16x1xi32>
      %gather3A_486 = vector.shape_cast %broadcast_in_dim3A_485 : vector<16x1xi32> to vector<16xi32>
      %gather3A_487 = tpu.dynamic_gather %add3A_471[%gather3A_486] in [0] : vector<16xf32>, vector<16xi32> -> vector<16xf32>
      %add3A_488 = arith.addf %add3A_471, %gather3A_487 : vector<16xf32>
      %add3A_489 = arith.constant 1 : i32
      %add3A_490 = vector.broadcast %add3A_489 : i32 to vector<16xi32>
      %add3A_491 = arith.addi %iota3A_437, %add3A_490 : vector<16xi32>
      %and3A_492 = arith.constant 15 : i32
      %and3A_493 = vector.broadcast %and3A_492 : i32 to vector<16xi32>
      %and3A_494 = arith.andi %add3A_491, %and3A_493 : vector<16xi32>
      %lt3A_495 = arith.constant 0 : i32
      %lt3A_496 = vector.broadcast %lt3A_495 : i32 to vector<16xi32>
      %lt3A_497 = arith.cmpi slt, %and3A_494, %lt3A_496 : vector<16xi32>
      %add3A_498 = arith.constant 16 : i32
      %add3A_499 = vector.broadcast %add3A_498 : i32 to vector<16xi32>
      %add3A_500 = arith.addi %and3A_494, %add3A_499 : vector<16xi32>
      %select_n3A_501 = arith.select %lt3A_497, %add3A_500, %and3A_494 : vector<16xi1>, vector<16xi32>
      %broadcast_in_dim3A_502 = vector.shape_cast %select_n3A_501 : vector<16xi32> to vector<16x1xi32>
      %gather3A_503 = vector.shape_cast %broadcast_in_dim3A_502 : vector<16x1xi32> to vector<16xi32>
      %gather3A_504 = tpu.dynamic_gather %add3A_488[%gather3A_503] in [0] : vector<16xf32>, vector<16xi32> -> vector<16xf32>
      %add3A_505 = arith.addf %add3A_488, %gather3A_504 : vector<16xf32>
      %add3A_506 = arith.constant 9.99999971E-10 : f32
      %add3A_507 = vector.broadcast %add3A_506 : f32 to vector<16xf32>
      %add3A_508 = arith.addf %add3A_505, %add3A_507 : vector<16xf32>
      %div3A = arith.divf %get3A_365, %add3A_508 : vector<16xf32>
      %mul3A_509 = arith.mulf %div3A, %add3A_436 : vector<16xf32>
      tpu.vector_store_idx %arg13[%get3A_363], %mul3A_509 {add = true} : memref<2048xf32, #tpu.memory_space<vmem>>[vector<16xi32>], vector<16xf32>,
      %scan3A_510 = arith.constant 0 : i32
      scf.yield %scan3A_510 : i32
    }
    %scan3A_162 = arith.constant 512 : i32
    %scan3A_163 = arith.constant 0 : i32
    %scan3A_164 = arith.constant 0 : i32
    %scan3A_165 = arith.constant 128 : i32
    %scan3A_166 = arith.addi %scan3A_164, %scan3A_165 : i32
    %scan3A_167 = arith.constant 1 : i32
    %scan3A_168 = scf.for %scan3A_359 = %scan3A_164 to %scan3A_166 step %scan3A_167 iter_args(%scan3A_360 = %scan3A_163) -> (i32)  : i32 {
      %mul3A_361 = arith.constant 16 : i32
      %mul3A_362 = arith.muli %scan3A_359, %mul3A_361 : i32
      %get3A = arith.index_cast %mul3A_362 : i32 to index
      %get3A_363 = tpu.vector_load %arg13[%get3A] {strides = array<i32>} : memref<2048xf32, #tpu.memory_space<vmem>>, vector<16xf32>,
      %swap3A = arith.constant 0 : i32
      %swap3A_364 = arith.index_cast %swap3A : i32 to index
      %swap3A_365 = arith.index_cast %mul3A_362 : i32 to index
      %swap3A_366 = tpu.vector_load %arg14[%swap3A_364, %swap3A_365] {strides = array<i32>} : memref<1x2048xf32, #tpu.memory_space<vmem>>, vector<16xf32>,
      tpu.vector_store %arg14[%swap3A_364, %swap3A_365], %get3A_363 {strides = array<i32>} : memref<1x2048xf32, #tpu.memory_space<vmem>>, vector<16xf32>,
      %scan3A_367 = arith.constant 0 : i32
      scf.yield %scan3A_367 : i32
    }
    %scan3A_169 = arith.constant 128 : i32
    %eq3A_170 = arith.constant 0 : i32
    %eq3A_171 = arith.cmpi eq, %arg1, %eq3A_170 : i32
    %convert_element_type3A_172 = arith.extui %eq3A_171 : i1 to i32
    %cond3A_173 = arith.constant 0 : i32
    %cond3A_174 = arith.cmpi ne, %convert_element_type3A_172, %cond3A_173 : i32
    scf.if %cond3A_174 {
      %scan3A_359 = arith.constant 0 : i32
      %scan3A_360 = arith.constant 0 : i32
      %scan3A_361 = arith.constant 128 : i32
      %scan3A_362 = arith.addi %scan3A_360, %scan3A_361 : i32
      %scan3A_363 = arith.constant 1 : i32
      %scan3A_364 = scf.for %scan3A_366 = %scan3A_360 to %scan3A_362 step %scan3A_363 iter_args(%scan3A_367 = %scan3A_359) -> (i32)  : i32 {
        %mul3A_368 = arith.constant 16 : i32
        %mul3A_369 = arith.muli %scan3A_366, %mul3A_368 : i32
        %swap3A = arith.constant 0 : i32
        %swap3A_370 = arith.index_cast %swap3A : i32 to index
        %swap3A_371 = arith.index_cast %mul3A_369 : i32 to index
        %swap3A_372 = tpu.vector_load %arg16[%swap3A_370, %swap3A_371] {strides = array<i32>} : memref<1x2048xf32, #tpu.memory_space<vmem>>, vector<16xf32>,
        tpu.vector_store %arg16[%swap3A_370, %swap3A_371], %broadcast_in_dim3A_3 {strides = array<i32>} : memref<1x2048xf32, #tpu.memory_space<vmem>>, vector<16xf32>,
        %scan3A_373 = arith.constant 0 : i32
        scf.yield %scan3A_373 : i32
      }
      %scan3A_365 = arith.constant 128 : i32
      "tpu.region"() ({
        %run_scoped3A = tpu.sem_alloc : memref<!tpu.dma_semaphore, #tpu.memory_space<semaphore_mem>>
        tpu.enqueue_dma source(%arg16 : memref<1x2048xf32, #tpu.memory_space<vmem>>) target(%arg19 : memref<1x2048xf32, #tpu.memory_space<vmem_shared>>) target_semaphore(%run_scoped3A : memref<!tpu.dma_semaphore, #tpu.memory_space<semaphore_mem>>)
        tpu.wait_dma2 semaphore(%run_scoped3A : memref<!tpu.dma_semaphore, #tpu.memory_space<semaphore_mem>>) src(%arg16 : memref<1x2048xf32, #tpu.memory_space<vmem>>) dst(%arg19 : memref<1x2048xf32, #tpu.memory_space<vmem_shared>>)
        tpu.yield
      }) : () -> ()
    } else {
    }
    %barrier3A_175 = arith.constant 0 : index
    tpu.barrier barrier_id(%barrier3A_175)
    "tpu.region"() ({
      %run_scoped3A = tpu.sem_alloc : memref<!tpu.dma_semaphore, #tpu.memory_space<semaphore_mem>>
      %dma_start3A = arith.constant 0 : i32
      %dma_start3A_359 = arith.constant 0 : i32
      %dma_start3A_360 = tpu.memref_slice %arg19[%dma_start3A, %dma_start3A_359] : memref<1x2048xf32, #tpu.memory_space<vmem_shared>> -> memref<1x2048xf32, #tpu.memory_space<vmem_shared>>
      tpu.enqueue_indirect_dma source(%arg14 : memref<1x2048xf32, #tpu.memory_space<vmem>>) target(%dma_start3A_360 : memref<1x2048xf32, #tpu.memory_space<vmem_shared>>) offsets(%arg17 : memref<1xi32, #tpu.memory_space<vmem>>) semaphore(%run_scoped3A : memref<!tpu.dma_semaphore, #tpu.memory_space<semaphore_mem>>) {add = true}
      %dma_wait3A = arith.constant 0 : i32
      %dma_wait3A_361 = arith.constant 0 : i32
      %dma_wait3A_362 = tpu.memref_slice %arg19[%dma_wait3A, %dma_wait3A_361] : memref<1x2048xf32, #tpu.memory_space<vmem_shared>> -> memref<1x2048xf32, #tpu.memory_space<vmem_shared>>
      tpu.wait_indirect_dma semaphore(%run_scoped3A : memref<!tpu.dma_semaphore, #tpu.memory_space<semaphore_mem>>) src(%arg14 : memref<1x2048xf32, #tpu.memory_space<vmem>>) dst(%dma_wait3A_362 : memref<1x2048xf32, #tpu.memory_space<vmem_shared>>)
      tpu.yield
    }) : () -> ()
    %barrier3A_176 = arith.constant 0 : index
    tpu.barrier barrier_id(%barrier3A_176)
    "tpu.region"() ({
      %run_scoped3A = tpu.sem_alloc : memref<!tpu.dma_semaphore, #tpu.memory_space<semaphore_mem>>
      tpu.enqueue_dma source(%arg19 : memref<1x2048xf32, #tpu.memory_space<vmem_shared>>) target(%arg16 : memref<1x2048xf32, #tpu.memory_space<vmem>>) target_semaphore(%run_scoped3A : memref<!tpu.dma_semaphore, #tpu.memory_space<semaphore_mem>>)
      tpu.wait_dma2 semaphore(%run_scoped3A : memref<!tpu.dma_semaphore, #tpu.memory_space<semaphore_mem>>) src(%arg19 : memref<1x2048xf32, #tpu.memory_space<vmem_shared>>) dst(%arg16 : memref<1x2048xf32, #tpu.memory_space<vmem>>)
      tpu.yield
    }) : () -> ()
    %scan3A_177 = arith.constant 0 : i32
    %scan3A_178 = arith.constant 0 : i32
    %scan3A_179 = arith.constant 128 : i32
    %scan3A_180 = arith.addi %scan3A_178, %scan3A_179 : i32
    %scan3A_181 = arith.constant 1 : i32
    %scan3A_182 = scf.for %scan3A_359 = %scan3A_178 to %scan3A_180 step %scan3A_181 iter_args(%scan3A_360 = %scan3A_177) -> (i32)  : i32 {
      %mul3A_361 = arith.constant 16 : i32
      %mul3A_362 = arith.muli %scan3A_359, %mul3A_361 : i32
      %get3A = arith.constant 0 : i32
      %get3A_363 = arith.index_cast %get3A : i32 to index
      %get3A_364 = arith.index_cast %mul3A_362 : i32 to index
      %get3A_365 = tpu.vector_load %arg11[%get3A_363, %get3A_364] {strides = array<i32>} : memref<1x2048xf32, #tpu.memory_space<vmem>>, vector<16xf32>,
      %get3A_366 = arith.constant 0 : i32
      %get3A_367 = arith.index_cast %get3A_366 : i32 to index
      %get3A_368 = arith.index_cast %mul3A_362 : i32 to index
      %get3A_369 = tpu.vector_load %arg15[%get3A_367, %get3A_368] {strides = array<i32>} : memref<1x2048xf32, #tpu.memory_space<vmem>>, vector<16xf32>,
      %get3A_370 = arith.constant 0 : i32
      %get3A_371 = arith.index_cast %get3A_370 : i32 to index
      %get3A_372 = arith.index_cast %mul3A_362 : i32 to index
      %get3A_373 = tpu.vector_load %arg16[%get3A_371, %get3A_372] {strides = array<i32>} : memref<1x2048xf32, #tpu.memory_space<vmem>>, vector<16xf32>,
      %mul3A_374 = arith.mulf %get3A_369, %get3A_373 : vector<16xf32>
      %sub3A = arith.subf %get3A_365, %mul3A_374 : vector<16xf32>
      %swap3A = arith.constant 0 : i32
      %swap3A_375 = arith.index_cast %swap3A : i32 to index
      %swap3A_376 = arith.index_cast %mul3A_362 : i32 to index
      %swap3A_377 = tpu.vector_load %arg11[%swap3A_375, %swap3A_376] {strides = array<i32>} : memref<1x2048xf32, #tpu.memory_space<vmem>>, vector<16xf32>,
      tpu.vector_store %arg11[%swap3A_375, %swap3A_376], %sub3A {strides = array<i32>} : memref<1x2048xf32, #tpu.memory_space<vmem>>, vector<16xf32>,
      %scan3A_378 = arith.constant 0 : i32
      scf.yield %scan3A_378 : i32
    }
    %scan3A_183 = arith.constant 128 : i32
    %barrier3A_184 = arith.constant 0 : index
    tpu.barrier barrier_id(%barrier3A_184)
    %scan3A_185 = arith.constant 0 : i32
    %scan3A_186 = arith.constant 0 : i32
    %scan3A_187 = arith.constant 128 : i32
    %scan3A_188 = arith.addi %scan3A_186, %scan3A_187 : i32
    %scan3A_189 = arith.constant 1 : i32
    %scan3A_190 = scf.for %scan3A_359 = %scan3A_186 to %scan3A_188 step %scan3A_189 iter_args(%scan3A_360 = %scan3A_185) -> (i32)  : i32 {
      %mul3A_361 = arith.constant 16 : i32
      %mul3A_362 = arith.muli %scan3A_359, %mul3A_361 : i32
      %get3A = arith.constant 0 : i32
      %get3A_363 = arith.index_cast %get3A : i32 to index
      %get3A_364 = arith.index_cast %mul3A_362 : i32 to index
      %get3A_365 = tpu.vector_load %arg15[%get3A_363, %get3A_364] {strides = array<i32>} : memref<1x2048xf32, #tpu.memory_space<vmem>>, vector<16xf32>,
      %get3A_366 = arith.constant 0 : i32
      %get3A_367 = arith.index_cast %get3A_366 : i32 to index
      %get3A_368 = arith.index_cast %mul3A_362 : i32 to index
      %get3A_369 = tpu.vector_load %arg11[%get3A_367, %get3A_368] {strides = array<i32>} : memref<1x2048xf32, #tpu.memory_space<vmem>>, vector<16xf32>,
      %mul3A_370 = arith.mulf %get3A_365, %get3A_369 : vector<16xf32>
      %swap3A = arith.index_cast %mul3A_362 : i32 to index
      %swap3A_371 = tpu.vector_load %arg12[%swap3A] {strides = array<i32>} : memref<2048xf32, #tpu.memory_space<vmem>>, vector<16xf32>,
      tpu.vector_store %arg12[%swap3A], %mul3A_370 {strides = array<i32>} : memref<2048xf32, #tpu.memory_space<vmem>>, vector<16xf32>,
      %swap3A_372 = arith.index_cast %mul3A_362 : i32 to index
      %swap3A_373 = tpu.vector_load %arg13[%swap3A_372] {strides = array<i32>} : memref<2048xf32, #tpu.memory_space<vmem>>, vector<16xf32>,
      tpu.vector_store %arg13[%swap3A_372], %broadcast_in_dim3A_3 {strides = array<i32>} : memref<2048xf32, #tpu.memory_space<vmem>>, vector<16xf32>,
      %scan3A_374 = arith.constant 0 : i32
      scf.yield %scan3A_374 : i32
    }
    %scan3A_191 = arith.constant 128 : i32
    %scan3A_192 = arith.constant 0 : i32
    %scan3A_193 = arith.constant 0 : i32
    %scan3A_194 = arith.constant 512 : i32
    %scan3A_195 = arith.addi %scan3A_193, %scan3A_194 : i32
    %scan3A_196 = arith.constant 1 : i32
    %scan3A_197 = scf.for %scan3A_359 = %scan3A_193 to %scan3A_195 step %scan3A_196 iter_args(%scan3A_360 = %scan3A_192) -> (i32)  : i32 {
      %mul3A_361 = arith.constant 16 : i32
      %mul3A_362 = arith.muli %scan3A_359, %mul3A_361 : i32
      %get3A = arith.index_cast %mul3A_362 : i32 to index
      %get3A_363 = tpu.vector_load %arg9[%get3A] {strides = array<i32>} : memref<8192xi32, #tpu.memory_space<vmem>>, vector<16xi32>,
      %get3A_364 = arith.index_cast %mul3A_362 : i32 to index
      %get3A_365 = tpu.vector_load %arg10[%get3A_364] {strides = array<i32>} : memref<8192xf32, #tpu.memory_space<vmem>>, vector<16xf32>,
      %gather3A_366 = tpu.vector_load_idx %arg12[%get3A_363] : memref<2048xf32, #tpu.memory_space<vmem>>[vector<16xi32>], vector<16xf32>,
      %mul3A_367 = arith.mulf %get3A_365, %gather3A_366 : vector<16xf32>
      %iota3A_368 = tpu.iota {dimensions = array<i32: 0>} : vector<16xi32>
      %add3A_369 = arith.constant 8 : i32
      %add3A_370 = vector.broadcast %add3A_369 : i32 to vector<16xi32>
      %add3A_371 = arith.addi %iota3A_368, %add3A_370 : vector<16xi32>
      %and3A_372 = arith.constant 15 : i32
      %and3A_373 = vector.broadcast %and3A_372 : i32 to vector<16xi32>
      %and3A_374 = arith.andi %add3A_371, %and3A_373 : vector<16xi32>
      %lt3A_375 = arith.constant 0 : i32
      %lt3A_376 = vector.broadcast %lt3A_375 : i32 to vector<16xi32>
      %lt3A_377 = arith.cmpi slt, %and3A_374, %lt3A_376 : vector<16xi32>
      %add3A_378 = arith.constant 16 : i32
      %add3A_379 = vector.broadcast %add3A_378 : i32 to vector<16xi32>
      %add3A_380 = arith.addi %and3A_374, %add3A_379 : vector<16xi32>
      %select_n3A_381 = arith.select %lt3A_377, %add3A_380, %and3A_374 : vector<16xi1>, vector<16xi32>
      %broadcast_in_dim3A_382 = vector.shape_cast %select_n3A_381 : vector<16xi32> to vector<16x1xi32>
      %gather3A_383 = vector.shape_cast %broadcast_in_dim3A_382 : vector<16x1xi32> to vector<16xi32>
      %gather3A_384 = tpu.dynamic_gather %mul3A_367[%gather3A_383] in [0] : vector<16xf32>, vector<16xi32> -> vector<16xf32>
      %add3A_385 = arith.addf %mul3A_367, %gather3A_384 : vector<16xf32>
      %add3A_386 = arith.constant 4 : i32
      %add3A_387 = vector.broadcast %add3A_386 : i32 to vector<16xi32>
      %add3A_388 = arith.addi %iota3A_368, %add3A_387 : vector<16xi32>
      %and3A_389 = arith.constant 15 : i32
      %and3A_390 = vector.broadcast %and3A_389 : i32 to vector<16xi32>
      %and3A_391 = arith.andi %add3A_388, %and3A_390 : vector<16xi32>
      %lt3A_392 = arith.constant 0 : i32
      %lt3A_393 = vector.broadcast %lt3A_392 : i32 to vector<16xi32>
      %lt3A_394 = arith.cmpi slt, %and3A_391, %lt3A_393 : vector<16xi32>
      %add3A_395 = arith.constant 16 : i32
      %add3A_396 = vector.broadcast %add3A_395 : i32 to vector<16xi32>
      %add3A_397 = arith.addi %and3A_391, %add3A_396 : vector<16xi32>
      %select_n3A_398 = arith.select %lt3A_394, %add3A_397, %and3A_391 : vector<16xi1>, vector<16xi32>
      %broadcast_in_dim3A_399 = vector.shape_cast %select_n3A_398 : vector<16xi32> to vector<16x1xi32>
      %gather3A_400 = vector.shape_cast %broadcast_in_dim3A_399 : vector<16x1xi32> to vector<16xi32>
      %gather3A_401 = tpu.dynamic_gather %add3A_385[%gather3A_400] in [0] : vector<16xf32>, vector<16xi32> -> vector<16xf32>
      %add3A_402 = arith.addf %add3A_385, %gather3A_401 : vector<16xf32>
      %add3A_403 = arith.constant 2 : i32
      %add3A_404 = vector.broadcast %add3A_403 : i32 to vector<16xi32>
      %add3A_405 = arith.addi %iota3A_368, %add3A_404 : vector<16xi32>
      %and3A_406 = arith.constant 15 : i32
      %and3A_407 = vector.broadcast %and3A_406 : i32 to vector<16xi32>
      %and3A_408 = arith.andi %add3A_405, %and3A_407 : vector<16xi32>
      %lt3A_409 = arith.constant 0 : i32
      %lt3A_410 = vector.broadcast %lt3A_409 : i32 to vector<16xi32>
      %lt3A_411 = arith.cmpi slt, %and3A_408, %lt3A_410 : vector<16xi32>
      %add3A_412 = arith.constant 16 : i32
      %add3A_413 = vector.broadcast %add3A_412 : i32 to vector<16xi32>
      %add3A_414 = arith.addi %and3A_408, %add3A_413 : vector<16xi32>
      %select_n3A_415 = arith.select %lt3A_411, %add3A_414, %and3A_408 : vector<16xi1>, vector<16xi32>
      %broadcast_in_dim3A_416 = vector.shape_cast %select_n3A_415 : vector<16xi32> to vector<16x1xi32>
      %gather3A_417 = vector.shape_cast %broadcast_in_dim3A_416 : vector<16x1xi32> to vector<16xi32>
      %gather3A_418 = tpu.dynamic_gather %add3A_402[%gather3A_417] in [0] : vector<16xf32>, vector<16xi32> -> vector<16xf32>
      %add3A_419 = arith.addf %add3A_402, %gather3A_418 : vector<16xf32>
      %add3A_420 = arith.constant 1 : i32
      %add3A_421 = vector.broadcast %add3A_420 : i32 to vector<16xi32>
      %add3A_422 = arith.addi %iota3A_368, %add3A_421 : vector<16xi32>
      %and3A_423 = arith.constant 15 : i32
      %and3A_424 = vector.broadcast %and3A_423 : i32 to vector<16xi32>
      %and3A_425 = arith.andi %add3A_422, %and3A_424 : vector<16xi32>
      %lt3A_426 = arith.constant 0 : i32
      %lt3A_427 = vector.broadcast %lt3A_426 : i32 to vector<16xi32>
      %lt3A_428 = arith.cmpi slt, %and3A_425, %lt3A_427 : vector<16xi32>
      %add3A_429 = arith.constant 16 : i32
      %add3A_430 = vector.broadcast %add3A_429 : i32 to vector<16xi32>
      %add3A_431 = arith.addi %and3A_425, %add3A_430 : vector<16xi32>
      %select_n3A_432 = arith.select %lt3A_428, %add3A_431, %and3A_425 : vector<16xi1>, vector<16xi32>
      %broadcast_in_dim3A_433 = vector.shape_cast %select_n3A_432 : vector<16xi32> to vector<16x1xi32>
      %gather3A_434 = vector.shape_cast %broadcast_in_dim3A_433 : vector<16x1xi32> to vector<16xi32>
      %gather3A_435 = tpu.dynamic_gather %add3A_419[%gather3A_434] in [0] : vector<16xf32>, vector<16xi32> -> vector<16xf32>
      %add3A_436 = arith.addf %add3A_419, %gather3A_435 : vector<16xf32>
      %iota3A_437 = tpu.iota {dimensions = array<i32: 0>} : vector<16xi32>
      %add3A_438 = arith.constant 8 : i32
      %add3A_439 = vector.broadcast %add3A_438 : i32 to vector<16xi32>
      %add3A_440 = arith.addi %iota3A_437, %add3A_439 : vector<16xi32>
      %and3A_441 = arith.constant 15 : i32
      %and3A_442 = vector.broadcast %and3A_441 : i32 to vector<16xi32>
      %and3A_443 = arith.andi %add3A_440, %and3A_442 : vector<16xi32>
      %lt3A_444 = arith.constant 0 : i32
      %lt3A_445 = vector.broadcast %lt3A_444 : i32 to vector<16xi32>
      %lt3A_446 = arith.cmpi slt, %and3A_443, %lt3A_445 : vector<16xi32>
      %add3A_447 = arith.constant 16 : i32
      %add3A_448 = vector.broadcast %add3A_447 : i32 to vector<16xi32>
      %add3A_449 = arith.addi %and3A_443, %add3A_448 : vector<16xi32>
      %select_n3A_450 = arith.select %lt3A_446, %add3A_449, %and3A_443 : vector<16xi1>, vector<16xi32>
      %broadcast_in_dim3A_451 = vector.shape_cast %select_n3A_450 : vector<16xi32> to vector<16x1xi32>
      %gather3A_452 = vector.shape_cast %broadcast_in_dim3A_451 : vector<16x1xi32> to vector<16xi32>
      %gather3A_453 = tpu.dynamic_gather %get3A_365[%gather3A_452] in [0] : vector<16xf32>, vector<16xi32> -> vector<16xf32>
      %add3A_454 = arith.addf %get3A_365, %gather3A_453 : vector<16xf32>
      %add3A_455 = arith.constant 4 : i32
      %add3A_456 = vector.broadcast %add3A_455 : i32 to vector<16xi32>
      %add3A_457 = arith.addi %iota3A_437, %add3A_456 : vector<16xi32>
      %and3A_458 = arith.constant 15 : i32
      %and3A_459 = vector.broadcast %and3A_458 : i32 to vector<16xi32>
      %and3A_460 = arith.andi %add3A_457, %and3A_459 : vector<16xi32>
      %lt3A_461 = arith.constant 0 : i32
      %lt3A_462 = vector.broadcast %lt3A_461 : i32 to vector<16xi32>
      %lt3A_463 = arith.cmpi slt, %and3A_460, %lt3A_462 : vector<16xi32>
      %add3A_464 = arith.constant 16 : i32
      %add3A_465 = vector.broadcast %add3A_464 : i32 to vector<16xi32>
      %add3A_466 = arith.addi %and3A_460, %add3A_465 : vector<16xi32>
      %select_n3A_467 = arith.select %lt3A_463, %add3A_466, %and3A_460 : vector<16xi1>, vector<16xi32>
      %broadcast_in_dim3A_468 = vector.shape_cast %select_n3A_467 : vector<16xi32> to vector<16x1xi32>
      %gather3A_469 = vector.shape_cast %broadcast_in_dim3A_468 : vector<16x1xi32> to vector<16xi32>
      %gather3A_470 = tpu.dynamic_gather %add3A_454[%gather3A_469] in [0] : vector<16xf32>, vector<16xi32> -> vector<16xf32>
      %add3A_471 = arith.addf %add3A_454, %gather3A_470 : vector<16xf32>
      %add3A_472 = arith.constant 2 : i32
      %add3A_473 = vector.broadcast %add3A_472 : i32 to vector<16xi32>
      %add3A_474 = arith.addi %iota3A_437, %add3A_473 : vector<16xi32>
      %and3A_475 = arith.constant 15 : i32
      %and3A_476 = vector.broadcast %and3A_475 : i32 to vector<16xi32>
      %and3A_477 = arith.andi %add3A_474, %and3A_476 : vector<16xi32>
      %lt3A_478 = arith.constant 0 : i32
      %lt3A_479 = vector.broadcast %lt3A_478 : i32 to vector<16xi32>
      %lt3A_480 = arith.cmpi slt, %and3A_477, %lt3A_479 : vector<16xi32>
      %add3A_481 = arith.constant 16 : i32
      %add3A_482 = vector.broadcast %add3A_481 : i32 to vector<16xi32>
      %add3A_483 = arith.addi %and3A_477, %add3A_482 : vector<16xi32>
      %select_n3A_484 = arith.select %lt3A_480, %add3A_483, %and3A_477 : vector<16xi1>, vector<16xi32>
      %broadcast_in_dim3A_485 = vector.shape_cast %select_n3A_484 : vector<16xi32> to vector<16x1xi32>
      %gather3A_486 = vector.shape_cast %broadcast_in_dim3A_485 : vector<16x1xi32> to vector<16xi32>
      %gather3A_487 = tpu.dynamic_gather %add3A_471[%gather3A_486] in [0] : vector<16xf32>, vector<16xi32> -> vector<16xf32>
      %add3A_488 = arith.addf %add3A_471, %gather3A_487 : vector<16xf32>
      %add3A_489 = arith.constant 1 : i32
      %add3A_490 = vector.broadcast %add3A_489 : i32 to vector<16xi32>
      %add3A_491 = arith.addi %iota3A_437, %add3A_490 : vector<16xi32>
      %and3A_492 = arith.constant 15 : i32
      %and3A_493 = vector.broadcast %and3A_492 : i32 to vector<16xi32>
      %and3A_494 = arith.andi %add3A_491, %and3A_493 : vector<16xi32>
      %lt3A_495 = arith.constant 0 : i32
      %lt3A_496 = vector.broadcast %lt3A_495 : i32 to vector<16xi32>
      %lt3A_497 = arith.cmpi slt, %and3A_494, %lt3A_496 : vector<16xi32>
      %add3A_498 = arith.constant 16 : i32
      %add3A_499 = vector.broadcast %add3A_498 : i32 to vector<16xi32>
      %add3A_500 = arith.addi %and3A_494, %add3A_499 : vector<16xi32>
      %select_n3A_501 = arith.select %lt3A_497, %add3A_500, %and3A_494 : vector<16xi1>, vector<16xi32>
      %broadcast_in_dim3A_502 = vector.shape_cast %select_n3A_501 : vector<16xi32> to vector<16x1xi32>
      %gather3A_503 = vector.shape_cast %broadcast_in_dim3A_502 : vector<16x1xi32> to vector<16xi32>
      %gather3A_504 = tpu.dynamic_gather %add3A_488[%gather3A_503] in [0] : vector<16xf32>, vector<16xi32> -> vector<16xf32>
      %add3A_505 = arith.addf %add3A_488, %gather3A_504 : vector<16xf32>
      %add3A_506 = arith.constant 9.99999971E-10 : f32
      %add3A_507 = vector.broadcast %add3A_506 : f32 to vector<16xf32>
      %add3A_508 = arith.addf %add3A_505, %add3A_507 : vector<16xf32>
      %div3A = arith.divf %get3A_365, %add3A_508 : vector<16xf32>
      %mul3A_509 = arith.mulf %div3A, %add3A_436 : vector<16xf32>
      tpu.vector_store_idx %arg13[%get3A_363], %mul3A_509 {add = true} : memref<2048xf32, #tpu.memory_space<vmem>>[vector<16xi32>], vector<16xf32>,
      %scan3A_510 = arith.constant 0 : i32
      scf.yield %scan3A_510 : i32
    }
    %scan3A_198 = arith.constant 512 : i32
    %scan3A_199 = arith.constant 0 : i32
    %scan3A_200 = arith.constant 0 : i32
    %scan3A_201 = arith.constant 128 : i32
    %scan3A_202 = arith.addi %scan3A_200, %scan3A_201 : i32
    %scan3A_203 = arith.constant 1 : i32
    %scan3A_204 = scf.for %scan3A_359 = %scan3A_200 to %scan3A_202 step %scan3A_203 iter_args(%scan3A_360 = %scan3A_199) -> (i32)  : i32 {
      %mul3A_361 = arith.constant 16 : i32
      %mul3A_362 = arith.muli %scan3A_359, %mul3A_361 : i32
      %get3A = arith.index_cast %mul3A_362 : i32 to index
      %get3A_363 = tpu.vector_load %arg13[%get3A] {strides = array<i32>} : memref<2048xf32, #tpu.memory_space<vmem>>, vector<16xf32>,
      %swap3A = arith.constant 0 : i32
      %swap3A_364 = arith.index_cast %swap3A : i32 to index
      %swap3A_365 = arith.index_cast %mul3A_362 : i32 to index
      %swap3A_366 = tpu.vector_load %arg14[%swap3A_364, %swap3A_365] {strides = array<i32>} : memref<1x2048xf32, #tpu.memory_space<vmem>>, vector<16xf32>,
      tpu.vector_store %arg14[%swap3A_364, %swap3A_365], %get3A_363 {strides = array<i32>} : memref<1x2048xf32, #tpu.memory_space<vmem>>, vector<16xf32>,
      %scan3A_367 = arith.constant 0 : i32
      scf.yield %scan3A_367 : i32
    }
    %scan3A_205 = arith.constant 128 : i32
    %eq3A_206 = arith.constant 0 : i32
    %eq3A_207 = arith.cmpi eq, %arg1, %eq3A_206 : i32
    %convert_element_type3A_208 = arith.extui %eq3A_207 : i1 to i32
    %cond3A_209 = arith.constant 0 : i32
    %cond3A_210 = arith.cmpi ne, %convert_element_type3A_208, %cond3A_209 : i32
    scf.if %cond3A_210 {
      %scan3A_359 = arith.constant 0 : i32
      %scan3A_360 = arith.constant 0 : i32
      %scan3A_361 = arith.constant 128 : i32
      %scan3A_362 = arith.addi %scan3A_360, %scan3A_361 : i32
      %scan3A_363 = arith.constant 1 : i32
      %scan3A_364 = scf.for %scan3A_366 = %scan3A_360 to %scan3A_362 step %scan3A_363 iter_args(%scan3A_367 = %scan3A_359) -> (i32)  : i32 {
        %mul3A_368 = arith.constant 16 : i32
        %mul3A_369 = arith.muli %scan3A_366, %mul3A_368 : i32
        %swap3A = arith.constant 0 : i32
        %swap3A_370 = arith.index_cast %swap3A : i32 to index
        %swap3A_371 = arith.index_cast %mul3A_369 : i32 to index
        %swap3A_372 = tpu.vector_load %arg16[%swap3A_370, %swap3A_371] {strides = array<i32>} : memref<1x2048xf32, #tpu.memory_space<vmem>>, vector<16xf32>,
        tpu.vector_store %arg16[%swap3A_370, %swap3A_371], %broadcast_in_dim3A_3 {strides = array<i32>} : memref<1x2048xf32, #tpu.memory_space<vmem>>, vector<16xf32>,
        %scan3A_373 = arith.constant 0 : i32
        scf.yield %scan3A_373 : i32
      }
      %scan3A_365 = arith.constant 128 : i32
      "tpu.region"() ({
        %run_scoped3A = tpu.sem_alloc : memref<!tpu.dma_semaphore, #tpu.memory_space<semaphore_mem>>
        tpu.enqueue_dma source(%arg16 : memref<1x2048xf32, #tpu.memory_space<vmem>>) target(%arg19 : memref<1x2048xf32, #tpu.memory_space<vmem_shared>>) target_semaphore(%run_scoped3A : memref<!tpu.dma_semaphore, #tpu.memory_space<semaphore_mem>>)
        tpu.wait_dma2 semaphore(%run_scoped3A : memref<!tpu.dma_semaphore, #tpu.memory_space<semaphore_mem>>) src(%arg16 : memref<1x2048xf32, #tpu.memory_space<vmem>>) dst(%arg19 : memref<1x2048xf32, #tpu.memory_space<vmem_shared>>)
        tpu.yield
      }) : () -> ()
    } else {
    }
    %barrier3A_211 = arith.constant 0 : index
    tpu.barrier barrier_id(%barrier3A_211)
    "tpu.region"() ({
      %run_scoped3A = tpu.sem_alloc : memref<!tpu.dma_semaphore, #tpu.memory_space<semaphore_mem>>
      %dma_start3A = arith.constant 0 : i32
      %dma_start3A_359 = arith.constant 0 : i32
      %dma_start3A_360 = tpu.memref_slice %arg19[%dma_start3A, %dma_start3A_359] : memref<1x2048xf32, #tpu.memory_space<vmem_shared>> -> memref<1x2048xf32, #tpu.memory_space<vmem_shared>>
      tpu.enqueue_indirect_dma source(%arg14 : memref<1x2048xf32, #tpu.memory_space<vmem>>) target(%dma_start3A_360 : memref<1x2048xf32, #tpu.memory_space<vmem_shared>>) offsets(%arg17 : memref<1xi32, #tpu.memory_space<vmem>>) semaphore(%run_scoped3A : memref<!tpu.dma_semaphore, #tpu.memory_space<semaphore_mem>>) {add = true}
      %dma_wait3A = arith.constant 0 : i32
      %dma_wait3A_361 = arith.constant 0 : i32
      %dma_wait3A_362 = tpu.memref_slice %arg19[%dma_wait3A, %dma_wait3A_361] : memref<1x2048xf32, #tpu.memory_space<vmem_shared>> -> memref<1x2048xf32, #tpu.memory_space<vmem_shared>>
      tpu.wait_indirect_dma semaphore(%run_scoped3A : memref<!tpu.dma_semaphore, #tpu.memory_space<semaphore_mem>>) src(%arg14 : memref<1x2048xf32, #tpu.memory_space<vmem>>) dst(%dma_wait3A_362 : memref<1x2048xf32, #tpu.memory_space<vmem_shared>>)
      tpu.yield
    }) : () -> ()
    %barrier3A_212 = arith.constant 0 : index
    tpu.barrier barrier_id(%barrier3A_212)
    "tpu.region"() ({
      %run_scoped3A = tpu.sem_alloc : memref<!tpu.dma_semaphore, #tpu.memory_space<semaphore_mem>>
      tpu.enqueue_dma source(%arg19 : memref<1x2048xf32, #tpu.memory_space<vmem_shared>>) target(%arg16 : memref<1x2048xf32, #tpu.memory_space<vmem>>) target_semaphore(%run_scoped3A : memref<!tpu.dma_semaphore, #tpu.memory_space<semaphore_mem>>)
      tpu.wait_dma2 semaphore(%run_scoped3A : memref<!tpu.dma_semaphore, #tpu.memory_space<semaphore_mem>>) src(%arg19 : memref<1x2048xf32, #tpu.memory_space<vmem_shared>>) dst(%arg16 : memref<1x2048xf32, #tpu.memory_space<vmem>>)
      tpu.yield
    }) : () -> ()
    %broadcast_in_dim3A_213 = arith.constant 0.000000e+00 : f32
    %broadcast_in_dim3A_214 = vector.broadcast %broadcast_in_dim3A_213 : f32 to vector<16xf32>
    %scan3A_215 = arith.constant 0 : i32
    %scan3A_216 = arith.constant 128 : i32
    %scan3A_217 = arith.addi %scan3A_215, %scan3A_216 : i32
    %scan3A_218 = arith.constant 1 : i32
    %scan3A_219:2 = scf.for %scan3A_359 = %scan3A_215 to %scan3A_217 step %scan3A_218 iter_args(%scan3A_360 = %broadcast_in_dim3A_214, %scan3A_361 = %broadcast_in_dim3A_214) -> (vector<16xf32>, vector<16xf32>)  : i32 {
      %mul3A_362 = arith.constant 16 : i32
      %mul3A_363 = arith.muli %scan3A_359, %mul3A_362 : i32
      %get3A = arith.constant 0 : i32
      %get3A_364 = arith.index_cast %get3A : i32 to index
      %get3A_365 = arith.index_cast %mul3A_363 : i32 to index
      %get3A_366 = tpu.vector_load %arg11[%get3A_364, %get3A_365] {strides = array<i32>} : memref<1x2048xf32, #tpu.memory_space<vmem>>, vector<16xf32>,
      %get3A_367 = arith.constant 0 : i32
      %get3A_368 = arith.index_cast %get3A_367 : i32 to index
      %get3A_369 = arith.index_cast %mul3A_363 : i32 to index
      %get3A_370 = tpu.vector_load %arg15[%get3A_368, %get3A_369] {strides = array<i32>} : memref<1x2048xf32, #tpu.memory_space<vmem>>, vector<16xf32>,
      %get3A_371 = arith.constant 0 : i32
      %get3A_372 = arith.index_cast %get3A_371 : i32 to index
      %get3A_373 = arith.index_cast %mul3A_363 : i32 to index
      %get3A_374 = tpu.vector_load %arg16[%get3A_372, %get3A_373] {strides = array<i32>} : memref<1x2048xf32, #tpu.memory_space<vmem>>, vector<16xf32>,
      %mul3A_375 = arith.mulf %get3A_370, %get3A_374 : vector<16xf32>
      %sub3A = arith.subf %get3A_366, %mul3A_375 : vector<16xf32>
      %mul3A_376 = arith.mulf %get3A_366, %sub3A : vector<16xf32>
      %add3A_377 = arith.addf %scan3A_360, %mul3A_376 : vector<16xf32>
      %mul3A_378 = arith.mulf %get3A_366, %get3A_366 : vector<16xf32>
      %add3A_379 = arith.addf %scan3A_361, %mul3A_378 : vector<16xf32>
      scf.yield %add3A_377, %add3A_379 : vector<16xf32>, vector<16xf32>
    }
    %scan3A_220 = arith.constant 128 : i32
    %iota3A = tpu.iota {dimensions = array<i32: 0>} : vector<16xi32>
    %add3A_221 = arith.constant 8 : i32
    %add3A_222 = vector.broadcast %add3A_221 : i32 to vector<16xi32>
    %add3A_223 = arith.addi %iota3A, %add3A_222 : vector<16xi32>
    %and3A = arith.constant 15 : i32
    %and3A_224 = vector.broadcast %and3A : i32 to vector<16xi32>
    %and3A_225 = arith.andi %add3A_223, %and3A_224 : vector<16xi32>
    %lt3A = arith.constant 0 : i32
    %lt3A_226 = vector.broadcast %lt3A : i32 to vector<16xi32>
    %lt3A_227 = arith.cmpi slt, %and3A_225, %lt3A_226 : vector<16xi32>
    %add3A_228 = arith.constant 16 : i32
    %add3A_229 = vector.broadcast %add3A_228 : i32 to vector<16xi32>
    %add3A_230 = arith.addi %and3A_225, %add3A_229 : vector<16xi32>
    %select_n3A = arith.select %lt3A_227, %add3A_230, %and3A_225 : vector<16xi1>, vector<16xi32>
    %broadcast_in_dim3A_231 = vector.shape_cast %select_n3A : vector<16xi32> to vector<16x1xi32>
    %gather3A = vector.shape_cast %broadcast_in_dim3A_231 : vector<16x1xi32> to vector<16xi32>
    %gather3A_232 = tpu.dynamic_gather %scan3A_219#0[%gather3A] in [0] : vector<16xf32>, vector<16xi32> -> vector<16xf32>
    %add3A_233 = arith.addf %scan3A_219#0, %gather3A_232 : vector<16xf32>
    %add3A_234 = arith.constant 4 : i32
    %add3A_235 = vector.broadcast %add3A_234 : i32 to vector<16xi32>
    %add3A_236 = arith.addi %iota3A, %add3A_235 : vector<16xi32>
    %and3A_237 = arith.constant 15 : i32
    %and3A_238 = vector.broadcast %and3A_237 : i32 to vector<16xi32>
    %and3A_239 = arith.andi %add3A_236, %and3A_238 : vector<16xi32>
    %lt3A_240 = arith.constant 0 : i32
    %lt3A_241 = vector.broadcast %lt3A_240 : i32 to vector<16xi32>
    %lt3A_242 = arith.cmpi slt, %and3A_239, %lt3A_241 : vector<16xi32>
    %add3A_243 = arith.constant 16 : i32
    %add3A_244 = vector.broadcast %add3A_243 : i32 to vector<16xi32>
    %add3A_245 = arith.addi %and3A_239, %add3A_244 : vector<16xi32>
    %select_n3A_246 = arith.select %lt3A_242, %add3A_245, %and3A_239 : vector<16xi1>, vector<16xi32>
    %broadcast_in_dim3A_247 = vector.shape_cast %select_n3A_246 : vector<16xi32> to vector<16x1xi32>
    %gather3A_248 = vector.shape_cast %broadcast_in_dim3A_247 : vector<16x1xi32> to vector<16xi32>
    %gather3A_249 = tpu.dynamic_gather %add3A_233[%gather3A_248] in [0] : vector<16xf32>, vector<16xi32> -> vector<16xf32>
    %add3A_250 = arith.addf %add3A_233, %gather3A_249 : vector<16xf32>
    %add3A_251 = arith.constant 2 : i32
    %add3A_252 = vector.broadcast %add3A_251 : i32 to vector<16xi32>
    %add3A_253 = arith.addi %iota3A, %add3A_252 : vector<16xi32>
    %and3A_254 = arith.constant 15 : i32
    %and3A_255 = vector.broadcast %and3A_254 : i32 to vector<16xi32>
    %and3A_256 = arith.andi %add3A_253, %and3A_255 : vector<16xi32>
    %lt3A_257 = arith.constant 0 : i32
    %lt3A_258 = vector.broadcast %lt3A_257 : i32 to vector<16xi32>
    %lt3A_259 = arith.cmpi slt, %and3A_256, %lt3A_258 : vector<16xi32>
    %add3A_260 = arith.constant 16 : i32
    %add3A_261 = vector.broadcast %add3A_260 : i32 to vector<16xi32>
    %add3A_262 = arith.addi %and3A_256, %add3A_261 : vector<16xi32>
    %select_n3A_263 = arith.select %lt3A_259, %add3A_262, %and3A_256 : vector<16xi1>, vector<16xi32>
    %broadcast_in_dim3A_264 = vector.shape_cast %select_n3A_263 : vector<16xi32> to vector<16x1xi32>
    %gather3A_265 = vector.shape_cast %broadcast_in_dim3A_264 : vector<16x1xi32> to vector<16xi32>
    %gather3A_266 = tpu.dynamic_gather %add3A_250[%gather3A_265] in [0] : vector<16xf32>, vector<16xi32> -> vector<16xf32>
    %add3A_267 = arith.addf %add3A_250, %gather3A_266 : vector<16xf32>
    %add3A_268 = arith.constant 1 : i32
    %add3A_269 = vector.broadcast %add3A_268 : i32 to vector<16xi32>
    %add3A_270 = arith.addi %iota3A, %add3A_269 : vector<16xi32>
    %and3A_271 = arith.constant 15 : i32
    %and3A_272 = vector.broadcast %and3A_271 : i32 to vector<16xi32>
    %and3A_273 = arith.andi %add3A_270, %and3A_272 : vector<16xi32>
    %lt3A_274 = arith.constant 0 : i32
    %lt3A_275 = vector.broadcast %lt3A_274 : i32 to vector<16xi32>
    %lt3A_276 = arith.cmpi slt, %and3A_273, %lt3A_275 : vector<16xi32>
    %add3A_277 = arith.constant 16 : i32
    %add3A_278 = vector.broadcast %add3A_277 : i32 to vector<16xi32>
    %add3A_279 = arith.addi %and3A_273, %add3A_278 : vector<16xi32>
    %select_n3A_280 = arith.select %lt3A_276, %add3A_279, %and3A_273 : vector<16xi1>, vector<16xi32>
    %broadcast_in_dim3A_281 = vector.shape_cast %select_n3A_280 : vector<16xi32> to vector<16x1xi32>
    %gather3A_282 = vector.shape_cast %broadcast_in_dim3A_281 : vector<16x1xi32> to vector<16xi32>
    %gather3A_283 = tpu.dynamic_gather %add3A_267[%gather3A_282] in [0] : vector<16xf32>, vector<16xi32> -> vector<16xf32>
    %add3A_284 = arith.addf %add3A_267, %gather3A_283 : vector<16xf32>
    %iota3A_285 = tpu.iota {dimensions = array<i32: 0>} : vector<16xi32>
    %add3A_286 = arith.constant 8 : i32
    %add3A_287 = vector.broadcast %add3A_286 : i32 to vector<16xi32>
    %add3A_288 = arith.addi %iota3A_285, %add3A_287 : vector<16xi32>
    %and3A_289 = arith.constant 15 : i32
    %and3A_290 = vector.broadcast %and3A_289 : i32 to vector<16xi32>
    %and3A_291 = arith.andi %add3A_288, %and3A_290 : vector<16xi32>
    %lt3A_292 = arith.constant 0 : i32
    %lt3A_293 = vector.broadcast %lt3A_292 : i32 to vector<16xi32>
    %lt3A_294 = arith.cmpi slt, %and3A_291, %lt3A_293 : vector<16xi32>
    %add3A_295 = arith.constant 16 : i32
    %add3A_296 = vector.broadcast %add3A_295 : i32 to vector<16xi32>
    %add3A_297 = arith.addi %and3A_291, %add3A_296 : vector<16xi32>
    %select_n3A_298 = arith.select %lt3A_294, %add3A_297, %and3A_291 : vector<16xi1>, vector<16xi32>
    %broadcast_in_dim3A_299 = vector.shape_cast %select_n3A_298 : vector<16xi32> to vector<16x1xi32>
    %gather3A_300 = vector.shape_cast %broadcast_in_dim3A_299 : vector<16x1xi32> to vector<16xi32>
    %gather3A_301 = tpu.dynamic_gather %scan3A_219#1[%gather3A_300] in [0] : vector<16xf32>, vector<16xi32> -> vector<16xf32>
    %add3A_302 = arith.addf %scan3A_219#1, %gather3A_301 : vector<16xf32>
    %add3A_303 = arith.constant 4 : i32
    %add3A_304 = vector.broadcast %add3A_303 : i32 to vector<16xi32>
    %add3A_305 = arith.addi %iota3A_285, %add3A_304 : vector<16xi32>
    %and3A_306 = arith.constant 15 : i32
    %and3A_307 = vector.broadcast %and3A_306 : i32 to vector<16xi32>
    %and3A_308 = arith.andi %add3A_305, %and3A_307 : vector<16xi32>
    %lt3A_309 = arith.constant 0 : i32
    %lt3A_310 = vector.broadcast %lt3A_309 : i32 to vector<16xi32>
    %lt3A_311 = arith.cmpi slt, %and3A_308, %lt3A_310 : vector<16xi32>
    %add3A_312 = arith.constant 16 : i32
    %add3A_313 = vector.broadcast %add3A_312 : i32 to vector<16xi32>
    %add3A_314 = arith.addi %and3A_308, %add3A_313 : vector<16xi32>
    %select_n3A_315 = arith.select %lt3A_311, %add3A_314, %and3A_308 : vector<16xi1>, vector<16xi32>
    %broadcast_in_dim3A_316 = vector.shape_cast %select_n3A_315 : vector<16xi32> to vector<16x1xi32>
    %gather3A_317 = vector.shape_cast %broadcast_in_dim3A_316 : vector<16x1xi32> to vector<16xi32>
    %gather3A_318 = tpu.dynamic_gather %add3A_302[%gather3A_317] in [0] : vector<16xf32>, vector<16xi32> -> vector<16xf32>
    %add3A_319 = arith.addf %add3A_302, %gather3A_318 : vector<16xf32>
    %add3A_320 = arith.constant 2 : i32
    %add3A_321 = vector.broadcast %add3A_320 : i32 to vector<16xi32>
    %add3A_322 = arith.addi %iota3A_285, %add3A_321 : vector<16xi32>
    %and3A_323 = arith.constant 15 : i32
    %and3A_324 = vector.broadcast %and3A_323 : i32 to vector<16xi32>
    %and3A_325 = arith.andi %add3A_322, %and3A_324 : vector<16xi32>
    %lt3A_326 = arith.constant 0 : i32
    %lt3A_327 = vector.broadcast %lt3A_326 : i32 to vector<16xi32>
    %lt3A_328 = arith.cmpi slt, %and3A_325, %lt3A_327 : vector<16xi32>
    %add3A_329 = arith.constant 16 : i32
    %add3A_330 = vector.broadcast %add3A_329 : i32 to vector<16xi32>
    %add3A_331 = arith.addi %and3A_325, %add3A_330 : vector<16xi32>
    %select_n3A_332 = arith.select %lt3A_328, %add3A_331, %and3A_325 : vector<16xi1>, vector<16xi32>
    %broadcast_in_dim3A_333 = vector.shape_cast %select_n3A_332 : vector<16xi32> to vector<16x1xi32>
    %gather3A_334 = vector.shape_cast %broadcast_in_dim3A_333 : vector<16x1xi32> to vector<16xi32>
    %gather3A_335 = tpu.dynamic_gather %add3A_319[%gather3A_334] in [0] : vector<16xf32>, vector<16xi32> -> vector<16xf32>
    %add3A_336 = arith.addf %add3A_319, %gather3A_335 : vector<16xf32>
    %add3A_337 = arith.constant 1 : i32
    %add3A_338 = vector.broadcast %add3A_337 : i32 to vector<16xi32>
    %add3A_339 = arith.addi %iota3A_285, %add3A_338 : vector<16xi32>
    %and3A_340 = arith.constant 15 : i32
    %and3A_341 = vector.broadcast %and3A_340 : i32 to vector<16xi32>
    %and3A_342 = arith.andi %add3A_339, %and3A_341 : vector<16xi32>
    %lt3A_343 = arith.constant 0 : i32
    %lt3A_344 = vector.broadcast %lt3A_343 : i32 to vector<16xi32>
    %lt3A_345 = arith.cmpi slt, %and3A_342, %lt3A_344 : vector<16xi32>
    %add3A_346 = arith.constant 16 : i32
    %add3A_347 = vector.broadcast %add3A_346 : i32 to vector<16xi32>
    %add3A_348 = arith.addi %and3A_342, %add3A_347 : vector<16xi32>
    %select_n3A_349 = arith.select %lt3A_345, %add3A_348, %and3A_342 : vector<16xi1>, vector<16xi32>
    %broadcast_in_dim3A_350 = vector.shape_cast %select_n3A_349 : vector<16xi32> to vector<16x1xi32>
    %gather3A_351 = vector.shape_cast %broadcast_in_dim3A_350 : vector<16x1xi32> to vector<16xi32>
    %gather3A_352 = tpu.dynamic_gather %add3A_336[%gather3A_351] in [0] : vector<16xf32>, vector<16xi32> -> vector<16xf32>
    %add3A_353 = arith.addf %add3A_336, %gather3A_352 : vector<16xf32>
    %eq3A_354 = arith.constant 0 : i32
    %eq3A_355 = arith.cmpi eq, %add3A, %eq3A_354 : i32
    %convert_element_type3A_356 = arith.extui %eq3A_355 : i1 to i32
    %cond3A_357 = arith.constant 0 : i32
    %cond3A_358 = arith.cmpi ne, %convert_element_type3A_356, %cond3A_357 : i32
    scf.if %cond3A_358 {
      %iota3A_359 = tpu.iota {dimensions = array<i32: 0>} : vector<16xi32>
      %eq3A_360 = arith.constant 0 : i32
      %eq3A_361 = vector.broadcast %eq3A_360 : i32 to vector<16xi32>
      %eq3A_362 = arith.cmpi eq, %iota3A_359, %eq3A_361 : vector<16xi32>
      %eq3A_363 = arith.constant 1 : i32
      %eq3A_364 = vector.broadcast %eq3A_363 : i32 to vector<16xi32>
      %eq3A_365 = arith.cmpi eq, %iota3A_359, %eq3A_364 : vector<16xi32>
      %jit3A = arith.constant 0.000000e+00 : f32
      %broadcast_in_dim3A_366 = vector.broadcast %jit3A : f32 to vector<16xf32>
      %select_n3A_367 = arith.select %eq3A_365, %add3A_353, %broadcast_in_dim3A_366 : vector<16xi1>, vector<16xf32>
      %select_n3A_368 = arith.select %eq3A_362, %add3A_284, %select_n3A_367 : vector<16xi1>, vector<16xf32>
      %swap3A = arith.constant 0 : index
      %swap3A_369 = tpu.vector_load %arg18[%swap3A] {strides = array<i32>} : memref<16xf32, #tpu.memory_space<vmem>>, vector<16xf32>,
      tpu.vector_store %arg18[%swap3A], %select_n3A_368 {strides = array<i32>} : memref<16xf32, #tpu.memory_space<vmem>>, vector<16xf32>,
      "tpu.region"() ({
        %run_scoped3A = tpu.sem_alloc : memref<!tpu.dma_semaphore, #tpu.memory_space<semaphore_mem>>
        tpu.enqueue_dma source(%arg18 : memref<16xf32, #tpu.memory_space<vmem>>) target(%arg7 : memref<16xf32, #tpu.memory_space<hbm>>) target_semaphore(%run_scoped3A : memref<!tpu.dma_semaphore, #tpu.memory_space<semaphore_mem>>)
        tpu.wait_dma2 semaphore(%run_scoped3A : memref<!tpu.dma_semaphore, #tpu.memory_space<semaphore_mem>>) src(%arg18 : memref<16xf32, #tpu.memory_space<vmem>>) dst(%arg7 : memref<16xf32, #tpu.memory_space<hbm>>)
        tpu.yield
      }) : () -> ()
      "tpu.region"() ({
        %run_scoped3A = tpu.sem_alloc : memref<!tpu.dma_semaphore, #tpu.memory_space<semaphore_mem>>
        tpu.enqueue_dma source(%arg11 : memref<1x2048xf32, #tpu.memory_space<vmem>>) target(%arg8 : memref<1x2048xf32, #tpu.memory_space<hbm>>) target_semaphore(%run_scoped3A : memref<!tpu.dma_semaphore, #tpu.memory_space<semaphore_mem>>)
        tpu.wait_dma2 semaphore(%run_scoped3A : memref<!tpu.dma_semaphore, #tpu.memory_space<semaphore_mem>>) src(%arg11 : memref<1x2048xf32, #tpu.memory_space<vmem>>) dst(%arg8 : memref<1x2048xf32, #tpu.memory_space<hbm>>)
        tpu.yield
      }) : () -> ()
    } else {
    }
    return
  }
}

module attributes {stable_mosaic.version = 14 : i64} {
  func.func @_attn_kernel(%arg0: i32, %arg1: memref<256x256xf32, #tpu.memory_space<vmem>>, %arg2: memref<2048x256xf32, #tpu.memory_space<vmem>>, %arg3: memref<2048x256xf32, #tpu.memory_space<vmem>>, %arg4: memref<256x256xf32, #tpu.memory_space<vmem>>, %arg5: memref<256x256xf32, #tpu.memory_space<vmem>>) attributes {dimension_semantics = [#tpu.dimension_semantics<arbitrary>], iteration_bounds = array<i64: 8>, scalar_prefetch = 0 : i64, scratch_operands = 0 : i64, tpu.core_type = #tpu.core_type<tc>, window_params = [{transform_indices = @transform_0, window_bounds = array<i64: 256, 256>}, {pipeline_mode = #tpu.pipeline_mode<synchronous>, transform_indices = @transform_1, window_bounds = array<i64: 2048, 256>}, {pipeline_mode = #tpu.pipeline_mode<synchronous>, transform_indices = @transform_2, window_bounds = array<i64: 2048, 256>}, {transform_indices = @transform_3, window_bounds = array<i64: 256, 256>}, {transform_indices = @transform_4, window_bounds = array<i64: 256, 256>}]} {
    %get3A = arith.constant 0 : index
    %get3A_0 = arith.constant 0 : index
    %get3A_1 = vector.load %arg1[%get3A, %get3A_0] : memref<256x256xf32, #tpu.memory_space<vmem>>, vector<256x256xf32>
    %broadcast_in_dim3A = arith.constant 0xFF800000 : f32
    %broadcast_in_dim3A_2 = vector.broadcast %broadcast_in_dim3A : f32 to vector<256x1xf32>
    %broadcast_in_dim3A_3 = arith.constant 0.000000e+00 : f32
    %broadcast_in_dim3A_4 = vector.broadcast %broadcast_in_dim3A_3 : f32 to vector<256x1xf32>
    %broadcast_in_dim3A_5 = arith.constant 0.000000e+00 : f32
    %broadcast_in_dim3A_6 = vector.broadcast %broadcast_in_dim3A_5 : f32 to vector<256x256xf32>
    %get3A_7 = arith.constant 0 : index
    %get3A_8 = arith.constant 0 : index
    %get3A_9 = vector.load %arg2[%get3A_7, %get3A_8] : memref<2048x256xf32, #tpu.memory_space<vmem>>, vector<1024x256xf32>
    %get3A_10 = arith.constant 0 : index
    %get3A_11 = arith.constant 0 : index
    %get3A_12 = vector.load %arg3[%get3A_10, %get3A_11] : memref<2048x256xf32, #tpu.memory_space<vmem>>, vector<1024x256xf32>
    %transpose3A = tpu.transpose %get3A_9, [1, 0] : vector<1024x256xf32> -> vector<256x1024xf32>
    %convert_element_type3A = arith.truncf %get3A_1 : vector<256x256xf32> to vector<256x256xbf16>
    %convert_element_type3A_13 = arith.truncf %transpose3A : vector<256x1024xf32> to vector<256x1024xbf16>
    %dot_general3A = arith.constant dense<0.000000e+00> : vector<256x1024xf32>
    %dot_general3A_14 = tpu.matmul %convert_element_type3A, %convert_element_type3A_13, %dot_general3A {dimension_numbers = #tpu.dot_dimension_numbers<[1], [0], [0], [1], [0, 0, 1, 1], [], []>, transpose_lhs_hint = false} : vector<256x256xbf16>, vector<256x1024xbf16>, vector<256x1024xf32> -> vector<256x1024xf32>
    %mul3A = arith.constant 6.250000e-02 : f32
    %mul3A_15 = vector.broadcast %mul3A : f32 to vector<256x1024xf32>
    %mul3A_16 = arith.mulf %dot_general3A_14, %mul3A_15 : vector<256x1024xf32>
    %reduce_max3A = arith.constant dense<0xFF800000> : vector<256xf32>
    %reduce_max3A_17 = vector.multi_reduction <maximumf>, %mul3A_16, %reduce_max3A [1] : vector<256x1024xf32> to vector<256xf32>
    %broadcast_in_dim3A_18 = vector.shape_cast %reduce_max3A_17 : vector<256xf32> to vector<256x1xf32>
    %max3A = arith.maximumf %broadcast_in_dim3A_2, %broadcast_in_dim3A_18 : vector<256x1xf32>
    %sub3A = arith.subf %broadcast_in_dim3A_2, %max3A : vector<256x1xf32>
    %exp3A = math.exp %sub3A : vector<256x1xf32>
    %sub3A_19 = vector.broadcast %max3A : vector<256x1xf32> to vector<256x1024xf32>
    %sub3A_20 = arith.subf %mul3A_16, %sub3A_19 : vector<256x1024xf32>
    %exp3A_21 = math.exp %sub3A_20 : vector<256x1024xf32>
    %mul3A_22 = arith.mulf %broadcast_in_dim3A_4, %exp3A : vector<256x1xf32>
    %reduce_sum3A = arith.constant dense<0.000000e+00> : vector<256xf32>
    %reduce_sum3A_23 = vector.multi_reduction <add>, %exp3A_21, %reduce_sum3A [1] : vector<256x1024xf32> to vector<256xf32>
    %broadcast_in_dim3A_24 = vector.shape_cast %reduce_sum3A_23 : vector<256xf32> to vector<256x1xf32>
    %add3A = arith.addf %mul3A_22, %broadcast_in_dim3A_24 : vector<256x1xf32>
    %mul3A_25 = vector.broadcast %exp3A : vector<256x1xf32> to vector<256x256xf32>
    %mul3A_26 = arith.mulf %broadcast_in_dim3A_6, %mul3A_25 : vector<256x256xf32>
    %convert_element_type3A_27 = arith.truncf %exp3A_21 : vector<256x1024xf32> to vector<256x1024xbf16>
    %convert_element_type3A_28 = arith.truncf %get3A_12 : vector<1024x256xf32> to vector<1024x256xbf16>
    %dot_general3A_29 = arith.constant dense<0.000000e+00> : vector<256x256xf32>
    %dot_general3A_30 = tpu.matmul %convert_element_type3A_27, %convert_element_type3A_28, %dot_general3A_29 {dimension_numbers = #tpu.dot_dimension_numbers<[1], [0], [0], [1], [0, 0, 1, 1], [], []>, transpose_lhs_hint = false} : vector<256x1024xbf16>, vector<1024x256xbf16>, vector<256x256xf32> -> vector<256x256xf32>
    %add3A_31 = arith.addf %mul3A_26, %dot_general3A_30 : vector<256x256xf32>
    %get3A_32 = arith.constant 1024 : index
    %get3A_33 = arith.constant 0 : index
    %get3A_34 = vector.load %arg2[%get3A_32, %get3A_33] : memref<2048x256xf32, #tpu.memory_space<vmem>>, vector<1024x256xf32>
    %get3A_35 = arith.constant 1024 : index
    %get3A_36 = arith.constant 0 : index
    %get3A_37 = vector.load %arg3[%get3A_35, %get3A_36] : memref<2048x256xf32, #tpu.memory_space<vmem>>, vector<1024x256xf32>
    %transpose3A_38 = tpu.transpose %get3A_34, [1, 0] : vector<1024x256xf32> -> vector<256x1024xf32>
    %convert_element_type3A_39 = arith.truncf %get3A_1 : vector<256x256xf32> to vector<256x256xbf16>
    %convert_element_type3A_40 = arith.truncf %transpose3A_38 : vector<256x1024xf32> to vector<256x1024xbf16>
    %dot_general3A_41 = arith.constant dense<0.000000e+00> : vector<256x1024xf32>
    %dot_general3A_42 = tpu.matmul %convert_element_type3A_39, %convert_element_type3A_40, %dot_general3A_41 {dimension_numbers = #tpu.dot_dimension_numbers<[1], [0], [0], [1], [0, 0, 1, 1], [], []>, transpose_lhs_hint = false} : vector<256x256xbf16>, vector<256x1024xbf16>, vector<256x1024xf32> -> vector<256x1024xf32>
    %mul3A_43 = arith.constant 6.250000e-02 : f32
    %mul3A_44 = vector.broadcast %mul3A_43 : f32 to vector<256x1024xf32>
    %mul3A_45 = arith.mulf %dot_general3A_42, %mul3A_44 : vector<256x1024xf32>
    %reduce_max3A_46 = arith.constant dense<0xFF800000> : vector<256xf32>
    %reduce_max3A_47 = vector.multi_reduction <maximumf>, %mul3A_45, %reduce_max3A_46 [1] : vector<256x1024xf32> to vector<256xf32>
    %broadcast_in_dim3A_48 = vector.shape_cast %reduce_max3A_47 : vector<256xf32> to vector<256x1xf32>
    %max3A_49 = arith.maximumf %max3A, %broadcast_in_dim3A_48 : vector<256x1xf32>
    %sub3A_50 = arith.subf %max3A, %max3A_49 : vector<256x1xf32>
    %exp3A_51 = math.exp %sub3A_50 : vector<256x1xf32>
    %sub3A_52 = vector.broadcast %max3A_49 : vector<256x1xf32> to vector<256x1024xf32>
    %sub3A_53 = arith.subf %mul3A_45, %sub3A_52 : vector<256x1024xf32>
    %exp3A_54 = math.exp %sub3A_53 : vector<256x1024xf32>
    %mul3A_55 = arith.mulf %add3A, %exp3A_51 : vector<256x1xf32>
    %reduce_sum3A_56 = arith.constant dense<0.000000e+00> : vector<256xf32>
    %reduce_sum3A_57 = vector.multi_reduction <add>, %exp3A_54, %reduce_sum3A_56 [1] : vector<256x1024xf32> to vector<256xf32>
    %broadcast_in_dim3A_58 = vector.shape_cast %reduce_sum3A_57 : vector<256xf32> to vector<256x1xf32>
    %add3A_59 = arith.addf %mul3A_55, %broadcast_in_dim3A_58 : vector<256x1xf32>
    %mul3A_60 = vector.broadcast %exp3A_51 : vector<256x1xf32> to vector<256x256xf32>
    %mul3A_61 = arith.mulf %add3A_31, %mul3A_60 : vector<256x256xf32>
    %convert_element_type3A_62 = arith.truncf %exp3A_54 : vector<256x1024xf32> to vector<256x1024xbf16>
    %convert_element_type3A_63 = arith.truncf %get3A_37 : vector<1024x256xf32> to vector<1024x256xbf16>
    %dot_general3A_64 = arith.constant dense<0.000000e+00> : vector<256x256xf32>
    %dot_general3A_65 = tpu.matmul %convert_element_type3A_62, %convert_element_type3A_63, %dot_general3A_64 {dimension_numbers = #tpu.dot_dimension_numbers<[1], [0], [0], [1], [0, 0, 1, 1], [], []>, transpose_lhs_hint = false} : vector<256x1024xbf16>, vector<1024x256xbf16>, vector<256x256xf32> -> vector<256x256xf32>
    %add3A_66 = arith.addf %mul3A_61, %dot_general3A_65 : vector<256x256xf32>
    %div3A = vector.broadcast %add3A_59 : vector<256x1xf32> to vector<256x256xf32>
    %div3A_67 = arith.divf %add3A_66, %div3A : vector<256x256xf32>
    %get3A_68 = arith.constant 0 : index
    %get3A_69 = arith.constant 0 : index
    %get3A_70 = vector.load %arg4[%get3A_68, %get3A_69] : memref<256x256xf32, #tpu.memory_space<vmem>>, vector<256x256xf32>
    %add3A_71 = arith.addf %div3A_67, %get3A_70 : vector<256x256xf32>
    %swap3A = arith.constant 0 : index
    %swap3A_72 = arith.constant 0 : index
    %swap3A_73 = vector.load %arg5[%swap3A, %swap3A_72] : memref<256x256xf32, #tpu.memory_space<vmem>>, vector<256x256xf32>
    tpu.vector_store %arg5[%swap3A, %swap3A_72], %add3A_71 {strides = array<i32>} : memref<256x256xf32, #tpu.memory_space<vmem>>, vector<256x256xf32>,
    return
  }
  func.func @transform_0(%arg0: i32) -> (i32, i32) {
    %c0_i32 = arith.constant 0 : i32
    %c0_i32_0 = arith.constant 0 : i32
    return %arg0, %c0_i32 : i32, i32
  }
  func.func @transform_1(%arg0: i32) -> (i32, i32) {
    %c0_i32 = arith.constant 0 : i32
    %c0_i32_0 = arith.constant 0 : i32
    %c0_i32_1 = arith.constant 0 : i32
    return %c0_i32, %c0_i32_0 : i32, i32
  }
  func.func @transform_2(%arg0: i32) -> (i32, i32) {
    %c0_i32 = arith.constant 0 : i32
    %c0_i32_0 = arith.constant 0 : i32
    %c0_i32_1 = arith.constant 0 : i32
    return %c0_i32, %c0_i32_0 : i32, i32
  }
  func.func @transform_3(%arg0: i32) -> (i32, i32) {
    %c0_i32 = arith.constant 0 : i32
    %c0_i32_0 = arith.constant 0 : i32
    return %arg0, %c0_i32 : i32, i32
  }
  func.func @transform_4(%arg0: i32) -> (i32, i32) {
    %c0_i32 = arith.constant 0 : i32
    %c0_i32_0 = arith.constant 0 : i32
    return %arg0, %c0_i32 : i32, i32
  }
}

module attributes {stable_mosaic.version = 14 : i64} {
  func.func @_fuse_kernel(%arg0: i32, %arg1: i32, %arg2: memref<256x256xf32, #tpu.memory_space<vmem>>, %arg3: memref<2048x256xf32, #tpu.memory_space<vmem>>, %arg4: memref<1x256x256xf32, #tpu.memory_space<vmem>>, %arg5: memref<1x4xf32, #tpu.memory_space<vmem>>, %arg6: memref<1x256x2048xbf16, #tpu.memory_space<vmem>>, %arg7: memref<1x256x2048xbf16, #tpu.memory_space<vmem>>, %arg8: memref<256x256xf32, #tpu.memory_space<vmem>>, %arg9: memref<1x2048xf32, #tpu.memory_space<vmem>>, %arg10: memref<1x256x16xi32, #tpu.memory_space<vmem>>, %arg11: memref<1x256x16xf32, #tpu.memory_space<vmem>>, %arg12: memref<256x2048xf32, #tpu.memory_space<vmem>>) attributes {dimension_semantics = [#tpu.dimension_semantics<arbitrary>, #tpu.dimension_semantics<arbitrary>], iteration_bounds = array<i64: 8, 4>, scalar_prefetch = 0 : i64, scratch_operands = 1 : i64, tpu.core_type = #tpu.core_type<tc>, window_params = [{transform_indices = @transform_0, window_bounds = array<i64: 256, 256>}, {pipeline_mode = #tpu.pipeline_mode<synchronous>, transform_indices = @transform_1, window_bounds = array<i64: 2048, 256>}, {transform_indices = @transform_2, window_bounds = array<i64: 1, 256, 256>}, {pipeline_mode = #tpu.pipeline_mode<synchronous>, transform_indices = @transform_3, window_bounds = array<i64: 1, 4>}, {transform_indices = @transform_4, window_bounds = array<i64: 1, 256, 2048>}, {transform_indices = @transform_5, window_bounds = array<i64: 1, 256, 2048>}, {transform_indices = @transform_6, window_bounds = array<i64: 256, 256>}, {pipeline_mode = #tpu.pipeline_mode<synchronous>, transform_indices = @transform_7, window_bounds = array<i64: 1, 2048>}, {transform_indices = @transform_8, window_bounds = array<i64: 1, 256, 16>}, {transform_indices = @transform_9, window_bounds = array<i64: 1, 256, 16>}]} {
    %get3A = arith.constant 0 : index
    %get3A_0 = arith.constant 0 : index
    %get3A_1 = vector.load %arg2[%get3A, %get3A_0] : memref<256x256xf32, #tpu.memory_space<vmem>>, vector<256x256xf32>
    %get3A_2 = arith.constant 0 : index
    %get3A_3 = arith.constant 0 : index
    %get3A_4 = vector.load %arg3[%get3A_2, %get3A_3] : memref<2048x256xf32, #tpu.memory_space<vmem>>, vector<2048x256xf32>
    %get3A_5 = arith.constant 0 : index
    %get3A_6 = arith.constant 0 : index
    %get3A_7 = arith.constant 0 : index
    %get3A_8 = vector.load %arg4[%get3A_5, %get3A_6, %get3A_7] : memref<1x256x256xf32, #tpu.memory_space<vmem>>, vector<1x256x256xf32>
    %get3A_9 = vector.shape_cast %get3A_8 : vector<1x256x256xf32> to vector<256x256xf32>
    %convert_element_type3A = arith.truncf %get3A_1 : vector<256x256xf32> to vector<256x256xbf16>
    %convert_element_type3A_10 = arith.truncf %get3A_9 : vector<256x256xf32> to vector<256x256xbf16>
    %dot_general3A = arith.constant dense<0.000000e+00> : vector<256x256xf32>
    %dot_general3A_11 = tpu.matmul %convert_element_type3A, %convert_element_type3A_10, %dot_general3A {dimension_numbers = #tpu.dot_dimension_numbers<[1], [0], [0], [1], [0, 0, 1, 1], [], []>, transpose_lhs_hint = false} : vector<256x256xbf16>, vector<256x256xbf16>, vector<256x256xf32> -> vector<256x256xf32>
    %transpose3A = tpu.transpose %get3A_4, [1, 0] : vector<2048x256xf32> -> vector<256x2048xf32>
    %convert_element_type3A_12 = arith.truncf %dot_general3A_11 : vector<256x256xf32> to vector<256x256xbf16>
    %convert_element_type3A_13 = arith.truncf %transpose3A : vector<256x2048xf32> to vector<256x2048xbf16>
    %dot_general3A_14 = arith.constant dense<0.000000e+00> : vector<256x2048xf32>
    %dot_general3A_15 = tpu.matmul %convert_element_type3A_12, %convert_element_type3A_13, %dot_general3A_14 {dimension_numbers = #tpu.dot_dimension_numbers<[1], [0], [0], [1], [0, 0, 1, 1], [], []>, transpose_lhs_hint = false} : vector<256x256xbf16>, vector<256x2048xbf16>, vector<256x2048xf32> -> vector<256x2048xf32>
    %mul3A = arith.constant 6.250000e-02 : f32
    %mul3A_16 = vector.broadcast %mul3A : f32 to vector<256x2048xf32>
    %mul3A_17 = arith.mulf %dot_general3A_15, %mul3A_16 : vector<256x2048xf32>
    %reduce_max3A = arith.constant dense<0xFF800000> : vector<256xf32>
    %reduce_max3A_18 = vector.multi_reduction <maximumf>, %mul3A_17, %reduce_max3A [1] : vector<256x2048xf32> to vector<256xf32>
    %broadcast_in_dim3A = vector.shape_cast %reduce_max3A_18 : vector<256xf32> to vector<256x1xf32>
    %sub3A = vector.broadcast %broadcast_in_dim3A : vector<256x1xf32> to vector<256x2048xf32>
    %sub3A_19 = arith.subf %mul3A_17, %sub3A : vector<256x2048xf32>
    %exp3A = math.exp %sub3A_19 : vector<256x2048xf32>
    %reduce_sum3A = arith.constant dense<0.000000e+00> : vector<256xf32>
    %reduce_sum3A_20 = vector.multi_reduction <add>, %exp3A, %reduce_sum3A [1] : vector<256x2048xf32> to vector<256xf32>
    %broadcast_in_dim3A_21 = vector.shape_cast %reduce_sum3A_20 : vector<256xf32> to vector<256x1xf32>
    %div3A = vector.broadcast %broadcast_in_dim3A_21 : vector<256x1xf32> to vector<256x2048xf32>
    %div3A_22 = arith.divf %exp3A, %div3A : vector<256x2048xf32>
    %iota3A = tpu.iota {dimensions = array<i32: 1>} : vector<256x2048xi32>
    %broadcast_in_dim3A_23 = arith.constant false
    %broadcast_in_dim3A_24 = vector.broadcast %broadcast_in_dim3A_23 : i1 to vector<256x2048xi1>
    %reduce_max3A_25 = arith.constant dense<0xFF800000> : vector<256xf32>
    %reduce_max3A_26 = vector.multi_reduction <maximumf>, %div3A_22, %reduce_max3A_25 [1] : vector<256x2048xf32> to vector<256xf32>
    %broadcast_in_dim3A_27 = vector.shape_cast %reduce_max3A_26 : vector<256xf32> to vector<256x1xf32>
    %eq3A = vector.broadcast %broadcast_in_dim3A_27 : vector<256x1xf32> to vector<256x2048xf32>
    %eq3A_28 = arith.cmpf oeq, %div3A_22, %eq3A : vector<256x2048xf32>
    %jit3A = arith.constant 2048 : i32
    %broadcast_in_dim3A_29 = vector.broadcast %jit3A : i32 to vector<256x2048xi32>
    %select_n3A = arith.select %eq3A_28, %iota3A, %broadcast_in_dim3A_29 : vector<256x2048xi1>, vector<256x2048xi32>
    %reduce_min3A = arith.constant dense<2147483647> : vector<256xi32>
    %reduce_min3A_30 = vector.multi_reduction <minsi>, %select_n3A, %reduce_min3A [1] : vector<256x2048xi32> to vector<256xi32>
    %broadcast_in_dim3A_31 = vector.shape_cast %reduce_min3A_30 : vector<256xi32> to vector<256x1xi32>
    %eq3A_32 = vector.broadcast %broadcast_in_dim3A_31 : vector<256x1xi32> to vector<256x2048xi32>
    %eq3A_33 = arith.cmpi eq, %iota3A, %eq3A_32 : vector<256x2048xi32>
    %or3A = arith.ori %broadcast_in_dim3A_24, %eq3A_33 : vector<256x2048xi1>
    %jit3A_34 = arith.constant -1.000000e+00 : f32
    %broadcast_in_dim3A_35 = vector.broadcast %jit3A_34 : f32 to vector<256x2048xf32>
    %select_n3A_36 = arith.select %eq3A_33, %broadcast_in_dim3A_35, %div3A_22 : vector<256x2048xi1>, vector<256x2048xf32>
    %reduce_max3A_37 = arith.constant dense<0xFF800000> : vector<256xf32>
    %reduce_max3A_38 = vector.multi_reduction <maximumf>, %select_n3A_36, %reduce_max3A_37 [1] : vector<256x2048xf32> to vector<256xf32>
    %broadcast_in_dim3A_39 = vector.shape_cast %reduce_max3A_38 : vector<256xf32> to vector<256x1xf32>
    %eq3A_40 = vector.broadcast %broadcast_in_dim3A_39 : vector<256x1xf32> to vector<256x2048xf32>
    %eq3A_41 = arith.cmpf oeq, %select_n3A_36, %eq3A_40 : vector<256x2048xf32>
    %jit3A_42 = arith.constant 2048 : i32
    %broadcast_in_dim3A_43 = vector.broadcast %jit3A_42 : i32 to vector<256x2048xi32>
    %select_n3A_44 = arith.select %eq3A_41, %iota3A, %broadcast_in_dim3A_43 : vector<256x2048xi1>, vector<256x2048xi32>
    %reduce_min3A_45 = arith.constant dense<2147483647> : vector<256xi32>
    %reduce_min3A_46 = vector.multi_reduction <minsi>, %select_n3A_44, %reduce_min3A_45 [1] : vector<256x2048xi32> to vector<256xi32>
    %broadcast_in_dim3A_47 = vector.shape_cast %reduce_min3A_46 : vector<256xi32> to vector<256x1xi32>
    %eq3A_48 = vector.broadcast %broadcast_in_dim3A_47 : vector<256x1xi32> to vector<256x2048xi32>
    %eq3A_49 = arith.cmpi eq, %iota3A, %eq3A_48 : vector<256x2048xi32>
    %or3A_50 = arith.ori %or3A, %eq3A_49 : vector<256x2048xi1>
    %jit3A_51 = arith.constant -1.000000e+00 : f32
    %broadcast_in_dim3A_52 = vector.broadcast %jit3A_51 : f32 to vector<256x2048xf32>
    %select_n3A_53 = arith.select %eq3A_49, %broadcast_in_dim3A_52, %select_n3A_36 : vector<256x2048xi1>, vector<256x2048xf32>
    %reduce_max3A_54 = arith.constant dense<0xFF800000> : vector<256xf32>
    %reduce_max3A_55 = vector.multi_reduction <maximumf>, %select_n3A_53, %reduce_max3A_54 [1] : vector<256x2048xf32> to vector<256xf32>
    %broadcast_in_dim3A_56 = vector.shape_cast %reduce_max3A_55 : vector<256xf32> to vector<256x1xf32>
    %eq3A_57 = vector.broadcast %broadcast_in_dim3A_56 : vector<256x1xf32> to vector<256x2048xf32>
    %eq3A_58 = arith.cmpf oeq, %select_n3A_53, %eq3A_57 : vector<256x2048xf32>
    %jit3A_59 = arith.constant 2048 : i32
    %broadcast_in_dim3A_60 = vector.broadcast %jit3A_59 : i32 to vector<256x2048xi32>
    %select_n3A_61 = arith.select %eq3A_58, %iota3A, %broadcast_in_dim3A_60 : vector<256x2048xi1>, vector<256x2048xi32>
    %reduce_min3A_62 = arith.constant dense<2147483647> : vector<256xi32>
    %reduce_min3A_63 = vector.multi_reduction <minsi>, %select_n3A_61, %reduce_min3A_62 [1] : vector<256x2048xi32> to vector<256xi32>
    %broadcast_in_dim3A_64 = vector.shape_cast %reduce_min3A_63 : vector<256xi32> to vector<256x1xi32>
    %eq3A_65 = vector.broadcast %broadcast_in_dim3A_64 : vector<256x1xi32> to vector<256x2048xi32>
    %eq3A_66 = arith.cmpi eq, %iota3A, %eq3A_65 : vector<256x2048xi32>
    %or3A_67 = arith.ori %or3A_50, %eq3A_66 : vector<256x2048xi1>
    %jit3A_68 = arith.constant -1.000000e+00 : f32
    %broadcast_in_dim3A_69 = vector.broadcast %jit3A_68 : f32 to vector<256x2048xf32>
    %select_n3A_70 = arith.select %eq3A_66, %broadcast_in_dim3A_69, %select_n3A_53 : vector<256x2048xi1>, vector<256x2048xf32>
    %reduce_max3A_71 = arith.constant dense<0xFF800000> : vector<256xf32>
    %reduce_max3A_72 = vector.multi_reduction <maximumf>, %select_n3A_70, %reduce_max3A_71 [1] : vector<256x2048xf32> to vector<256xf32>
    %broadcast_in_dim3A_73 = vector.shape_cast %reduce_max3A_72 : vector<256xf32> to vector<256x1xf32>
    %eq3A_74 = vector.broadcast %broadcast_in_dim3A_73 : vector<256x1xf32> to vector<256x2048xf32>
    %eq3A_75 = arith.cmpf oeq, %select_n3A_70, %eq3A_74 : vector<256x2048xf32>
    %jit3A_76 = arith.constant 2048 : i32
    %broadcast_in_dim3A_77 = vector.broadcast %jit3A_76 : i32 to vector<256x2048xi32>
    %select_n3A_78 = arith.select %eq3A_75, %iota3A, %broadcast_in_dim3A_77 : vector<256x2048xi1>, vector<256x2048xi32>
    %reduce_min3A_79 = arith.constant dense<2147483647> : vector<256xi32>
    %reduce_min3A_80 = vector.multi_reduction <minsi>, %select_n3A_78, %reduce_min3A_79 [1] : vector<256x2048xi32> to vector<256xi32>
    %broadcast_in_dim3A_81 = vector.shape_cast %reduce_min3A_80 : vector<256xi32> to vector<256x1xi32>
    %eq3A_82 = vector.broadcast %broadcast_in_dim3A_81 : vector<256x1xi32> to vector<256x2048xi32>
    %eq3A_83 = arith.cmpi eq, %iota3A, %eq3A_82 : vector<256x2048xi32>
    %or3A_84 = arith.ori %or3A_67, %eq3A_83 : vector<256x2048xi1>
    %jit3A_85 = arith.constant -1.000000e+00 : f32
    %broadcast_in_dim3A_86 = vector.broadcast %jit3A_85 : f32 to vector<256x2048xf32>
    %select_n3A_87 = arith.select %eq3A_83, %broadcast_in_dim3A_86, %select_n3A_70 : vector<256x2048xi1>, vector<256x2048xf32>
    %reduce_max3A_88 = arith.constant dense<0xFF800000> : vector<256xf32>
    %reduce_max3A_89 = vector.multi_reduction <maximumf>, %select_n3A_87, %reduce_max3A_88 [1] : vector<256x2048xf32> to vector<256xf32>
    %broadcast_in_dim3A_90 = vector.shape_cast %reduce_max3A_89 : vector<256xf32> to vector<256x1xf32>
    %eq3A_91 = vector.broadcast %broadcast_in_dim3A_90 : vector<256x1xf32> to vector<256x2048xf32>
    %eq3A_92 = arith.cmpf oeq, %select_n3A_87, %eq3A_91 : vector<256x2048xf32>
    %jit3A_93 = arith.constant 2048 : i32
    %broadcast_in_dim3A_94 = vector.broadcast %jit3A_93 : i32 to vector<256x2048xi32>
    %select_n3A_95 = arith.select %eq3A_92, %iota3A, %broadcast_in_dim3A_94 : vector<256x2048xi1>, vector<256x2048xi32>
    %reduce_min3A_96 = arith.constant dense<2147483647> : vector<256xi32>
    %reduce_min3A_97 = vector.multi_reduction <minsi>, %select_n3A_95, %reduce_min3A_96 [1] : vector<256x2048xi32> to vector<256xi32>
    %broadcast_in_dim3A_98 = vector.shape_cast %reduce_min3A_97 : vector<256xi32> to vector<256x1xi32>
    %eq3A_99 = vector.broadcast %broadcast_in_dim3A_98 : vector<256x1xi32> to vector<256x2048xi32>
    %eq3A_100 = arith.cmpi eq, %iota3A, %eq3A_99 : vector<256x2048xi32>
    %or3A_101 = arith.ori %or3A_84, %eq3A_100 : vector<256x2048xi1>
    %jit3A_102 = arith.constant -1.000000e+00 : f32
    %broadcast_in_dim3A_103 = vector.broadcast %jit3A_102 : f32 to vector<256x2048xf32>
    %select_n3A_104 = arith.select %eq3A_100, %broadcast_in_dim3A_103, %select_n3A_87 : vector<256x2048xi1>, vector<256x2048xf32>
    %reduce_max3A_105 = arith.constant dense<0xFF800000> : vector<256xf32>
    %reduce_max3A_106 = vector.multi_reduction <maximumf>, %select_n3A_104, %reduce_max3A_105 [1] : vector<256x2048xf32> to vector<256xf32>
    %broadcast_in_dim3A_107 = vector.shape_cast %reduce_max3A_106 : vector<256xf32> to vector<256x1xf32>
    %eq3A_108 = vector.broadcast %broadcast_in_dim3A_107 : vector<256x1xf32> to vector<256x2048xf32>
    %eq3A_109 = arith.cmpf oeq, %select_n3A_104, %eq3A_108 : vector<256x2048xf32>
    %jit3A_110 = arith.constant 2048 : i32
    %broadcast_in_dim3A_111 = vector.broadcast %jit3A_110 : i32 to vector<256x2048xi32>
    %select_n3A_112 = arith.select %eq3A_109, %iota3A, %broadcast_in_dim3A_111 : vector<256x2048xi1>, vector<256x2048xi32>
    %reduce_min3A_113 = arith.constant dense<2147483647> : vector<256xi32>
    %reduce_min3A_114 = vector.multi_reduction <minsi>, %select_n3A_112, %reduce_min3A_113 [1] : vector<256x2048xi32> to vector<256xi32>
    %broadcast_in_dim3A_115 = vector.shape_cast %reduce_min3A_114 : vector<256xi32> to vector<256x1xi32>
    %eq3A_116 = vector.broadcast %broadcast_in_dim3A_115 : vector<256x1xi32> to vector<256x2048xi32>
    %eq3A_117 = arith.cmpi eq, %iota3A, %eq3A_116 : vector<256x2048xi32>
    %or3A_118 = arith.ori %or3A_101, %eq3A_117 : vector<256x2048xi1>
    %jit3A_119 = arith.constant -1.000000e+00 : f32
    %broadcast_in_dim3A_120 = vector.broadcast %jit3A_119 : f32 to vector<256x2048xf32>
    %select_n3A_121 = arith.select %eq3A_117, %broadcast_in_dim3A_120, %select_n3A_104 : vector<256x2048xi1>, vector<256x2048xf32>
    %reduce_max3A_122 = arith.constant dense<0xFF800000> : vector<256xf32>
    %reduce_max3A_123 = vector.multi_reduction <maximumf>, %select_n3A_121, %reduce_max3A_122 [1] : vector<256x2048xf32> to vector<256xf32>
    %broadcast_in_dim3A_124 = vector.shape_cast %reduce_max3A_123 : vector<256xf32> to vector<256x1xf32>
    %eq3A_125 = vector.broadcast %broadcast_in_dim3A_124 : vector<256x1xf32> to vector<256x2048xf32>
    %eq3A_126 = arith.cmpf oeq, %select_n3A_121, %eq3A_125 : vector<256x2048xf32>
    %jit3A_127 = arith.constant 2048 : i32
    %broadcast_in_dim3A_128 = vector.broadcast %jit3A_127 : i32 to vector<256x2048xi32>
    %select_n3A_129 = arith.select %eq3A_126, %iota3A, %broadcast_in_dim3A_128 : vector<256x2048xi1>, vector<256x2048xi32>
    %reduce_min3A_130 = arith.constant dense<2147483647> : vector<256xi32>
    %reduce_min3A_131 = vector.multi_reduction <minsi>, %select_n3A_129, %reduce_min3A_130 [1] : vector<256x2048xi32> to vector<256xi32>
    %broadcast_in_dim3A_132 = vector.shape_cast %reduce_min3A_131 : vector<256xi32> to vector<256x1xi32>
    %eq3A_133 = vector.broadcast %broadcast_in_dim3A_132 : vector<256x1xi32> to vector<256x2048xi32>
    %eq3A_134 = arith.cmpi eq, %iota3A, %eq3A_133 : vector<256x2048xi32>
    %or3A_135 = arith.ori %or3A_118, %eq3A_134 : vector<256x2048xi1>
    %jit3A_136 = arith.constant -1.000000e+00 : f32
    %broadcast_in_dim3A_137 = vector.broadcast %jit3A_136 : f32 to vector<256x2048xf32>
    %select_n3A_138 = arith.select %eq3A_134, %broadcast_in_dim3A_137, %select_n3A_121 : vector<256x2048xi1>, vector<256x2048xf32>
    %reduce_max3A_139 = arith.constant dense<0xFF800000> : vector<256xf32>
    %reduce_max3A_140 = vector.multi_reduction <maximumf>, %select_n3A_138, %reduce_max3A_139 [1] : vector<256x2048xf32> to vector<256xf32>
    %broadcast_in_dim3A_141 = vector.shape_cast %reduce_max3A_140 : vector<256xf32> to vector<256x1xf32>
    %eq3A_142 = vector.broadcast %broadcast_in_dim3A_141 : vector<256x1xf32> to vector<256x2048xf32>
    %eq3A_143 = arith.cmpf oeq, %select_n3A_138, %eq3A_142 : vector<256x2048xf32>
    %jit3A_144 = arith.constant 2048 : i32
    %broadcast_in_dim3A_145 = vector.broadcast %jit3A_144 : i32 to vector<256x2048xi32>
    %select_n3A_146 = arith.select %eq3A_143, %iota3A, %broadcast_in_dim3A_145 : vector<256x2048xi1>, vector<256x2048xi32>
    %reduce_min3A_147 = arith.constant dense<2147483647> : vector<256xi32>
    %reduce_min3A_148 = vector.multi_reduction <minsi>, %select_n3A_146, %reduce_min3A_147 [1] : vector<256x2048xi32> to vector<256xi32>
    %broadcast_in_dim3A_149 = vector.shape_cast %reduce_min3A_148 : vector<256xi32> to vector<256x1xi32>
    %eq3A_150 = vector.broadcast %broadcast_in_dim3A_149 : vector<256x1xi32> to vector<256x2048xi32>
    %eq3A_151 = arith.cmpi eq, %iota3A, %eq3A_150 : vector<256x2048xi32>
    %or3A_152 = arith.ori %or3A_135, %eq3A_151 : vector<256x2048xi1>
    %jit3A_153 = arith.constant -1.000000e+00 : f32
    %broadcast_in_dim3A_154 = vector.broadcast %jit3A_153 : f32 to vector<256x2048xf32>
    %select_n3A_155 = arith.select %eq3A_151, %broadcast_in_dim3A_154, %select_n3A_138 : vector<256x2048xi1>, vector<256x2048xf32>
    %reduce_max3A_156 = arith.constant dense<0xFF800000> : vector<256xf32>
    %reduce_max3A_157 = vector.multi_reduction <maximumf>, %select_n3A_155, %reduce_max3A_156 [1] : vector<256x2048xf32> to vector<256xf32>
    %broadcast_in_dim3A_158 = vector.shape_cast %reduce_max3A_157 : vector<256xf32> to vector<256x1xf32>
    %eq3A_159 = vector.broadcast %broadcast_in_dim3A_158 : vector<256x1xf32> to vector<256x2048xf32>
    %eq3A_160 = arith.cmpf oeq, %select_n3A_155, %eq3A_159 : vector<256x2048xf32>
    %jit3A_161 = arith.constant 2048 : i32
    %broadcast_in_dim3A_162 = vector.broadcast %jit3A_161 : i32 to vector<256x2048xi32>
    %select_n3A_163 = arith.select %eq3A_160, %iota3A, %broadcast_in_dim3A_162 : vector<256x2048xi1>, vector<256x2048xi32>
    %reduce_min3A_164 = arith.constant dense<2147483647> : vector<256xi32>
    %reduce_min3A_165 = vector.multi_reduction <minsi>, %select_n3A_163, %reduce_min3A_164 [1] : vector<256x2048xi32> to vector<256xi32>
    %broadcast_in_dim3A_166 = vector.shape_cast %reduce_min3A_165 : vector<256xi32> to vector<256x1xi32>
    %eq3A_167 = vector.broadcast %broadcast_in_dim3A_166 : vector<256x1xi32> to vector<256x2048xi32>
    %eq3A_168 = arith.cmpi eq, %iota3A, %eq3A_167 : vector<256x2048xi32>
    %or3A_169 = arith.ori %or3A_152, %eq3A_168 : vector<256x2048xi1>
    %jit3A_170 = arith.constant -1.000000e+00 : f32
    %broadcast_in_dim3A_171 = vector.broadcast %jit3A_170 : f32 to vector<256x2048xf32>
    %select_n3A_172 = arith.select %eq3A_168, %broadcast_in_dim3A_171, %select_n3A_155 : vector<256x2048xi1>, vector<256x2048xf32>
    %reduce_max3A_173 = arith.constant dense<0xFF800000> : vector<256xf32>
    %reduce_max3A_174 = vector.multi_reduction <maximumf>, %select_n3A_172, %reduce_max3A_173 [1] : vector<256x2048xf32> to vector<256xf32>
    %broadcast_in_dim3A_175 = vector.shape_cast %reduce_max3A_174 : vector<256xf32> to vector<256x1xf32>
    %eq3A_176 = vector.broadcast %broadcast_in_dim3A_175 : vector<256x1xf32> to vector<256x2048xf32>
    %eq3A_177 = arith.cmpf oeq, %select_n3A_172, %eq3A_176 : vector<256x2048xf32>
    %jit3A_178 = arith.constant 2048 : i32
    %broadcast_in_dim3A_179 = vector.broadcast %jit3A_178 : i32 to vector<256x2048xi32>
    %select_n3A_180 = arith.select %eq3A_177, %iota3A, %broadcast_in_dim3A_179 : vector<256x2048xi1>, vector<256x2048xi32>
    %reduce_min3A_181 = arith.constant dense<2147483647> : vector<256xi32>
    %reduce_min3A_182 = vector.multi_reduction <minsi>, %select_n3A_180, %reduce_min3A_181 [1] : vector<256x2048xi32> to vector<256xi32>
    %broadcast_in_dim3A_183 = vector.shape_cast %reduce_min3A_182 : vector<256xi32> to vector<256x1xi32>
    %eq3A_184 = vector.broadcast %broadcast_in_dim3A_183 : vector<256x1xi32> to vector<256x2048xi32>
    %eq3A_185 = arith.cmpi eq, %iota3A, %eq3A_184 : vector<256x2048xi32>
    %or3A_186 = arith.ori %or3A_169, %eq3A_185 : vector<256x2048xi1>
    %jit3A_187 = arith.constant -1.000000e+00 : f32
    %broadcast_in_dim3A_188 = vector.broadcast %jit3A_187 : f32 to vector<256x2048xf32>
    %select_n3A_189 = arith.select %eq3A_185, %broadcast_in_dim3A_188, %select_n3A_172 : vector<256x2048xi1>, vector<256x2048xf32>
    %reduce_max3A_190 = arith.constant dense<0xFF800000> : vector<256xf32>
    %reduce_max3A_191 = vector.multi_reduction <maximumf>, %select_n3A_189, %reduce_max3A_190 [1] : vector<256x2048xf32> to vector<256xf32>
    %broadcast_in_dim3A_192 = vector.shape_cast %reduce_max3A_191 : vector<256xf32> to vector<256x1xf32>
    %eq3A_193 = vector.broadcast %broadcast_in_dim3A_192 : vector<256x1xf32> to vector<256x2048xf32>
    %eq3A_194 = arith.cmpf oeq, %select_n3A_189, %eq3A_193 : vector<256x2048xf32>
    %jit3A_195 = arith.constant 2048 : i32
    %broadcast_in_dim3A_196 = vector.broadcast %jit3A_195 : i32 to vector<256x2048xi32>
    %select_n3A_197 = arith.select %eq3A_194, %iota3A, %broadcast_in_dim3A_196 : vector<256x2048xi1>, vector<256x2048xi32>
    %reduce_min3A_198 = arith.constant dense<2147483647> : vector<256xi32>
    %reduce_min3A_199 = vector.multi_reduction <minsi>, %select_n3A_197, %reduce_min3A_198 [1] : vector<256x2048xi32> to vector<256xi32>
    %broadcast_in_dim3A_200 = vector.shape_cast %reduce_min3A_199 : vector<256xi32> to vector<256x1xi32>
    %eq3A_201 = vector.broadcast %broadcast_in_dim3A_200 : vector<256x1xi32> to vector<256x2048xi32>
    %eq3A_202 = arith.cmpi eq, %iota3A, %eq3A_201 : vector<256x2048xi32>
    %or3A_203 = arith.ori %or3A_186, %eq3A_202 : vector<256x2048xi1>
    %jit3A_204 = arith.constant -1.000000e+00 : f32
    %broadcast_in_dim3A_205 = vector.broadcast %jit3A_204 : f32 to vector<256x2048xf32>
    %select_n3A_206 = arith.select %eq3A_202, %broadcast_in_dim3A_205, %select_n3A_189 : vector<256x2048xi1>, vector<256x2048xf32>
    %reduce_max3A_207 = arith.constant dense<0xFF800000> : vector<256xf32>
    %reduce_max3A_208 = vector.multi_reduction <maximumf>, %select_n3A_206, %reduce_max3A_207 [1] : vector<256x2048xf32> to vector<256xf32>
    %broadcast_in_dim3A_209 = vector.shape_cast %reduce_max3A_208 : vector<256xf32> to vector<256x1xf32>
    %eq3A_210 = vector.broadcast %broadcast_in_dim3A_209 : vector<256x1xf32> to vector<256x2048xf32>
    %eq3A_211 = arith.cmpf oeq, %select_n3A_206, %eq3A_210 : vector<256x2048xf32>
    %jit3A_212 = arith.constant 2048 : i32
    %broadcast_in_dim3A_213 = vector.broadcast %jit3A_212 : i32 to vector<256x2048xi32>
    %select_n3A_214 = arith.select %eq3A_211, %iota3A, %broadcast_in_dim3A_213 : vector<256x2048xi1>, vector<256x2048xi32>
    %reduce_min3A_215 = arith.constant dense<2147483647> : vector<256xi32>
    %reduce_min3A_216 = vector.multi_reduction <minsi>, %select_n3A_214, %reduce_min3A_215 [1] : vector<256x2048xi32> to vector<256xi32>
    %broadcast_in_dim3A_217 = vector.shape_cast %reduce_min3A_216 : vector<256xi32> to vector<256x1xi32>
    %eq3A_218 = vector.broadcast %broadcast_in_dim3A_217 : vector<256x1xi32> to vector<256x2048xi32>
    %eq3A_219 = arith.cmpi eq, %iota3A, %eq3A_218 : vector<256x2048xi32>
    %or3A_220 = arith.ori %or3A_203, %eq3A_219 : vector<256x2048xi1>
    %jit3A_221 = arith.constant -1.000000e+00 : f32
    %broadcast_in_dim3A_222 = vector.broadcast %jit3A_221 : f32 to vector<256x2048xf32>
    %select_n3A_223 = arith.select %eq3A_219, %broadcast_in_dim3A_222, %select_n3A_206 : vector<256x2048xi1>, vector<256x2048xf32>
    %reduce_max3A_224 = arith.constant dense<0xFF800000> : vector<256xf32>
    %reduce_max3A_225 = vector.multi_reduction <maximumf>, %select_n3A_223, %reduce_max3A_224 [1] : vector<256x2048xf32> to vector<256xf32>
    %broadcast_in_dim3A_226 = vector.shape_cast %reduce_max3A_225 : vector<256xf32> to vector<256x1xf32>
    %eq3A_227 = vector.broadcast %broadcast_in_dim3A_226 : vector<256x1xf32> to vector<256x2048xf32>
    %eq3A_228 = arith.cmpf oeq, %select_n3A_223, %eq3A_227 : vector<256x2048xf32>
    %jit3A_229 = arith.constant 2048 : i32
    %broadcast_in_dim3A_230 = vector.broadcast %jit3A_229 : i32 to vector<256x2048xi32>
    %select_n3A_231 = arith.select %eq3A_228, %iota3A, %broadcast_in_dim3A_230 : vector<256x2048xi1>, vector<256x2048xi32>
    %reduce_min3A_232 = arith.constant dense<2147483647> : vector<256xi32>
    %reduce_min3A_233 = vector.multi_reduction <minsi>, %select_n3A_231, %reduce_min3A_232 [1] : vector<256x2048xi32> to vector<256xi32>
    %broadcast_in_dim3A_234 = vector.shape_cast %reduce_min3A_233 : vector<256xi32> to vector<256x1xi32>
    %eq3A_235 = vector.broadcast %broadcast_in_dim3A_234 : vector<256x1xi32> to vector<256x2048xi32>
    %eq3A_236 = arith.cmpi eq, %iota3A, %eq3A_235 : vector<256x2048xi32>
    %or3A_237 = arith.ori %or3A_220, %eq3A_236 : vector<256x2048xi1>
    %jit3A_238 = arith.constant -1.000000e+00 : f32
    %broadcast_in_dim3A_239 = vector.broadcast %jit3A_238 : f32 to vector<256x2048xf32>
    %select_n3A_240 = arith.select %eq3A_236, %broadcast_in_dim3A_239, %select_n3A_223 : vector<256x2048xi1>, vector<256x2048xf32>
    %reduce_max3A_241 = arith.constant dense<0xFF800000> : vector<256xf32>
    %reduce_max3A_242 = vector.multi_reduction <maximumf>, %select_n3A_240, %reduce_max3A_241 [1] : vector<256x2048xf32> to vector<256xf32>
    %broadcast_in_dim3A_243 = vector.shape_cast %reduce_max3A_242 : vector<256xf32> to vector<256x1xf32>
    %eq3A_244 = vector.broadcast %broadcast_in_dim3A_243 : vector<256x1xf32> to vector<256x2048xf32>
    %eq3A_245 = arith.cmpf oeq, %select_n3A_240, %eq3A_244 : vector<256x2048xf32>
    %jit3A_246 = arith.constant 2048 : i32
    %broadcast_in_dim3A_247 = vector.broadcast %jit3A_246 : i32 to vector<256x2048xi32>
    %select_n3A_248 = arith.select %eq3A_245, %iota3A, %broadcast_in_dim3A_247 : vector<256x2048xi1>, vector<256x2048xi32>
    %reduce_min3A_249 = arith.constant dense<2147483647> : vector<256xi32>
    %reduce_min3A_250 = vector.multi_reduction <minsi>, %select_n3A_248, %reduce_min3A_249 [1] : vector<256x2048xi32> to vector<256xi32>
    %broadcast_in_dim3A_251 = vector.shape_cast %reduce_min3A_250 : vector<256xi32> to vector<256x1xi32>
    %eq3A_252 = vector.broadcast %broadcast_in_dim3A_251 : vector<256x1xi32> to vector<256x2048xi32>
    %eq3A_253 = arith.cmpi eq, %iota3A, %eq3A_252 : vector<256x2048xi32>
    %or3A_254 = arith.ori %or3A_237, %eq3A_253 : vector<256x2048xi1>
    %jit3A_255 = arith.constant -1.000000e+00 : f32
    %broadcast_in_dim3A_256 = vector.broadcast %jit3A_255 : f32 to vector<256x2048xf32>
    %select_n3A_257 = arith.select %eq3A_253, %broadcast_in_dim3A_256, %select_n3A_240 : vector<256x2048xi1>, vector<256x2048xf32>
    %reduce_max3A_258 = arith.constant dense<0xFF800000> : vector<256xf32>
    %reduce_max3A_259 = vector.multi_reduction <maximumf>, %select_n3A_257, %reduce_max3A_258 [1] : vector<256x2048xf32> to vector<256xf32>
    %broadcast_in_dim3A_260 = vector.shape_cast %reduce_max3A_259 : vector<256xf32> to vector<256x1xf32>
    %eq3A_261 = vector.broadcast %broadcast_in_dim3A_260 : vector<256x1xf32> to vector<256x2048xf32>
    %eq3A_262 = arith.cmpf oeq, %select_n3A_257, %eq3A_261 : vector<256x2048xf32>
    %jit3A_263 = arith.constant 2048 : i32
    %broadcast_in_dim3A_264 = vector.broadcast %jit3A_263 : i32 to vector<256x2048xi32>
    %select_n3A_265 = arith.select %eq3A_262, %iota3A, %broadcast_in_dim3A_264 : vector<256x2048xi1>, vector<256x2048xi32>
    %reduce_min3A_266 = arith.constant dense<2147483647> : vector<256xi32>
    %reduce_min3A_267 = vector.multi_reduction <minsi>, %select_n3A_265, %reduce_min3A_266 [1] : vector<256x2048xi32> to vector<256xi32>
    %broadcast_in_dim3A_268 = vector.shape_cast %reduce_min3A_267 : vector<256xi32> to vector<256x1xi32>
    %eq3A_269 = vector.broadcast %broadcast_in_dim3A_268 : vector<256x1xi32> to vector<256x2048xi32>
    %eq3A_270 = arith.cmpi eq, %iota3A, %eq3A_269 : vector<256x2048xi32>
    %or3A_271 = arith.ori %or3A_254, %eq3A_270 : vector<256x2048xi1>
    %jit3A_272 = arith.constant -1.000000e+00 : f32
    %broadcast_in_dim3A_273 = vector.broadcast %jit3A_272 : f32 to vector<256x2048xf32>
    %select_n3A_274 = arith.select %eq3A_270, %broadcast_in_dim3A_273, %select_n3A_257 : vector<256x2048xi1>, vector<256x2048xf32>
    %reduce_max3A_275 = arith.constant dense<0xFF800000> : vector<256xf32>
    %reduce_max3A_276 = vector.multi_reduction <maximumf>, %select_n3A_274, %reduce_max3A_275 [1] : vector<256x2048xf32> to vector<256xf32>
    %broadcast_in_dim3A_277 = vector.shape_cast %reduce_max3A_276 : vector<256xf32> to vector<256x1xf32>
    %eq3A_278 = vector.broadcast %broadcast_in_dim3A_277 : vector<256x1xf32> to vector<256x2048xf32>
    %eq3A_279 = arith.cmpf oeq, %select_n3A_274, %eq3A_278 : vector<256x2048xf32>
    %jit3A_280 = arith.constant 2048 : i32
    %broadcast_in_dim3A_281 = vector.broadcast %jit3A_280 : i32 to vector<256x2048xi32>
    %select_n3A_282 = arith.select %eq3A_279, %iota3A, %broadcast_in_dim3A_281 : vector<256x2048xi1>, vector<256x2048xi32>
    %reduce_min3A_283 = arith.constant dense<2147483647> : vector<256xi32>
    %reduce_min3A_284 = vector.multi_reduction <minsi>, %select_n3A_282, %reduce_min3A_283 [1] : vector<256x2048xi32> to vector<256xi32>
    %broadcast_in_dim3A_285 = vector.shape_cast %reduce_min3A_284 : vector<256xi32> to vector<256x1xi32>
    %eq3A_286 = vector.broadcast %broadcast_in_dim3A_285 : vector<256x1xi32> to vector<256x2048xi32>
    %eq3A_287 = arith.cmpi eq, %iota3A, %eq3A_286 : vector<256x2048xi32>
    %or3A_288 = arith.ori %or3A_271, %eq3A_287 : vector<256x2048xi1>
    %concatenate3A = tpu.concatenate %broadcast_in_dim3A_31, %broadcast_in_dim3A_47, %broadcast_in_dim3A_64, %broadcast_in_dim3A_81, %broadcast_in_dim3A_98, %broadcast_in_dim3A_115, %broadcast_in_dim3A_132, %broadcast_in_dim3A_149, %broadcast_in_dim3A_166, %broadcast_in_dim3A_183, %broadcast_in_dim3A_200, %broadcast_in_dim3A_217, %broadcast_in_dim3A_234, %broadcast_in_dim3A_251, %broadcast_in_dim3A_268, %broadcast_in_dim3A_285 in 1 : vector<256x1xi32>, vector<256x1xi32>, vector<256x1xi32>, vector<256x1xi32>, vector<256x1xi32>, vector<256x1xi32>, vector<256x1xi32>, vector<256x1xi32>, vector<256x1xi32>, vector<256x1xi32>, vector<256x1xi32>, vector<256x1xi32>, vector<256x1xi32>, vector<256x1xi32>, vector<256x1xi32>, vector<256x1xi32> -> vector<256x16xi32>
    %concatenate3A_289 = tpu.concatenate %broadcast_in_dim3A_27, %broadcast_in_dim3A_39, %broadcast_in_dim3A_56, %broadcast_in_dim3A_73, %broadcast_in_dim3A_90, %broadcast_in_dim3A_107, %broadcast_in_dim3A_124, %broadcast_in_dim3A_141, %broadcast_in_dim3A_158, %broadcast_in_dim3A_175, %broadcast_in_dim3A_192, %broadcast_in_dim3A_209, %broadcast_in_dim3A_226, %broadcast_in_dim3A_243, %broadcast_in_dim3A_260, %broadcast_in_dim3A_277 in 1 : vector<256x1xf32>, vector<256x1xf32>, vector<256x1xf32>, vector<256x1xf32>, vector<256x1xf32>, vector<256x1xf32>, vector<256x1xf32>, vector<256x1xf32>, vector<256x1xf32>, vector<256x1xf32>, vector<256x1xf32>, vector<256x1xf32>, vector<256x1xf32>, vector<256x1xf32>, vector<256x1xf32>, vector<256x1xf32> -> vector<256x16xf32>
    %reduce_sum3A_290 = arith.constant dense<0.000000e+00> : vector<256xf32>
    %reduce_sum3A_291 = vector.multi_reduction <add>, %concatenate3A_289, %reduce_sum3A_290 [1] : vector<256x16xf32> to vector<256xf32>
    %broadcast_in_dim3A_292 = vector.shape_cast %reduce_sum3A_291 : vector<256xf32> to vector<256x1xf32>
    %add3A = arith.constant 9.99999971E-10 : f32
    %add3A_293 = vector.broadcast %add3A : f32 to vector<256x1xf32>
    %add3A_294 = arith.addf %broadcast_in_dim3A_292, %add3A_293 : vector<256x1xf32>
    %div3A_295 = vector.broadcast %add3A_294 : vector<256x1xf32> to vector<256x16xf32>
    %div3A_296 = arith.divf %concatenate3A_289, %div3A_295 : vector<256x16xf32>
    %div3A_297 = arith.divf %broadcast_in_dim3A_292, %add3A_294 : vector<256x1xf32>
    %add3A_298 = arith.constant 9.99999971E-10 : f32
    %add3A_299 = vector.broadcast %add3A_298 : f32 to vector<256x1xf32>
    %add3A_300 = arith.addf %div3A_297, %add3A_299 : vector<256x1xf32>
    %jit3A_301 = arith.constant 0.000000e+00 : f32
    %broadcast_in_dim3A_302 = vector.broadcast %jit3A_301 : f32 to vector<256x2048xf32>
    %select_n3A_303 = arith.select %or3A_288, %div3A_22, %broadcast_in_dim3A_302 : vector<256x2048xi1>, vector<256x2048xf32>
    %div3A_304 = vector.broadcast %add3A_294 : vector<256x1xf32> to vector<256x2048xf32>
    %div3A_305 = arith.divf %select_n3A_303, %div3A_304 : vector<256x2048xf32>
    %convert_element_type3A_306 = arith.truncf %div3A_305 : vector<256x2048xf32> to vector<256x2048xbf16>
    %swap3A = arith.constant 0 : index
    %swap3A_307 = arith.constant 0 : index
    %swap3A_308 = arith.constant 0 : index
    %swap3A_309 = vector.load %arg6[%swap3A, %swap3A_307, %swap3A_308] : memref<1x256x2048xbf16, #tpu.memory_space<vmem>>, vector<1x256x2048xbf16>
    %swap3A_310 = vector.shape_cast %swap3A_309 : vector<1x256x2048xbf16> to vector<256x2048xbf16>
    %swap3A_311 = vector.shape_cast %convert_element_type3A_306 : vector<256x2048xbf16> to vector<1x256x2048xbf16>
    tpu.vector_store %arg6[%swap3A, %swap3A_307, %swap3A_308], %swap3A_311 {strides = array<i32>} : memref<1x256x2048xbf16, #tpu.memory_space<vmem>>, vector<1x256x2048xbf16>,
    %div3A_312 = vector.broadcast %add3A_300 : vector<256x1xf32> to vector<256x2048xf32>
    %div3A_313 = arith.divf %div3A_305, %div3A_312 : vector<256x2048xf32>
    %convert_element_type3A_314 = arith.truncf %div3A_313 : vector<256x2048xf32> to vector<256x2048xbf16>
    %swap3A_315 = arith.constant 0 : index
    %swap3A_316 = arith.constant 0 : index
    %swap3A_317 = arith.constant 0 : index
    %swap3A_318 = vector.load %arg7[%swap3A_315, %swap3A_316, %swap3A_317] : memref<1x256x2048xbf16, #tpu.memory_space<vmem>>, vector<1x256x2048xbf16>
    %swap3A_319 = vector.shape_cast %swap3A_318 : vector<1x256x2048xbf16> to vector<256x2048xbf16>
    %swap3A_320 = vector.shape_cast %convert_element_type3A_314 : vector<256x2048xbf16> to vector<1x256x2048xbf16>
    tpu.vector_store %arg7[%swap3A_315, %swap3A_316, %swap3A_317], %swap3A_320 {strides = array<i32>} : memref<1x256x2048xbf16, #tpu.memory_space<vmem>>, vector<1x256x2048xbf16>,
    %swap3A_321 = arith.constant 0 : index
    %swap3A_322 = arith.constant 0 : index
    %swap3A_323 = arith.constant 0 : index
    %swap3A_324 = vector.load %arg10[%swap3A_321, %swap3A_322, %swap3A_323] : memref<1x256x16xi32, #tpu.memory_space<vmem>>, vector<1x256x16xi32>
    %swap3A_325 = vector.shape_cast %swap3A_324 : vector<1x256x16xi32> to vector<256x16xi32>
    %swap3A_326 = vector.shape_cast %concatenate3A : vector<256x16xi32> to vector<1x256x16xi32>
    tpu.vector_store %arg10[%swap3A_321, %swap3A_322, %swap3A_323], %swap3A_326 {strides = array<i32>} : memref<1x256x16xi32, #tpu.memory_space<vmem>>, vector<1x256x16xi32>,
    %swap3A_327 = arith.constant 0 : index
    %swap3A_328 = arith.constant 0 : index
    %swap3A_329 = arith.constant 0 : index
    %swap3A_330 = vector.load %arg11[%swap3A_327, %swap3A_328, %swap3A_329] : memref<1x256x16xf32, #tpu.memory_space<vmem>>, vector<1x256x16xf32>
    %swap3A_331 = vector.shape_cast %swap3A_330 : vector<1x256x16xf32> to vector<256x16xf32>
    %swap3A_332 = vector.shape_cast %div3A_296 : vector<256x16xf32> to vector<1x256x16xf32>
    tpu.vector_store %arg11[%swap3A_327, %swap3A_328, %swap3A_329], %swap3A_332 {strides = array<i32>} : memref<1x256x16xf32, #tpu.memory_space<vmem>>, vector<1x256x16xf32>,
    %reduce_sum3A_333 = arith.constant dense<0.000000e+00> : vector<2048xf32>
    %reduce_sum3A_334 = vector.multi_reduction <add>, %div3A_305, %reduce_sum3A_333 [0] : vector<256x2048xf32> to vector<2048xf32>
    %broadcast_in_dim3A_335 = vector.shape_cast %reduce_sum3A_334 : vector<2048xf32> to vector<1x2048xf32>
    %eq3A_336 = arith.constant 0 : i32
    %eq3A_337 = arith.cmpi eq, %arg0, %eq3A_336 : i32
    %eq3A_338 = arith.constant 0 : i32
    %eq3A_339 = arith.cmpi eq, %arg1, %eq3A_338 : i32
    %and3A = arith.andi %eq3A_337, %eq3A_339 : i1
    %convert_element_type3A_340 = arith.extui %and3A : i1 to i32
    %cond3A = arith.constant 0 : i32
    %cond3A_341 = arith.cmpi ne, %convert_element_type3A_340, %cond3A : i32
    scf.if %cond3A_341 {
      %broadcast_in_dim3A_377 = arith.constant 0.000000e+00 : f32
      %broadcast_in_dim3A_378 = vector.broadcast %broadcast_in_dim3A_377 : f32 to vector<1x2048xf32>
      %swap3A_379 = arith.constant 0 : index
      %swap3A_380 = arith.constant 0 : index
      %swap3A_381 = vector.load %arg9[%swap3A_379, %swap3A_380] : memref<1x2048xf32, #tpu.memory_space<vmem>>, vector<1x2048xf32>
      tpu.vector_store %arg9[%swap3A_379, %swap3A_380], %broadcast_in_dim3A_378 {strides = array<i32>} : memref<1x2048xf32, #tpu.memory_space<vmem>>, vector<1x2048xf32>,
    } else {
    }
    %get3A_342 = arith.constant 0 : index
    %get3A_343 = arith.constant 0 : index
    %get3A_344 = vector.load %arg9[%get3A_342, %get3A_343] : memref<1x2048xf32, #tpu.memory_space<vmem>>, vector<1x2048xf32>
    %add3A_345 = arith.addf %get3A_344, %broadcast_in_dim3A_335 : vector<1x2048xf32>
    %swap3A_346 = arith.constant 0 : index
    %swap3A_347 = arith.constant 0 : index
    %swap3A_348 = vector.load %arg9[%swap3A_346, %swap3A_347] : memref<1x2048xf32, #tpu.memory_space<vmem>>, vector<1x2048xf32>
    tpu.vector_store %arg9[%swap3A_346, %swap3A_347], %add3A_345 {strides = array<i32>} : memref<1x2048xf32, #tpu.memory_space<vmem>>, vector<1x2048xf32>,
    %iota3A_349 = tpu.iota {dimensions = array<i32: 1>} : vector<1x4xi32>
    %eq3A_350 = vector.broadcast %arg1 : i32 to vector<1x4xi32>
    %eq3A_351 = arith.cmpi eq, %iota3A_349, %eq3A_350 : vector<1x4xi32>
    %get3A_352 = arith.constant 0 : index
    %get3A_353 = arith.constant 0 : index
    %get3A_354 = vector.load %arg5[%get3A_352, %get3A_353] : memref<1x4xf32, #tpu.memory_space<vmem>>, vector<1x4xf32>
    %jit3A_355 = arith.constant 0.000000e+00 : f32
    %broadcast_in_dim3A_356 = vector.broadcast %jit3A_355 : f32 to vector<1x4xf32>
    %select_n3A_357 = arith.select %eq3A_351, %get3A_354, %broadcast_in_dim3A_356 : vector<1x4xi1>, vector<1x4xf32>
    %reduce_sum3A_358 = vector.shape_cast %select_n3A_357 : vector<1x4xf32> to vector<1x1x4xf32>
    %reduce_sum3A_359 = arith.constant dense<0.000000e+00> : vector<1xf32>
    %reduce_sum3A_360 = vector.multi_reduction <add>, %reduce_sum3A_358, %reduce_sum3A_359 [1, 2] : vector<1x1x4xf32> to vector<1xf32>
    %reduce_sum3A_361 = vector.shape_cast %reduce_sum3A_360 : vector<1xf32> to vector<1x1x1xf32>
    %reduce_sum3A_362 = vector.extract %reduce_sum3A_361[0, 0, 0] : f32 from vector<1x1x1xf32>
    %eq3A_363 = arith.constant 0 : i32
    %eq3A_364 = arith.cmpi eq, %arg1, %eq3A_363 : i32
    %convert_element_type3A_365 = arith.extui %eq3A_364 : i1 to i32
    %cond3A_366 = arith.constant 0 : i32
    %cond3A_367 = arith.cmpi ne, %convert_element_type3A_365, %cond3A_366 : i32
    scf.if %cond3A_367 {
      %mul3A_377 = vector.broadcast %reduce_sum3A_362 : f32 to vector<256x2048xf32>
      %mul3A_378 = arith.mulf %mul3A_377, %div3A_22 : vector<256x2048xf32>
      %swap3A_379 = arith.constant 0 : index
      %swap3A_380 = arith.constant 0 : index
      %swap3A_381 = vector.load %arg12[%swap3A_379, %swap3A_380] : memref<256x2048xf32, #tpu.memory_space<vmem>>, vector<256x2048xf32>
      tpu.vector_store %arg12[%swap3A_379, %swap3A_380], %mul3A_378 {strides = array<i32>} : memref<256x2048xf32, #tpu.memory_space<vmem>>, vector<256x2048xf32>,
    } else {
    }
    %gt3A = arith.constant 0 : i32
    %gt3A_368 = arith.cmpi sgt, %arg1, %gt3A : i32
    %convert_element_type3A_369 = arith.extui %gt3A_368 : i1 to i32
    %cond3A_370 = arith.constant 0 : i32
    %cond3A_371 = arith.cmpi ne, %convert_element_type3A_369, %cond3A_370 : i32
    scf.if %cond3A_371 {
      %get3A_377 = arith.constant 0 : index
      %get3A_378 = arith.constant 0 : index
      %get3A_379 = vector.load %arg12[%get3A_377, %get3A_378] : memref<256x2048xf32, #tpu.memory_space<vmem>>, vector<256x2048xf32>
      %mul3A_380 = vector.broadcast %reduce_sum3A_362 : f32 to vector<256x2048xf32>
      %mul3A_381 = arith.mulf %mul3A_380, %div3A_22 : vector<256x2048xf32>
      %add3A_382 = arith.addf %get3A_379, %mul3A_381 : vector<256x2048xf32>
      %swap3A_383 = arith.constant 0 : index
      %swap3A_384 = arith.constant 0 : index
      %swap3A_385 = vector.load %arg12[%swap3A_383, %swap3A_384] : memref<256x2048xf32, #tpu.memory_space<vmem>>, vector<256x2048xf32>
      tpu.vector_store %arg12[%swap3A_383, %swap3A_384], %add3A_382 {strides = array<i32>} : memref<256x2048xf32, #tpu.memory_space<vmem>>, vector<256x2048xf32>,
    } else {
    }
    %eq3A_372 = arith.constant 3 : i32
    %eq3A_373 = arith.cmpi eq, %arg1, %eq3A_372 : i32
    %convert_element_type3A_374 = arith.extui %eq3A_373 : i1 to i32
    %cond3A_375 = arith.constant 0 : i32
    %cond3A_376 = arith.cmpi ne, %convert_element_type3A_374, %cond3A_375 : i32
    scf.if %cond3A_376 {
      %get3A_377 = arith.constant 0 : index
      %get3A_378 = arith.constant 0 : index
      %get3A_379 = vector.load %arg12[%get3A_377, %get3A_378] : memref<256x2048xf32, #tpu.memory_space<vmem>>, vector<256x2048xf32>
      %convert_element_type3A_380 = arith.truncf %get3A_379 : vector<256x2048xf32> to vector<256x2048xbf16>
      %convert_element_type3A_381 = arith.truncf %get3A_4 : vector<2048x256xf32> to vector<2048x256xbf16>
      %dot_general3A_382 = arith.constant dense<0.000000e+00> : vector<256x256xf32>
      %dot_general3A_383 = tpu.matmul %convert_element_type3A_380, %convert_element_type3A_381, %dot_general3A_382 {dimension_numbers = #tpu.dot_dimension_numbers<[1], [0], [0], [1], [0, 0, 1, 1], [], []>, transpose_lhs_hint = false} : vector<256x2048xbf16>, vector<2048x256xbf16>, vector<256x256xf32> -> vector<256x256xf32>
      %swap3A_384 = arith.constant 0 : index
      %swap3A_385 = arith.constant 0 : index
      %swap3A_386 = vector.load %arg8[%swap3A_384, %swap3A_385] : memref<256x256xf32, #tpu.memory_space<vmem>>, vector<256x256xf32>
      tpu.vector_store %arg8[%swap3A_384, %swap3A_385], %dot_general3A_383 {strides = array<i32>} : memref<256x256xf32, #tpu.memory_space<vmem>>, vector<256x256xf32>,
    } else {
    }
    return
  }
  func.func @transform_0(%arg0: i32, %arg1: i32) -> (i32, i32) {
    %c0_i32 = arith.constant 0 : i32
    %c0_i32_0 = arith.constant 0 : i32
    return %arg0, %c0_i32 : i32, i32
  }
  func.func @transform_1(%arg0: i32, %arg1: i32) -> (i32, i32) {
    %c0_i32 = arith.constant 0 : i32
    %c0_i32_0 = arith.constant 0 : i32
    %c0_i32_1 = arith.constant 0 : i32
    return %c0_i32, %c0_i32_0 : i32, i32
  }
  func.func @transform_2(%arg0: i32, %arg1: i32) -> (i32, i32, i32) {
    %c0_i32 = arith.constant 0 : i32
    %c0_i32_0 = arith.constant 0 : i32
    %c0_i32_1 = arith.constant 0 : i32
    return %arg1, %c0_i32, %c0_i32_0 : i32, i32, i32
  }
  func.func @transform_3(%arg0: i32, %arg1: i32) -> (i32, i32) {
    %c0_i32 = arith.constant 0 : i32
    %c0_i32_0 = arith.constant 0 : i32
    %c0_i32_1 = arith.constant 0 : i32
    return %c0_i32, %c0_i32_0 : i32, i32
  }
  func.func @transform_4(%arg0: i32, %arg1: i32) -> (i32, i32, i32) {
    %c0_i32 = arith.constant 0 : i32
    %c0_i32_0 = arith.constant 0 : i32
    return %arg1, %arg0, %c0_i32 : i32, i32, i32
  }
  func.func @transform_5(%arg0: i32, %arg1: i32) -> (i32, i32, i32) {
    %c0_i32 = arith.constant 0 : i32
    %c0_i32_0 = arith.constant 0 : i32
    return %arg1, %arg0, %c0_i32 : i32, i32, i32
  }
  func.func @transform_6(%arg0: i32, %arg1: i32) -> (i32, i32) {
    %c0_i32 = arith.constant 0 : i32
    %c0_i32_0 = arith.constant 0 : i32
    return %arg0, %c0_i32 : i32, i32
  }
  func.func @transform_7(%arg0: i32, %arg1: i32) -> (i32, i32) {
    %c0_i32 = arith.constant 0 : i32
    %c0_i32_0 = arith.constant 0 : i32
    %c0_i32_1 = arith.constant 0 : i32
    return %c0_i32, %c0_i32_0 : i32, i32
  }
  func.func @transform_8(%arg0: i32, %arg1: i32) -> (i32, i32, i32) {
    %c0_i32 = arith.constant 0 : i32
    %c0_i32_0 = arith.constant 0 : i32
    return %arg1, %arg0, %c0_i32 : i32, i32, i32
  }
  func.func @transform_9(%arg0: i32, %arg1: i32) -> (i32, i32, i32) {
    %c0_i32 = arith.constant 0 : i32
    %c0_i32_0 = arith.constant 0 : i32
    return %arg1, %arg0, %c0_i32 : i32, i32, i32
  }
}

module attributes {stable_mosaic.version = 14 : i64} {
  func.func @_smat_kernel(%arg0: i32, %arg1: i32, %arg2: memref<1x2048x256xbf16, #tpu.memory_space<vmem>>, %arg3: memref<1x2048x2048xbf16, #tpu.memory_space<vmem>>, %arg4: memref<256x2048xf32, #tpu.memory_space<vmem>>, %arg5: memref<256x2048xf32, #tpu.memory_space<vmem>>) attributes {dimension_semantics = [#tpu.dimension_semantics<arbitrary>, #tpu.dimension_semantics<arbitrary>], iteration_bounds = array<i64: 8, 4>, scalar_prefetch = 0 : i64, scratch_operands = 1 : i64, tpu.core_type = #tpu.core_type<tc>, window_params = [{transform_indices = @transform_0, window_bounds = array<i64: 1, 2048, 256>}, {transform_indices = @transform_1, window_bounds = array<i64: 1, 2048, 2048>}, {transform_indices = @transform_2, window_bounds = array<i64: 256, 2048>}]} {
    %get3A = arith.constant 0 : index
    %get3A_0 = arith.constant 0 : index
    %get3A_1 = arith.constant 0 : index
    %get3A_2 = vector.load %arg2[%get3A, %get3A_0, %get3A_1] : memref<1x2048x256xbf16, #tpu.memory_space<vmem>>, vector<1x2048x256xbf16>
    %get3A_3 = vector.shape_cast %get3A_2 : vector<1x2048x256xbf16> to vector<2048x256xbf16>
    %get3A_4 = arith.constant 0 : index
    %get3A_5 = arith.constant 0 : index
    %get3A_6 = arith.constant 0 : index
    %get3A_7 = vector.load %arg3[%get3A_4, %get3A_5, %get3A_6] : memref<1x2048x2048xbf16, #tpu.memory_space<vmem>>, vector<1x2048x2048xbf16>
    %get3A_8 = vector.shape_cast %get3A_7 : vector<1x2048x2048xbf16> to vector<2048x2048xbf16>
    %dot_general3A = arith.constant dense<0.000000e+00> : vector<256x2048xf32>
    %dot_general3A_9 = tpu.matmul %get3A_3, %get3A_8, %dot_general3A {dimension_numbers = #tpu.dot_dimension_numbers<[0], [0], [1], [1], [0, 1, 1, 1], [], []>, transpose_lhs_hint = false} : vector<2048x256xbf16>, vector<2048x2048xbf16>, vector<256x2048xf32> -> vector<256x2048xf32>
    %eq3A = arith.constant 0 : i32
    %eq3A_10 = arith.cmpi eq, %arg1, %eq3A : i32
    %convert_element_type3A = arith.extui %eq3A_10 : i1 to i32
    %cond3A = arith.constant 0 : i32
    %cond3A_11 = arith.cmpi ne, %convert_element_type3A, %cond3A : i32
    scf.if %cond3A_11 {
      %swap3A = arith.constant 0 : index
      %swap3A_21 = arith.constant 0 : index
      %swap3A_22 = vector.load %arg5[%swap3A, %swap3A_21] : memref<256x2048xf32, #tpu.memory_space<vmem>>, vector<256x2048xf32>
      tpu.vector_store %arg5[%swap3A, %swap3A_21], %dot_general3A_9 {strides = array<i32>} : memref<256x2048xf32, #tpu.memory_space<vmem>>, vector<256x2048xf32>,
    } else {
    }
    %gt3A = arith.constant 0 : i32
    %gt3A_12 = arith.cmpi sgt, %arg1, %gt3A : i32
    %convert_element_type3A_13 = arith.extui %gt3A_12 : i1 to i32
    %cond3A_14 = arith.constant 0 : i32
    %cond3A_15 = arith.cmpi ne, %convert_element_type3A_13, %cond3A_14 : i32
    scf.if %cond3A_15 {
      %get3A_21 = arith.constant 0 : index
      %get3A_22 = arith.constant 0 : index
      %get3A_23 = vector.load %arg5[%get3A_21, %get3A_22] : memref<256x2048xf32, #tpu.memory_space<vmem>>, vector<256x2048xf32>
      %add3A = arith.addf %get3A_23, %dot_general3A_9 : vector<256x2048xf32>
      %swap3A = arith.constant 0 : index
      %swap3A_24 = arith.constant 0 : index
      %swap3A_25 = vector.load %arg5[%swap3A, %swap3A_24] : memref<256x2048xf32, #tpu.memory_space<vmem>>, vector<256x2048xf32>
      tpu.vector_store %arg5[%swap3A, %swap3A_24], %add3A {strides = array<i32>} : memref<256x2048xf32, #tpu.memory_space<vmem>>, vector<256x2048xf32>,
    } else {
    }
    %eq3A_16 = arith.constant 3 : i32
    %eq3A_17 = arith.cmpi eq, %arg1, %eq3A_16 : i32
    %convert_element_type3A_18 = arith.extui %eq3A_17 : i1 to i32
    %cond3A_19 = arith.constant 0 : i32
    %cond3A_20 = arith.cmpi ne, %convert_element_type3A_18, %cond3A_19 : i32
    scf.if %cond3A_20 {
      %get3A_21 = arith.constant 0 : index
      %get3A_22 = arith.constant 0 : index
      %get3A_23 = vector.load %arg5[%get3A_21, %get3A_22] : memref<256x2048xf32, #tpu.memory_space<vmem>>, vector<256x2048xf32>
      %swap3A = arith.constant 0 : index
      %swap3A_24 = arith.constant 0 : index
      %swap3A_25 = vector.load %arg4[%swap3A, %swap3A_24] : memref<256x2048xf32, #tpu.memory_space<vmem>>, vector<256x2048xf32>
      tpu.vector_store %arg4[%swap3A, %swap3A_24], %get3A_23 {strides = array<i32>} : memref<256x2048xf32, #tpu.memory_space<vmem>>, vector<256x2048xf32>,
    } else {
    }
    return
  }
  func.func @transform_0(%arg0: i32, %arg1: i32) -> (i32, i32, i32) {
    %c0_i32 = arith.constant 0 : i32
    %c0_i32_0 = arith.constant 0 : i32
    return %arg1, %c0_i32, %arg0 : i32, i32, i32
  }
  func.func @transform_1(%arg0: i32, %arg1: i32) -> (i32, i32, i32) {
    %c0_i32 = arith.constant 0 : i32
    %c0_i32_0 = arith.constant 0 : i32
    %c0_i32_1 = arith.constant 0 : i32
    return %arg1, %c0_i32, %c0_i32_0 : i32, i32, i32
  }
  func.func @transform_2(%arg0: i32, %arg1: i32) -> (i32, i32) {
    %c0_i32 = arith.constant 0 : i32
    %c0_i32_0 = arith.constant 0 : i32
    return %arg0, %c0_i32 : i32, i32
  }
}

module attributes {stable_mosaic.version = 14 : i64} {
  func.func @_cheb_kernel(%arg0: i32, %arg1: memref<2048x2048xf32, #tpu.memory_space<vmem>>, %arg2: memref<2048x256xf32, #tpu.memory_space<vmem>>, %arg3: memref<2048x256xf32, #tpu.memory_space<vmem>>, %arg4: memref<1x2048xf32, #tpu.memory_space<vmem>>, %arg5: memref<1x1xf32, #tpu.memory_space<vmem>>, %arg6: memref<3x256xf32, #tpu.memory_space<vmem>>, %arg7: memref<1x1xf32, #tpu.memory_space<vmem>>, %arg8: memref<256x256xf32, #tpu.memory_space<vmem>>, %arg9: memref<256xf32, #tpu.memory_space<vmem>>, %arg10: memref<2048x256xf32, #tpu.memory_space<vmem>>) attributes {dimension_semantics = [#tpu.dimension_semantics<arbitrary>], iteration_bounds = array<i64: 1>, scalar_prefetch = 0 : i64, scratch_operands = 0 : i64, tpu.core_type = #tpu.core_type<tc>, window_params = [{pipeline_mode = #tpu.pipeline_mode<synchronous>, transform_indices = @transform_0, window_bounds = array<i64: 2048, 2048>}, {pipeline_mode = #tpu.pipeline_mode<synchronous>, transform_indices = @transform_1, window_bounds = array<i64: 2048, 256>}, {pipeline_mode = #tpu.pipeline_mode<synchronous>, transform_indices = @transform_2, window_bounds = array<i64: 2048, 256>}, {pipeline_mode = #tpu.pipeline_mode<synchronous>, transform_indices = @transform_3, window_bounds = array<i64: 1, 2048>}, {pipeline_mode = #tpu.pipeline_mode<synchronous>, transform_indices = @transform_4, window_bounds = array<i64: 1, 1>}, {pipeline_mode = #tpu.pipeline_mode<synchronous>, transform_indices = @transform_5, window_bounds = array<i64: 3, 256>}, {pipeline_mode = #tpu.pipeline_mode<synchronous>, transform_indices = @transform_6, window_bounds = array<i64: 1, 1>}, {pipeline_mode = #tpu.pipeline_mode<synchronous>, transform_indices = @transform_7, window_bounds = array<i64: 256, 256>}, {pipeline_mode = #tpu.pipeline_mode<synchronous>, transform_indices = @transform_8, window_bounds = array<i64: 256>}, {pipeline_mode = #tpu.pipeline_mode<synchronous>, transform_indices = @transform_9, window_bounds = array<i64: 2048, 256>}]} {
    %get3A = arith.constant 0 : index
    %get3A_0 = arith.constant 0 : index
    %get3A_1 = vector.load %arg4[%get3A, %get3A_0] : memref<1x2048xf32, #tpu.memory_space<vmem>>, vector<1x2048xf32>
    %add3A = arith.constant 9.99999971E-10 : f32
    %add3A_2 = vector.broadcast %add3A : f32 to vector<1x2048xf32>
    %add3A_3 = arith.addf %get3A_1, %add3A_2 : vector<1x2048xf32>
    %sqrt3A = math.sqrt %add3A_3 : vector<1x2048xf32>
    %div3A = arith.constant 1.000000e+00 : f32
    %div3A_4 = vector.broadcast %div3A : f32 to vector<1x2048xf32>
    %div3A_5 = arith.divf %div3A_4, %sqrt3A : vector<1x2048xf32>
    %transpose3A = tpu.transpose %div3A_5, [1, 0] : vector<1x2048xf32> -> vector<2048x1xf32>
    %get3A_6 = arith.constant 0 : index
    %get3A_7 = arith.constant 0 : index
    %get3A_8 = vector.load %arg1[%get3A_6, %get3A_7] : memref<2048x2048xf32, #tpu.memory_space<vmem>>, vector<2048x2048xf32>
    %get3A_9 = arith.constant 0 : index
    %get3A_10 = arith.constant 0 : index
    %get3A_11 = vector.load %arg2[%get3A_9, %get3A_10] : memref<2048x256xf32, #tpu.memory_space<vmem>>, vector<2048x256xf32>
    %get3A_12 = arith.constant 0 : index
    %get3A_13 = arith.constant 0 : index
    %get3A_14 = vector.load %arg5[%get3A_12, %get3A_13] : memref<1x1xf32, #tpu.memory_space<vmem>>, vector<1x1xf32>
    %get3A_15 = vector.extract %get3A_14[0, 0] : f32 from vector<1x1xf32>
    %div3A_16 = arith.constant 2.000000e+00 : f32
    %div3A_17 = arith.divf %div3A_16, %get3A_15 : f32
    %get3A_18 = arith.constant 0 : index
    %get3A_19 = arith.constant 0 : index
    %get3A_20 = vector.load %arg6[%get3A_18, %get3A_19] : memref<3x256xf32, #tpu.memory_space<vmem>>, vector<1x256xf32>
    %get3A_21 = vector.shape_cast %get3A_20 : vector<1x256xf32> to vector<256xf32>
    %broadcast_in_dim3A = vector.shape_cast %get3A_21 : vector<256xf32> to vector<1x256xf32>
    %get3A_22 = arith.constant 1 : index
    %get3A_23 = arith.constant 0 : index
    %get3A_24 = vector.load %arg6[%get3A_22, %get3A_23] : memref<3x256xf32, #tpu.memory_space<vmem>>, vector<1x256xf32>
    %get3A_25 = vector.shape_cast %get3A_24 : vector<1x256xf32> to vector<256xf32>
    %broadcast_in_dim3A_26 = vector.shape_cast %get3A_25 : vector<256xf32> to vector<1x256xf32>
    %get3A_27 = arith.constant 2 : index
    %get3A_28 = arith.constant 0 : index
    %get3A_29 = vector.load %arg6[%get3A_27, %get3A_28] : memref<3x256xf32, #tpu.memory_space<vmem>>, vector<1x256xf32>
    %get3A_30 = vector.shape_cast %get3A_29 : vector<1x256xf32> to vector<256xf32>
    %broadcast_in_dim3A_31 = vector.shape_cast %get3A_30 : vector<256xf32> to vector<1x256xf32>
    %mul3A = vector.broadcast %transpose3A : vector<2048x1xf32> to vector<2048x256xf32>
    %mul3A_32 = arith.mulf %mul3A, %get3A_11 : vector<2048x256xf32>
    %convert_element_type3A = arith.truncf %get3A_8 : vector<2048x2048xf32> to vector<2048x2048xbf16>
    %convert_element_type3A_33 = arith.truncf %mul3A_32 : vector<2048x256xf32> to vector<2048x256xbf16>
    %dot_general3A = arith.constant dense<0.000000e+00> : vector<2048x256xf32>
    %dot_general3A_34 = tpu.matmul %convert_element_type3A, %convert_element_type3A_33, %dot_general3A {dimension_numbers = #tpu.dot_dimension_numbers<[1], [0], [0], [1], [0, 0, 1, 1], [], []>, transpose_lhs_hint = false} : vector<2048x2048xbf16>, vector<2048x256xbf16>, vector<2048x256xf32> -> vector<2048x256xf32>
    %mul3A_35 = vector.broadcast %transpose3A : vector<2048x1xf32> to vector<2048x256xf32>
    %mul3A_36 = arith.mulf %mul3A_35, %dot_general3A_34 : vector<2048x256xf32>
    %sub3A = arith.subf %get3A_11, %mul3A_36 : vector<2048x256xf32>
    %mul3A_37 = vector.broadcast %div3A_17 : f32 to vector<2048x256xf32>
    %mul3A_38 = arith.mulf %mul3A_37, %sub3A : vector<2048x256xf32>
    %sub3A_39 = arith.subf %mul3A_38, %get3A_11 : vector<2048x256xf32>
    %mul3A_40 = vector.broadcast %broadcast_in_dim3A : vector<1x256xf32> to vector<2048x256xf32>
    %mul3A_41 = arith.mulf %get3A_11, %mul3A_40 : vector<2048x256xf32>
    %mul3A_42 = vector.broadcast %broadcast_in_dim3A_26 : vector<1x256xf32> to vector<2048x256xf32>
    %mul3A_43 = arith.mulf %sub3A_39, %mul3A_42 : vector<2048x256xf32>
    %add3A_44 = arith.addf %mul3A_41, %mul3A_43 : vector<2048x256xf32>
    %mul3A_45 = vector.broadcast %transpose3A : vector<2048x1xf32> to vector<2048x256xf32>
    %mul3A_46 = arith.mulf %mul3A_45, %sub3A_39 : vector<2048x256xf32>
    %convert_element_type3A_47 = arith.truncf %get3A_8 : vector<2048x2048xf32> to vector<2048x2048xbf16>
    %convert_element_type3A_48 = arith.truncf %mul3A_46 : vector<2048x256xf32> to vector<2048x256xbf16>
    %dot_general3A_49 = arith.constant dense<0.000000e+00> : vector<2048x256xf32>
    %dot_general3A_50 = tpu.matmul %convert_element_type3A_47, %convert_element_type3A_48, %dot_general3A_49 {dimension_numbers = #tpu.dot_dimension_numbers<[1], [0], [0], [1], [0, 0, 1, 1], [], []>, transpose_lhs_hint = false} : vector<2048x2048xbf16>, vector<2048x256xbf16>, vector<2048x256xf32> -> vector<2048x256xf32>
    %mul3A_51 = vector.broadcast %transpose3A : vector<2048x1xf32> to vector<2048x256xf32>
    %mul3A_52 = arith.mulf %mul3A_51, %dot_general3A_50 : vector<2048x256xf32>
    %sub3A_53 = arith.subf %sub3A_39, %mul3A_52 : vector<2048x256xf32>
    %mul3A_54 = vector.broadcast %div3A_17 : f32 to vector<2048x256xf32>
    %mul3A_55 = arith.mulf %mul3A_54, %sub3A_53 : vector<2048x256xf32>
    %sub3A_56 = arith.subf %mul3A_55, %sub3A_39 : vector<2048x256xf32>
    %mul3A_57 = arith.constant 2.000000e+00 : f32
    %mul3A_58 = vector.broadcast %mul3A_57 : f32 to vector<2048x256xf32>
    %mul3A_59 = arith.mulf %mul3A_58, %sub3A_56 : vector<2048x256xf32>
    %sub3A_60 = arith.subf %mul3A_59, %get3A_11 : vector<2048x256xf32>
    %mul3A_61 = vector.broadcast %broadcast_in_dim3A_31 : vector<1x256xf32> to vector<2048x256xf32>
    %mul3A_62 = arith.mulf %sub3A_60, %mul3A_61 : vector<2048x256xf32>
    %add3A_63 = arith.addf %add3A_44, %mul3A_62 : vector<2048x256xf32>
    %gt3A = arith.constant 0.000000e+00 : f32
    %gt3A_64 = vector.broadcast %gt3A : f32 to vector<2048x256xf32>
    %gt3A_65 = arith.cmpf ogt, %add3A_63, %gt3A_64 : vector<2048x256xf32>
    %exp3A = math.exp %add3A_63 : vector<2048x256xf32>
    %sub3A_66 = arith.constant 1.000000e+00 : f32
    %sub3A_67 = vector.broadcast %sub3A_66 : f32 to vector<2048x256xf32>
    %sub3A_68 = arith.subf %exp3A, %sub3A_67 : vector<2048x256xf32>
    %select_n3A = arith.select %gt3A_65, %add3A_63, %sub3A_68 : vector<2048x256xi1>, vector<2048x256xf32>
    %get3A_69 = arith.constant 0 : index
    %get3A_70 = arith.constant 0 : index
    %get3A_71 = vector.load %arg7[%get3A_69, %get3A_70] : memref<1x1xf32, #tpu.memory_space<vmem>>, vector<1x1xf32>
    %get3A_72 = vector.extract %get3A_71[0, 0] : f32 from vector<1x1xf32>
    %mul3A_73 = vector.broadcast %get3A_72 : f32 to vector<2048x256xf32>
    %mul3A_74 = arith.mulf %mul3A_73, %select_n3A : vector<2048x256xf32>
    %sub3A_75 = arith.constant 1.000000e+00 : f32
    %sub3A_76 = arith.subf %sub3A_75, %get3A_72 : f32
    %get3A_77 = arith.constant 0 : index
    %get3A_78 = arith.constant 0 : index
    %get3A_79 = vector.load %arg3[%get3A_77, %get3A_78] : memref<2048x256xf32, #tpu.memory_space<vmem>>, vector<2048x256xf32>
    %mul3A_80 = vector.broadcast %sub3A_76 : f32 to vector<2048x256xf32>
    %mul3A_81 = arith.mulf %mul3A_80, %get3A_79 : vector<2048x256xf32>
    %add3A_82 = arith.addf %mul3A_74, %mul3A_81 : vector<2048x256xf32>
    %get3A_83 = arith.constant 0 : index
    %get3A_84 = arith.constant 0 : index
    %get3A_85 = vector.load %arg8[%get3A_83, %get3A_84] : memref<256x256xf32, #tpu.memory_space<vmem>>, vector<256x256xf32>
    %transpose3A_86 = tpu.transpose %get3A_85, [1, 0] : vector<256x256xf32> -> vector<256x256xf32>
    %convert_element_type3A_87 = arith.truncf %add3A_82 : vector<2048x256xf32> to vector<2048x256xbf16>
    %convert_element_type3A_88 = arith.truncf %transpose3A_86 : vector<256x256xf32> to vector<256x256xbf16>
    %dot_general3A_89 = arith.constant dense<0.000000e+00> : vector<2048x256xf32>
    %dot_general3A_90 = tpu.matmul %convert_element_type3A_87, %convert_element_type3A_88, %dot_general3A_89 {dimension_numbers = #tpu.dot_dimension_numbers<[1], [0], [0], [1], [0, 0, 1, 1], [], []>, transpose_lhs_hint = false} : vector<2048x256xbf16>, vector<256x256xbf16>, vector<2048x256xf32> -> vector<2048x256xf32>
    %get3A_91 = arith.constant 0 : index
    %get3A_92 = vector.load %arg9[%get3A_91] : memref<256xf32, #tpu.memory_space<vmem>>, vector<256xf32>
    %broadcast_in_dim3A_93 = vector.shape_cast %get3A_92 : vector<256xf32> to vector<1x256xf32>
    %add3A_94 = vector.broadcast %broadcast_in_dim3A_93 : vector<1x256xf32> to vector<2048x256xf32>
    %add3A_95 = arith.addf %dot_general3A_90, %add3A_94 : vector<2048x256xf32>
    %swap3A = arith.constant 0 : index
    %swap3A_96 = arith.constant 0 : index
    %swap3A_97 = vector.load %arg10[%swap3A, %swap3A_96] : memref<2048x256xf32, #tpu.memory_space<vmem>>, vector<2048x256xf32>
    tpu.vector_store %arg10[%swap3A, %swap3A_96], %add3A_95 {strides = array<i32>} : memref<2048x256xf32, #tpu.memory_space<vmem>>, vector<2048x256xf32>,
    return
  }
  func.func @transform_0(%arg0: i32) -> (i32, i32) {
    %c0_i32 = arith.constant 0 : i32
    %c0_i32_0 = arith.constant 0 : i32
    %c0_i32_1 = arith.constant 0 : i32
    return %c0_i32, %c0_i32_0 : i32, i32
  }
  func.func @transform_1(%arg0: i32) -> (i32, i32) {
    %c0_i32 = arith.constant 0 : i32
    %c0_i32_0 = arith.constant 0 : i32
    %c0_i32_1 = arith.constant 0 : i32
    return %c0_i32, %c0_i32_0 : i32, i32
  }
  func.func @transform_2(%arg0: i32) -> (i32, i32) {
    %c0_i32 = arith.constant 0 : i32
    %c0_i32_0 = arith.constant 0 : i32
    %c0_i32_1 = arith.constant 0 : i32
    return %c0_i32, %c0_i32_0 : i32, i32
  }
  func.func @transform_3(%arg0: i32) -> (i32, i32) {
    %c0_i32 = arith.constant 0 : i32
    %c0_i32_0 = arith.constant 0 : i32
    %c0_i32_1 = arith.constant 0 : i32
    return %c0_i32, %c0_i32_0 : i32, i32
  }
  func.func @transform_4(%arg0: i32) -> (i32, i32) {
    %c0_i32 = arith.constant 0 : i32
    %c0_i32_0 = arith.constant 0 : i32
    %c0_i32_1 = arith.constant 0 : i32
    return %c0_i32, %c0_i32_0 : i32, i32
  }
  func.func @transform_5(%arg0: i32) -> (i32, i32) {
    %c0_i32 = arith.constant 0 : i32
    %c0_i32_0 = arith.constant 0 : i32
    %c0_i32_1 = arith.constant 0 : i32
    return %c0_i32, %c0_i32_0 : i32, i32
  }
  func.func @transform_6(%arg0: i32) -> (i32, i32) {
    %c0_i32 = arith.constant 0 : i32
    %c0_i32_0 = arith.constant 0 : i32
    %c0_i32_1 = arith.constant 0 : i32
    return %c0_i32, %c0_i32_0 : i32, i32
  }
  func.func @transform_7(%arg0: i32) -> (i32, i32) {
    %c0_i32 = arith.constant 0 : i32
    %c0_i32_0 = arith.constant 0 : i32
    %c0_i32_1 = arith.constant 0 : i32
    return %c0_i32, %c0_i32_0 : i32, i32
  }
  func.func @transform_8(%arg0: i32) -> i32 {
    %c0_i32 = arith.constant 0 : i32
    %c0_i32_0 = arith.constant 0 : i32
    return %c0_i32 : i32
  }
  func.func @transform_9(%arg0: i32) -> (i32, i32) {
    %c0_i32 = arith.constant 0 : i32
    %c0_i32_0 = arith.constant 0 : i32
    %c0_i32_1 = arith.constant 0 : i32
    return %c0_i32, %c0_i32_0 : i32, i32
  }
}

</mosaic_0001>

<sc_bundles>
// kernel: kernel.7.cloned.1.call-start
scs
__scs_entry_jumppad:
0x0: {  	(pc) =	sbr.rel $0x88, $3  }
0x1: {  	(tag) =	ssettag $0x0;
	lr =	simm.s32 $0x1  }
0x2: {  	[smem:$0x3F95] =	sst lr;
	_ =	strace $0xD0000000  }
0x3: {  	_ = 	snop  }
0x4: {  	_ = 	snop  }
0x5: {  	_ = 	snop  }
0x6: {  	_ = 	snop  }
0x7: {  	_ = 	snop  }
__scs_overlays_trampoline_lowered:
0x8: {  	[smem:$0x3FA4] =	sst s0  }
0x9: {  	[smem:$0x3FA5] =	sst s1  }
0xa: {  	[smem:$0x3FA6] =	sst s2  }
0xb: {  	[smem:$0x3FA7] =	sst s3  }
0xc: {  	[smem:$0x3FA8] =	sst s4  }
0xd: {  	[smem:$0x3FA9] =	sst s5  }
0xe: {  	[smem:$0x3FAA] =	sst s6  }
0xf: {  	[smem:$0x3FAB] =	sst s7  }
0x10: {  	[smem:$0x3FAC] =	sst s8  }
0x11: {  	[smem:$0x3FAD] =	sst s9;
	s0 =	simm.s32 @!p0 $0x0  }
0x12: {  	s1 =	sld [smem:$0x3F93];
	s0 =	simm.s32 @p0 $0x1  }
0x13: {  	[smem:$0x3FAE] =	sst s0;
	s0 =	simm.s32 @!p1 $0x0  }
0x14: {  	s2 =	sld [smem:$0x3F92];
	s0 =	simm.s32 @p1 $0x1  }
0x15: {  	[smem:$0x3FAF] =	sst s0;
	s0 =	simm.s32 @!p2 $0x0  }
0x16: {  	s3 =	sld [smem:$0x3FDB];
	s0 =	simm.s32 @p2 $0x1  }
0x17: {  	s4 =	simm.s32 $0x1BF5;
	[smem:$0x3FB1] =	sst s0  }
0x18: {  	s0 =	sld [smem:$0x3F94];
	_ =	swait.ge [sflag:s4], $0x0  }
0x19: {  	s7 =	sld [smem:$0x3F95]  }
0x1a: {  	s8 =	sadd.s32 $0xFFFFE003, lr  }
0x1b: {  	s9 =	sadd.s32 $0xFFFFFEF7, lr;
	s5 =	simm.s32 $0xFFFFFFFF;
	p2 =	slt.u32 s8, $0xFFFFF086  }
0x1c: {  	p1 =	slt.u32 s9, $0xF7A;
	s5 =	simm.s32 @!p2 $0x0  }
0x1d: {  	s5 =	simm.s32 @p1 $0x1;
	p0 =	seq.s32 s7, s2  }
0x1e: {  	s7 =	smul.u32 @!p0 $0xF7A, s2;
	p2 =	seq.s32 @!p0 s5, $0x0  }
0x1f: {  	s9 =	smul.u32 $0xF7A, s1;
	s8 =	simm.s32 @!p0 $0x1BF5;
	p2 =	por !p2, p0  }
0x20: {  	[sflag:s8] =	ssyncset.s32 @!p0 $0xFFFFF086;
	s6 =	sadd.s32 @!p0 s3, s7;
	s7 =	simm.s32 @!p0 $0x108  }
0x21: {  	s3 =	sadd.s32 s3, s9;
	s6 =	sadd.s32 @!p0 $0x88, s6;
	s7 =	simm.s32 @p2 $0x1082  }
0x22: {  	[simem:s7], [sflag:s8] =	dma.local @!p0 [hbm:s6], $0xF7A  }
0x23: {  	s9 =	sor.u32 $0xD0000000, s2;
	s6 =	simm.s32 $0x108;
	_ =	swait.ge @!p0 [sflag:s8], $0x0  }
0x24: {  	s3 =	sadd.s32 $0x88, s3;
	s6 =	simm.s32 @!p1 $0x1082;
	[sflag:s4] =	ssyncset.s32 $0xFFFFF086  }
0x25: {  	[simem:s6], [sflag:s4] =	dma.local [hbm:s3], $0xF7A  }
0x26: {  	[smem:$0x3F95] =	sst s1;
	(tag) =	ssettag s2;
	_ =	strace s9  }
0x27: {  	s1 =	sld [smem:$0x3FA5]  }
0x28: {  	s2 =	sld [smem:$0x3FA6]  }
0x29: {  	s4 =	sld [smem:$0x3FA8]  }
0x2a: {  	p0 =	seq.s32 s5, $0x0;
	s5 =	sld [smem:$0x3FA9]  }
0x2b: {  	s6 =	sld [smem:$0x3FAA]  }
0x2c: {  	s7 =	sld [smem:$0x3FAB]  }
0x2d: {  	s3 =	simm.s32 $0x108;
	s8 =	sld [smem:$0x3FAC]  }
0x2e: {  	s3 =	simm.s32 @!p0 $0x1082;
	s9 =	sld [smem:$0x3FAD]  }
0x2f: {  	lr =	sadd.s32 s0, s3;
	s0 =	sld [smem:$0x3FA4]  }
0x30: {  	s3 =	sld [smem:$0x3FA7]  }
0x31: {  	[smem:$0x3FB0] =	sst s10  }
0x32: {  	s10 =	sld [smem:$0x3FAE];
	_ =	sdelay $0x3  }
0x33: {  	p0 =	seq.s32 s10, $0x1;
	s10 =	sld [smem:$0x3FB0];
	_ =	sdelay $0x3  }
0x34: {  	[smem:$0x3FB0] =	sst s10  }
0x35: {  	s10 =	sld [smem:$0x3FAF];
	_ =	sdelay $0x3  }
0x36: {  	p1 =	seq.s32 s10, $0x1;
	s10 =	sld [smem:$0x3FB0];
	_ =	sdelay $0x3  }
0x37: {  	[smem:$0x3FB0] =	sst s10  }
0x38: {  	s10 =	sld [smem:$0x3FB1]  }
0x39: {  	_ = 	snop;
	(pc) =	sbr.ind lr, $3  }
0x3a: {  	_ = 	snop  }
0x3b: {  	_ = 	snop  }
0x3c: {  	p2 =	seq.s32 s10, $0x1;
	s10 =	sld [smem:$0x3FB0]  }
0x3d: {  	_ =	shalt  }
0x3e: {  	_ =	shalt  }
0x3f: {  	_ =	shalt  }
0x40: {  	_ =	shalt  }
0x41: {  	_ =	shalt  }
0x42: {  	_ =	shalt  }
0x43: {  	_ =	shalt  }
0x44: {  	_ =	shalt  }
0x45: {  	_ =	shalt  }
0x46: {  	_ =	shalt  }
0x47: {  	_ =	shalt  }
0x48: {  	_ =	shalt  }
0x49: {  	_ =	shalt  }
0x4a: {  	_ =	shalt  }
0x4b: {  	_ =	shalt  }
0x4c: {  	_ =	shalt  }
0x4d: {  	_ =	shalt  }
0x4e: {  	_ =	shalt  }
0x4f: {  	_ =	shalt  }
0x50: {  	_ =	shalt  }
0x51: {  	_ =	shalt  }
0x52: {  	_ =	shalt  }
0x53: {  	_ =	shalt  }
0x54: {  	_ =	shalt  }
0x55: {  	_ =	shalt  }
0x56: {  	_ =	shalt  }
0x57: {  	_ =	shalt  }
0x58: {  	_ =	shalt  }
0x59: {  	_ =	shalt  }
0x5a: {  	_ =	shalt  }
0x5b: {  	_ =	shalt  }
0x5c: {  	_ =	shalt  }
0x5d: {  	_ =	shalt  }
0x5e: {  	_ =	shalt  }
0x5f: {  	_ =	shalt  }
0x60: {  	_ =	shalt  }
0x61: {  	_ =	shalt  }
0x62: {  	_ =	shalt  }
0x63: {  	_ =	shalt  }
0x64: {  	_ =	shalt  }
0x65: {  	_ =	shalt  }
0x66: {  	_ =	shalt  }
0x67: {  	_ =	shalt  }
0x68: {  	_ =	shalt  }
0x69: {  	_ =	shalt  }
0x6a: {  	_ =	shalt  }
0x6b: {  	_ =	shalt  }
0x6c: {  	_ =	shalt  }
0x6d: {  	_ =	shalt  }
0x6e: {  	_ =	shalt  }
0x6f: {  	_ =	shalt  }
0x70: {  	_ =	shalt  }
0x71: {  	_ =	shalt  }
0x72: {  	_ =	shalt  }
0x73: {  	_ =	shalt  }
0x74: {  	_ =	shalt  }
0x75: {  	_ =	shalt  }
0x76: {  	_ =	shalt  }
0x77: {  	_ =	shalt  }
0x78: {  	_ =	shalt  }
0x79: {  	_ =	shalt  }
0x7a: {  	_ =	shalt  }
0x7b: {  	_ =	shalt  }
0x7c: {  	_ =	shalt  }
0x7d: {  	_ =	shalt  }
0x7e: {  	_ =	shalt  }
0x7f: {  	_ =	shalt  }
0x80: {  	_ =	shalt  }
0x81: {  	_ =	shalt  }
0x82: {  	_ =	shalt  }
0x83: {  	_ =	shalt  }
0x84: {  	_ =	shalt  }
0x85: {  	_ =	shalt  }
0x86: {  	_ =	shalt  }
0x87: {  	_ =	shalt  }
.Lfunc_end0:
.L_simem_size_0:
called_computation_lowered:
.L_overlay_start_0:
0x88: {  	s2 =	sld [smem:$0x3FD9]  }
0x89: {  	s3 =	sld [smem:$0x3FFE];
	_ =	sdelay $0x1  }
0x8a: {  	s1 =	srdreg.scid  }
0x8b: {  	s0 =	sand.u32 $0x1, s1  }
0x8c: {  	s17 =	sshll.u32 s0, $0xA;
	s2 =	sadd.s32 s3, s2  }
0x8d: {  	s2 =	sadd.s32 s2, s17  }
0x8e: {  	[smem:$0x3FBC] =	sst s2  }
0x8f: {  	_ = 	snop  }
0x90: {  	s2 =	sld [smem:$0x3FD0];
	(tm) =	ssettm $0x1  }
0x91: {  	s18 =	sld [smem:$0x3FFB];
	_ =	sdelay $0x3  }
0x92: {  	_ =	strace s18  }
0x93: {  	s3 =	sld [smem:$0x3FFC];
	_ =	sdelay $0x3  }
0x94: {  	_ =	strace s3  }
0x95: {  	s3 =	sld [smem:$0x3FFD];
	_ =	sdelay $0x3  }
0x96: {  	_ =	strace s3  }
0x97: {  	_ =	strace $0x8FFFFFFF  }
0x98: {  	s19 =	sld [smem:$0x3FDB];
	_ =	sdelay $0x1  }
0x99: {  	s4 =	simm.s32 $_scs_section_size  }
0x9a: {  	s5 =	simm.s32 $_size__tile_overlayer_lowered;
	s6 =	simm.s32 $_tile_overlayer_lowered  }
0x9b: {  	s22 =	simm.s32 $0x1BFF;
	s21 =	sshll.u32 s6, $0x1;
	s3 =	sadd.s32 s4, s19  }
0x9c: {  	s7 =	simm.s32 $0x0;
	s20 =	sshll.u32 s5, $0x1;
	s5 =	sadd.s32 s21, s3  }
0x9d: {  	[timem:s7], [sflag:s22] =	dma.local [hbm:s5], s20  }
0x9e: {  	_ =	swait.ge [sflag:s22], s20  }
0x9f: {  	s4 =	ssub.s32 $0x0, s20;
	[sflag:s22] =	ssyncset.done $0x0  }
0xa0: {  	[sflag:s22] =	ssyncadd.s32 s4;
	_ =	sdelay $0x1  }
0xa1: {  	s23 =	simm.s32 $0x1B8B  }
0xa2: {  	_ =	swait.ge [sflag:s23], $0x1  }
0xa3: {  	[sflag:s23] =	ssyncset.done $0x0  }
0xa4: {  	s25 =	simm.s32 $0x1B8E;
	s24 =	sld [smem:$0x3FFE];
	[sflag:s23] =	ssyncadd.s32 $0xFFFFFFFF  }
0xa5: {  	s26 =	simm.s32 $execute0_lowered;
	[smem:$0x3FD2] =	sst s25  }
0xa6: {  	s5 =	sshll.u32 s26, $0x1;
	_ =	strace $0x80000046;
	[dreg:$0x1] =	wrdreg $0xFFFFFFFF  }
0xa7: {  	s28 =	simm.s32 $_size_execute0_lowered;
	s3 =	sadd.s32 s3, s5;
	[dreg:$0x0] =	wrdreg $0x0  }
0xa8: {  	s5 =	sshll.u32 s28, $0x1;
	[dreg:$0x2] =	wrdreg s3  }
0xa9: {  	[dreg:$0x3] =	wrdreg s5  }
0xaa: {  	[dreg:$0x4] =	wrdreg $0xC0  }
0xab: {  	_ =	task [dreg:s7], $0x5FFFF  }
0xac: {  	[dreg:$0x1] =	wrdreg $0xFFFFFFFF  }
0xad: {  	[dreg:$0x0] =	wrdreg $0x60  }
0xae: {  	[dreg:$0x2] =	wrdreg s2  }
0xaf: {  	[dreg:$0x3] =	wrdreg s24  }
0xb0: {  	[dreg:$0x4] =	wrdreg $0x71000  }
0xb1: {  	[dreg:$0x5] =	wrdreg $0x9  }
0xb2: {  	_ =	task.clear_ibuf [dreg:s7], $0x6FFFF;
	_ =	strace $0x90000046  }
0xb3: {  	s29 =	simm.s32 $0x9;
	_ =	strace $0x80000048  }
0xb4: {  	_ =	swait.ge [sflag:s29], $0x1  }
0xb5: {  	[sflag:s29] =	ssyncadd.s32 $0xFFFFFFFF  }
0xb6: {  	_ =	strace $0x90000048  }
0xb7: {  	_ =	sfence  }
0xb8: {  	s30 =	sld [smem:$0x0];
	_ =	sdelay $0x2  }
0xb9: {  	s31 =	sshll.u32 s1, $0xD;
	s1 =	sshrl.u32 s1, $0x2  }
0xba: {  	s3 =	sand.u32 $0x4000, s31;
	s1 =	sadd.s32 s1, s30  }
0xbb: {  	s0 =	sor.u32 s3, s0;
	s1 =	sshll.u32 s1, $0x11  }
0xbc: {  	s0 =	sor.u32 s1, s0  }
0xbd: {  	s0 =	sadd.s32 $0x8F2B, s0  }
0xbe: {  	[sflag:s0] =	ssyncadd.remote.s32 $0x1  }
0xbf: {  	_ =	sfence.sel $0xFFFF  }
0xc0: {  	[dreg:$0x0] =	wrdreg $0xFFFFFFFF;
	(pc) =	sbr.abs _section_cstart, $3  }
0xc1: {  	[dreg:$0x1] =	wrdreg $0xFFFFFFFF  }
0xc2: {  	_ =	task.clear_ibuf [dreg:s7], $0x2FFFF;
	_ =	strace $0x9FFFFFFF  }
0xc3: {  	(tm) =	ssettm $0x7FFFFFFF  }
tec
execute0_lowered:
.L_overlay_start_1:
0x0: {  	(tag) =	ssettag $0x1  }
0x1: {  	s8 =	rddreg [dreg:$0x0]  }
0x2: {  	s7 =	rddreg [dreg:$0x1]  }
0x3: {  	s1 =	rddreg [dreg:$0x2];
	v0 =	vimm.s32 $0x76543210  }
0x4: {  	s0 =	rddreg [dreg:$0x3];
	v1 =	vimm.s32 $0xFEDCBA98;
	v2 =	vimm.s32 $0x3210FEDC;
	v3 =	vimm.s32 $0xBA987654  }
0x5: {  	s2 =	simm.s32 $0x0;
	s18 =	stileid.u32;
	s5 =	srdreg.scid;
	v4 =	vimm.s32 $0x10FEDCBA;
	v5 =	vimm.s32 $0x98765432;
	v6 =	vimm.s32 $0xFEDCBA9  }
0x6: {  	v7 =	vimm.s32 $0x87654321;
	s14 =	simm.s32 $0x4000;
	s15 =	simm.s32 $0x7000;
	s16 =	simm.s32 $0x4800  }
0x7: {  	s17 =	simm.s32 $0x5000;
	s20 =	simm.s32 $0x0;
	[smem:$0x7FF] =	sst s2;
	v0 =	vunpack.c.l.s4.s8 v0;
	v1 =	vunpack.c.l.s4.s8 v1;
	v2 =	vunpack.c.l.s4.s8 v2  }
0x8: {  	s9 =	sshll.u32 s18, $0xA;
	s3 =	sadd.s32 $0x204200, s7;
	s4 =	sadd.s32 $0x204000, s7;
	v3 =	vunpack.c.l.s4.s8 v3;
	v4 =	vunpack.c.l.s4.s8 v4;
	v5 =	vunpack.c.l.s4.s8 v5  }
0x9: {  	s10 =	sand.u32 $0x1, s5;
	s5 =	sadd.s32 $0x204400, s7;
	s6 =	sadd.s32 $0x204800, s7;
	v6 =	vunpack.c.l.s4.s8 v6;
	v7 =	vunpack.c.l.s4.s8 v7;
	v2 =	vunpack.c.0.s8.s32 v2  }
0xa: {  	p0 =	sne.s32 s18, $0x0;
	_ =	strace $0x80000047;
	s11 =	sadd.s32 s9, s7;
	v3 =	vunpack.c.0.s8.s32 v3;
	v4 =	vunpack.c.0.s8.s32 v4;
	v5 =	vunpack.c.0.s8.s32 v5  }
0xb: {  	s12 =	ssub.s32 $0x2, s10;
	s10 =	sshll.u32 s10, $0x4;
	s7 =	sadd.s32 $0x204600, s7;
	v1 =	vunpack.c.0.s8.s32 v1;
	v6 =	vunpack.c.0.s8.s32 v6;
	v7 =	vunpack.c.0.s8.s32 v7  }
0xc: {  	s8 =	sadd.s32 s8, s9;
	s13 =	sshrl.u32 s12, $0x1;
	s19 =	ssub.s32 $0x0, s10;
	v2 =	vcombine.low v3, v2;
	v3 =	vcombine.low v5, v4;
	v4 =	vunpack.c.0.s8.s32 v0  }
0xd: {  	s9 =	sadd.s32 $0x200000, s11;
	s11 =	simm.s32 $0x1;
	p1 =	sne.s32 s18, s19;
	v5 =	vcombine.low v7, v6;
	v0 =	vimm.f32 $0.0e+00;
	v1 =	vand.u32 $0xF, v1  }
0xe: {  	s12 =	ssub.s32 s12, s13;
	s13 =	simm.s32 $0x6000;
	s18 =	simm.s32 $0x6800;
	vm0 =	vcmask @!p1 $0x3F08;
	vm1 =	vmmov @!p1 $0x1;
	v1 =	vcombine.low v1, v4  }
0xf: {  	s19 =	simm.s32 $0x5800;
	s10 =	smax.u32 s12, $0x1;
	s12 =	simm.s32 $0x2000;
	v2 =	vand.u32 $0xF, v2;
	v3 =	vand.u32 $0xF, v3;
	v4 =	vand.u32 $0xF, v5  }
.LBB2_1:
0x10: {  	[tilespmem:s2], [sflag:$0x1] =	stream.linear.gather [hbm4b:s8+s2], $0x2000, $0x38;
	[tilespmem:$0x7180] =	vst v63  }
0x11: {  	_ =	swait.ge [sflag:s11], $0x2000  }
0x12: {  	[sflag:s11] =	ssyncset.done $0x0  }
0x13: {  	[sflag:s11] =	ssyncadd.s32 $0xFFFFE000  }
0x14: {  	[tilespmem:s12], [sflag:$0x1] =	stream.linear.gather [hbm4b:s9+s2], $0x2000, $0x38;
	[tilespmem:$0x7180] =	vst v63  }
0x15: {  	_ =	swait.ge [sflag:s11], $0x2000  }
0x16: {  	[sflag:s11] =	ssyncset.done $0x0  }
0x17: {  	[sflag:s11] =	ssyncadd.s32 $0xFFFFE000  }
0x18: {  	[tilespmem:s13], [sflag:$0x1] =	stream.linear.gather [hbm4b:s3+s2], $0x800, $0x38;
	[tilespmem:$0x7180] =	vst v63  }
0x19: {  	_ =	swait.ge [sflag:s11], $0x800  }
0x1a: {  	[sflag:s11] =	ssyncset.done $0x0  }
0x1b: {  	[sflag:s11] =	ssyncadd.s32 $0xFFFFF800  }
0x1c: {  	[tilespmem:s14], [sflag:$0x1] =	stream.linear.gather [hbm4b:s4+s2], $0x800, $0x38;
	[tilespmem:$0x7180] =	vst v63  }
0x1d: {  	_ =	swait.ge [sflag:s11], $0x800  }
0x1e: {  	[sflag:s11] =	ssyncset.done $0x0  }
0x1f: {  	[sflag:s11] =	ssyncadd.s32 $0xFFFFF800  }
0x20: {  	[tilespmem:s15], [sflag:$0x1] =	stream.linear.gather [hbm4b:s5+s2], $0x80, $0x38;
	[tilespmem:$0x7180] =	vst v63  }
0x21: {  	_ =	swait.ge [sflag:s11], $0x80  }
0x22: {  	[sflag:s11] =	ssyncset.done $0x0  }
0x23: {  	s21 =	simm.s32 $0x0;
	[sflag:s11] =	ssyncadd.s32 $0xFFFFFF80  }
0x24: {  	v5 =	vld [tilespmem:s21+$0x6000]  }
0x25: {  	s22 =	simm.s32 $0x40;
	[tilespmem:s21+$0x5000] =	vst v0;
	v6 =	vld [tilespmem:s21+$0x4000]  }
.LBB2_2:
0x26: {  	_ = 	snop  }
0x27: {  	p2 =	sne.s32 s22, $0x1FC0  }
.Ltmp0:
0x28: {  	_ = 	snop;
	(pc) =	sbr.rel @p2 .LBB2_2-.Ltmp0, $4  }
0x29: {  	_ = 	snop  }
0x2a: {  	s23 =	sshra.s32 s22, $0x2;
	v7 =	vmul.f32 v6, v5  }
0x2b: {  	[tilespmem:s23+$0x5000] =	vst v0;
	v5 =	vld [tilespmem:s23+$0x6000]  }
0x2c: {  	s22 =	sadd.s32 $0x40, s22;
	v6 =	vld [tilespmem:s23+$0x4000];
	[tilespmem:s21+$0x4800] =	vst v7;
	s21 =	smov.u32 s23  }
0x2d: {  	_ =	sdelay $0x3  }
0x2e: {  	v5 =	vmul.f32 v6, v5;
	_ =	sdelay $0x1  }
0x2f: {  	s22 =	simm.s32 $0x0;
	[tilespmem:s21+$0x4800] =	vst v5;
	s21 =	simm.s32 $0x40  }
.LBB2_4:
0x30: {  	p2 =	sne.s32 s21, $0x7FC0;
	v5 =	vld [tilespmem:s22+$0x2000];
	_ =	sdelay $0x2  }
0x31: {  	v6 =	vld [tilespmem:s22+$0x0];
	_ =	sdelay $0x1  }
0x32: {  	v7 =	vperm.xlane v5, v1;
	_ =	sdelay $0x1  }
0x33: {  	v7 =	vadd.f32 v7, v5;
	_ =	sdelay $0x1  }
0x34: {  	v8 =	vperm.xlane v7, v2;
	_ =	sdelay $0x1  }
0x35: {  	v9 =	vld.idx.msk [tilespmem:v6+s16+$0x0], $0xffff;
	v7 =	vadd.f32 v8, v7;
	_ =	sdelay $0x1  }
0x36: {  	v8 =	vperm.xlane v7, v3;
	_ =	sdelay $0x1  }
0x37: {  	v7 =	vadd.f32 v8, v7;
	_ =	sdelay $0x1  }
0x38: {  	v8 =	vmul.f32 v9, v5;
	v9 =	vperm.xlane v7, v4;
	_ =	sdelay $0x1  }
0x39: {  	v10 =	vperm.xlane v8, v1;
	v7 =	vadd.f32 v9, v7;
	_ =	sdelay $0x1  }
0x3a: {  	v8 =	vadd.f32 v10, v8;
	v7 =	vadd.f32 $9.999999710e-10, v7;
	_ =	sdelay $0x1  }
0x3b: {  	v9 =	vperm.xlane v8, v2;
	(erf) = vrcp.f32 v7;
	_ =	sdelay $0x1  }
0x3c: {  	v7 =	vadd.f32 v9, v8;
	_ =	sdelay $0x1  }
0x3d: {  	v8 =	vperm.xlane v7, v3;
	_ =	sdelay $0x1  }
0x3e: {  	v7 =	vadd.f32 v8, v7;
	_ =	sdelay $0x1  }
0x3f: {  	v8 =	vperm.xlane v7, v4  }
0x40: {  	v9 =	vpop (erf)  }
.Ltmp1:
0x41: {  	v7 =	vadd.f32 v8, v7;
	v5 =	vmul.f32 v9, v5;
	(pc) =	sbr.rel @p2 .LBB2_4-.Ltmp1, $3  }
0x42: {  	_ = 	snop  }
0x43: {  	v5 =	vmul.f32 v5, v7;
	_ =	sdelay $0x1  }
0x44: {  	s22 =	sshra.s32 s21, $0x2;
	s21 =	sadd.s32 $0x40, s21;
	[tilespmem:v6+s17+$0x0] =	vst.idx.add.f32.msk $0xffff, v5  }
0x45: {  	v5 =	vld [tilespmem:s22+$0x2000];
	_ =	sdelay $0x3  }
0x46: {  	v6 =	vld [tilespmem:s22+$0x0]  }
0x47: {  	v7 =	vperm.xlane v5, v1;
	_ =	sdelay $0x1  }
0x48: {  	v7 =	vadd.f32 v7, v5;
	_ =	sdelay $0x1  }
0x49: {  	v8 =	vperm.xlane v7, v2;
	_ =	sdelay $0x1  }
0x4a: {  	v7 =	vadd.f32 v8, v7  }
0x4b: {  	v61 =	vld.idx.msk [tilespmem:v6+s16+$0x0], $0xffff  }
0x4c: {  	v9 =	vperm.xlane v7, v3;
	_ =	sdelay $0x1  }
0x4d: {  	v7 =	vadd.f32 v9, v7;
	_ =	sdelay $0x1  }
0x4e: {  	v8 =	vmul.f32 v61, v5;
	v9 =	vperm.xlane v7, v4;
	_ =	sdelay $0x1  }
0x4f: {  	v10 =	vperm.xlane v8, v1;
	v7 =	vadd.f32 v9, v7;
	_ =	sdelay $0x1  }
0x50: {  	v8 =	vadd.f32 v10, v8;
	v7 =	vadd.f32 $9.999999710e-10, v7;
	_ =	sdelay $0x1  }
0x51: {  	v62 =	vperm.xlane v8, v2;
	(erf) = vrcp.f32 v7;
	_ =	sdelay $0x1  }
0x52: {  	v7 =	vadd.f32 v62, v8;
	_ =	sdelay $0x1  }
0x53: {  	v8 =	vperm.xlane v7, v3;
	_ =	sdelay $0x1  }
0x54: {  	v7 =	vadd.f32 v8, v7;
	_ =	sdelay $0x1  }
0x55: {  	v8 =	vperm.xlane v7, v4  }
0x56: {  	v63 =	vpop (erf)  }
0x57: {  	v7 =	vadd.f32 v8, v7;
	v5 =	vmul.f32 v63, v5;
	_ =	sdelay $0x1  }
0x58: {  	v5 =	vmul.f32 v5, v7;
	_ =	sdelay $0x1  }
0x59: {  	s21 =	simm.s32 $0x0;
	[tilespmem:v6+s17+$0x0] =	vst.idx.add.f32.msk $0xffff, v5  }
0x5a: {  	s22 =	simm.s32 $0x40;
	v5 =	vld [tilespmem:s21+$0x5000]  }
.LBB2_6:
0x5b: {  	p2 =	sne.s32 s22, $0x1FC0  }
.Ltmp2:
0x5c: {  	_ = 	snop;
	(pc) =	sbr.rel @p2 .LBB2_6-.Ltmp2, $3  }
0x5d: {  	_ =	sdelay $0x1  }
0x5e: {  	[tilespmem:s21+$0x5800] =	vst v5;
	s21 =	sshra.s32 s22, $0x2;
	s22 =	sadd.s32 $0x40, s22  }
0x5f: {  	v5 =	vld [tilespmem:s21+$0x5000]  }
.Ltmp3:
0x60: {  	_ = 	snop;
	(pc) =	sbr.rel @p0 .LBB2_11-.Ltmp3, $2  }
0x61: {  	_ =	sdelay $0x2  }
0x62: {  	[tilespmem:s21+$0x5800] =	vst v5  }
0x63: {  	s21 =	simm.s32 $0x40;
	s22 =	simm.s32 $0x0  }
.LBB2_9:
0x64: {  	p2 =	sne.s32 s21, $0x1FC0;
	[tilespmem:s22+$0x6800] =	vst v0;
	s22 =	smov.u32 s21;
	s21 =	sadd.s32 $0x40, s21  }
.Ltmp4:
0x65: {  	(pc) =	sbr.rel @p2 .LBB2_9-.Ltmp4, $2  }
0x66: {  	_ =	sdelay $0x2  }
0x67: {  	s22 =	sshra.s32 s22, $0x2  }
0x68: {  	[tilespmem:s22+$0x6800] =	vst v0  }
0x69: {  	[spmem:s1] =	stream.linear.scatter [tilespmem:s18], [sflag:$0x1], $0x800, $0x38;
	[tilespmem:$0x7180] =	vst v63  }
0x6a: {  	_ =	swait.ge [sflag:s11], $0x800  }
0x6b: {  	[sflag:s11] =	ssyncset.done $0x0  }
0x6c: {  	[sflag:s11] =	ssyncadd.s32 $0xFFFFF800  }
.LBB2_11:
0x6d: {  	[bflag:$0x0] =	sbarrier.arrive $0xFFFF  }
0x6e: {  	[spmem:s1] =	stream.indirect.scatter.add.f32 [tilespmem:s19], [sflag:$0x1], $0x800, s15, s11, $0xb8;
	[tilespmem:$0x7180] =	vst v63  }
0x6f: {  	_ =	swait.ge [sflag:s11], $0x800  }
0x70: {  	[sflag:s11] =	ssyncset.done $0x0  }
0x71: {  	[sflag:s11] =	ssyncadd.s32 $0xFFFFF800  }
0x72: {  	[bflag:$0x0] =	sbarrier.arrive $0xFFFF  }
0x73: {  	[tilespmem:s18], [sflag:$0x1] =	stream.linear.gather [spmem:s1], $0x800, $0x38;
	[tilespmem:$0x7180] =	vst v63  }
0x74: {  	_ =	swait.ge [sflag:s11], $0x800  }
0x75: {  	[sflag:s11] =	ssyncset.done $0x0  }
0x76: {  	s21 =	simm.s32 $0x0;
	[sflag:s11] =	ssyncadd.s32 $0xFFFFF800  }
0x77: {  	v5 =	vld [tilespmem:s21+$0x6000]  }
0x78: {  	v6 =	vld [tilespmem:s21+$0x6800];
	_ =	sdelay $0x1  }
0x79: {  	v7 =	vld [tilespmem:s21+$0x4000];
	_ =	sdelay $0x2  }
0x7a: {  	v6 =	vmul.f32 v6, v5  }
0x7b: {  	s22 =	simm.s32 $0x10  }
0x7c: {  	s23 =	simm.s32 $0x80;
	v5 =	vld [tilespmem:s22+$0x6000];
	v6 =	vsub.f32 v7, v6  }
.LBB2_12:
0x7d: {  	p2 =	sne.s32 s23, $0x1FC0;
	v7 =	vld [tilespmem:s22+$0x6800]  }
0x7e: {  	[tilespmem:s21+$0x4000] =	vst v6;
	s21 =	smov.u32 s22  }
0x7f: {  	v6 =	vld [tilespmem:s21+$0x4000]  }
.Ltmp5:
0x80: {  	(pc) =	sbr.rel @p2 .LBB2_12-.Ltmp5, $4  }
0x81: {  	_ = 	snop  }
0x82: {  	v7 =	vmul.f32 v7, v5  }
0x83: {  	s22 =	sshra.s32 s23, $0x2  }
0x84: {  	s23 =	sadd.s32 $0x40, s23;
	v5 =	vld [tilespmem:s22+$0x6000];
	v6 =	vsub.f32 v6, v7  }
0x85: {  	v7 =	vld [tilespmem:s22+$0x6800]  }
0x86: {  	[tilespmem:s21+$0x4000] =	vst v6  }
0x87: {  	v6 =	vld [tilespmem:s22+$0x4000];
	_ =	sdelay $0x2  }
0x88: {  	v5 =	vmul.f32 v7, v5;
	_ =	sdelay $0x1  }
0x89: {  	v5 =	vsub.f32 v6, v5;
	_ =	sdelay $0x1  }
0x8a: {  	[tilespmem:s22+$0x4000] =	vst v5  }
0x8b: {  	s22 =	simm.s32 $0x0;
	[bflag:$0x0] =	sbarrier.arrive $0xFFFF  }
0x8c: {  	v5 =	vld [tilespmem:s22+$0x6000]  }
0x8d: {  	s23 =	simm.s32 $0x0;
	s21 =	simm.s32 $0x40;
	[tilespmem:s22+$0x5000] =	vst v0;
	v6 =	vld [tilespmem:s22+$0x4000]  }
.LBB2_14:
0x8e: {  	_ = 	snop  }
0x8f: {  	p2 =	sne.s32 s21, $0x1FC0  }
.Ltmp6:
0x90: {  	_ = 	snop;
	(pc) =	sbr.rel @p2 .LBB2_14-.Ltmp6, $4  }
0x91: {  	_ = 	snop  }
0x92: {  	s24 =	sshra.s32 s21, $0x2;
	v7 =	vmul.f32 v6, v5  }
0x93: {  	[tilespmem:s24+$0x5000] =	vst v0;
	v5 =	vld [tilespmem:s24+$0x6000]  }
0x94: {  	s21 =	sadd.s32 $0x40, s21;
	v6 =	vld [tilespmem:s24+$0x4000];
	[tilespmem:s23+$0x4800] =	vst v7;
	s23 =	smov.u32 s24  }
0x95: {  	_ =	sdelay $0x3  }
0x96: {  	v5 =	vmul.f32 v6, v5;
	_ =	sdelay $0x1  }
0x97: {  	s21 =	simm.s32 $0x40;
	[tilespmem:s23+$0x4800] =	vst v5  }
.LBB2_16:
0x98: {  	p2 =	sne.s32 s21, $0x7FC0;
	v5 =	vld [tilespmem:s22+$0x2000];
	_ =	sdelay $0x2  }
0x99: {  	v6 =	vld [tilespmem:s22+$0x0];
	_ =	sdelay $0x1  }
0x9a: {  	v7 =	vperm.xlane v5, v1;
	_ =	sdelay $0x1  }
0x9b: {  	v7 =	vadd.f32 v7, v5;
	_ =	sdelay $0x1  }
0x9c: {  	v8 =	vperm.xlane v7, v2;
	_ =	sdelay $0x1  }
0x9d: {  	v9 =	vld.idx.msk [tilespmem:v6+s16+$0x0], $0xffff;
	v7 =	vadd.f32 v8, v7;
	_ =	sdelay $0x1  }
0x9e: {  	v8 =	vperm.xlane v7, v3;
	_ =	sdelay $0x1  }
0x9f: {  	v7 =	vadd.f32 v8, v7;
	_ =	sdelay $0x1  }
0xa0: {  	v8 =	vmul.f32 v9, v5;
	v9 =	vperm.xlane v7, v4;
	_ =	sdelay $0x1  }
0xa1: {  	v10 =	vperm.xlane v8, v1;
	v7 =	vadd.f32 v9, v7;
	_ =	sdelay $0x1  }
0xa2: {  	v8 =	vadd.f32 v10, v8;
	v7 =	vadd.f32 $9.999999710e-10, v7;
	_ =	sdelay $0x1  }
0xa3: {  	v9 =	vperm.xlane v8, v2;
	(erf) = vrcp.f32 v7;
	_ =	sdelay $0x1  }
0xa4: {  	v7 =	vadd.f32 v9, v8;
	_ =	sdelay $0x1  }
0xa5: {  	v8 =	vperm.xlane v7, v3;
	_ =	sdelay $0x1  }
0xa6: {  	v7 =	vadd.f32 v8, v7;
	_ =	sdelay $0x1  }
0xa7: {  	v8 =	vperm.xlane v7, v4  }
0xa8: {  	v9 =	vpop (erf)  }
.Ltmp7:
0xa9: {  	v7 =	vadd.f32 v8, v7;
	v5 =	vmul.f32 v9, v5;
	(pc) =	sbr.rel @p2 .LBB2_16-.Ltmp7, $3  }
0xaa: {  	_ = 	snop  }
0xab: {  	v5 =	vmul.f32 v5, v7;
	_ =	sdelay $0x1  }
0xac: {  	s22 =	sshra.s32 s21, $0x2;
	s21 =	sadd.s32 $0x40, s21;
	[tilespmem:v6+s17+$0x0] =	vst.idx.add.f32.msk $0xffff, v5  }
0xad: {  	v5 =	vld [tilespmem:s22+$0x2000];
	_ =	sdelay $0x3  }
0xae: {  	v6 =	vld [tilespmem:s22+$0x0]  }
0xaf: {  	v7 =	vperm.xlane v5, v1;
	_ =	sdelay $0x1  }
0xb0: {  	v7 =	vadd.f32 v7, v5;
	_ =	sdelay $0x1  }
0xb1: {  	v8 =	vperm.xlane v7, v2;
	_ =	sdelay $0x1  }
0xb2: {  	v7 =	vadd.f32 v8, v7  }
0xb3: {  	v61 =	vld.idx.msk [tilespmem:v6+s16+$0x0], $0xffff  }
0xb4: {  	v9 =	vperm.xlane v7, v3;
	_ =	sdelay $0x1  }
0xb5: {  	v7 =	vadd.f32 v9, v7;
	_ =	sdelay $0x1  }
0xb6: {  	v8 =	vmul.f32 v61, v5;
	v9 =	vperm.xlane v7, v4;
	_ =	sdelay $0x1  }
0xb7: {  	v10 =	vperm.xlane v8, v1;
	v7 =	vadd.f32 v9, v7;
	_ =	sdelay $0x1  }
0xb8: {  	v8 =	vadd.f32 v10, v8;
	v7 =	vadd.f32 $9.999999710e-10, v7;
	_ =	sdelay $0x1  }
0xb9: {  	v62 =	vperm.xlane v8, v2;
	(erf) = vrcp.f32 v7;
	_ =	sdelay $0x1  }
0xba: {  	v7 =	vadd.f32 v62, v8;
	_ =	sdelay $0x1  }
0xbb: {  	v8 =	vperm.xlane v7, v3;
	_ =	sdelay $0x1  }
0xbc: {  	v7 =	vadd.f32 v8, v7;
	_ =	sdelay $0x1  }
0xbd: {  	v8 =	vperm.xlane v7, v4  }
0xbe: {  	v63 =	vpop (erf)  }
0xbf: {  	v7 =	vadd.f32 v8, v7;
	v5 =	vmul.f32 v63, v5;
	_ =	sdelay $0x1  }
0xc0: {  	v5 =	vmul.f32 v5, v7;
	_ =	sdelay $0x1  }
0xc1: {  	s21 =	simm.s32 $0x0;
	[tilespmem:v6+s17+$0x0] =	vst.idx.add.f32.msk $0xffff, v5  }
0xc2: {  	s22 =	simm.s32 $0x40;
	v5 =	vld [tilespmem:s21+$0x5000]  }
.LBB2_18:
0xc3: {  	p2 =	sne.s32 s22, $0x1FC0  }
.Ltmp8:
0xc4: {  	_ = 	snop;
	(pc) =	sbr.rel @p2 .LBB2_18-.Ltmp8, $3  }
0xc5: {  	_ =	sdelay $0x1  }
0xc6: {  	[tilespmem:s21+$0x5800] =	vst v5;
	s21 =	sshra.s32 s22, $0x2;
	s22 =	sadd.s32 $0x40, s22  }
0xc7: {  	v5 =	vld [tilespmem:s21+$0x5000]  }
.Ltmp9:
0xc8: {  	_ = 	snop;
	(pc) =	sbr.rel @p0 .LBB2_23-.Ltmp9, $2  }
0xc9: {  	_ =	sdelay $0x2  }
0xca: {  	[tilespmem:s21+$0x5800] =	vst v5  }
0xcb: {  	s21 =	simm.s32 $0x40;
	s22 =	simm.s32 $0x0  }
.LBB2_21:
0xcc: {  	p2 =	sne.s32 s21, $0x1FC0;
	[tilespmem:s22+$0x6800] =	vst v0;
	s22 =	smov.u32 s21;
	s21 =	sadd.s32 $0x40, s21  }
.Ltmp10:
0xcd: {  	(pc) =	sbr.rel @p2 .LBB2_21-.Ltmp10, $2  }
0xce: {  	_ =	sdelay $0x2  }
0xcf: {  	s22 =	sshra.s32 s22, $0x2  }
0xd0: {  	[tilespmem:s22+$0x6800] =	vst v0  }
0xd1: {  	[spmem:s1] =	stream.linear.scatter [tilespmem:s18], [sflag:$0x1], $0x800, $0x38;
	[tilespmem:$0x7180] =	vst v63  }
0xd2: {  	_ =	swait.ge [sflag:s11], $0x800  }
0xd3: {  	[sflag:s11] =	ssyncset.done $0x0  }
0xd4: {  	[sflag:s11] =	ssyncadd.s32 $0xFFFFF800  }
.LBB2_23:
0xd5: {  	[bflag:$0x0] =	sbarrier.arrive $0xFFFF  }
0xd6: {  	[spmem:s1] =	stream.indirect.scatter.add.f32 [tilespmem:s19], [sflag:$0x1], $0x800, s15, s11, $0xb8;
	[tilespmem:$0x7180] =	vst v63  }
0xd7: {  	_ =	swait.ge [sflag:s11], $0x800  }
0xd8: {  	[sflag:s11] =	ssyncset.done $0x0  }
0xd9: {  	[sflag:s11] =	ssyncadd.s32 $0xFFFFF800  }
0xda: {  	[bflag:$0x0] =	sbarrier.arrive $0xFFFF  }
0xdb: {  	[tilespmem:s18], [sflag:$0x1] =	stream.linear.gather [spmem:s1], $0x800, $0x38;
	[tilespmem:$0x7180] =	vst v63  }
0xdc: {  	_ =	swait.ge [sflag:s11], $0x800  }
0xdd: {  	[sflag:s11] =	ssyncset.done $0x0  }
0xde: {  	s21 =	simm.s32 $0x0;
	[sflag:s11] =	ssyncadd.s32 $0xFFFFF800  }
0xdf: {  	v5 =	vld [tilespmem:s21+$0x6000]  }
0xe0: {  	v6 =	vld [tilespmem:s21+$0x6800];
	_ =	sdelay $0x1  }
0xe1: {  	v7 =	vld [tilespmem:s21+$0x4000];
	_ =	sdelay $0x2  }
0xe2: {  	v6 =	vmul.f32 v6, v5  }
0xe3: {  	s22 =	simm.s32 $0x10  }
0xe4: {  	s23 =	simm.s32 $0x80;
	v5 =	vld [tilespmem:s22+$0x6000];
	v6 =	vsub.f32 v7, v6  }
.LBB2_24:
0xe5: {  	p2 =	sne.s32 s23, $0x1FC0;
	v7 =	vld [tilespmem:s22+$0x6800]  }
0xe6: {  	[tilespmem:s21+$0x4000] =	vst v6;
	s21 =	smov.u32 s22  }
0xe7: {  	v6 =	vld [tilespmem:s21+$0x4000]  }
.Ltmp11:
0xe8: {  	(pc) =	sbr.rel @p2 .LBB2_24-.Ltmp11, $4  }
0xe9: {  	_ = 	snop  }
0xea: {  	v7 =	vmul.f32 v7, v5  }
0xeb: {  	s22 =	sshra.s32 s23, $0x2  }
0xec: {  	s23 =	sadd.s32 $0x40, s23;
	v5 =	vld [tilespmem:s22+$0x6000];
	v6 =	vsub.f32 v6, v7  }
0xed: {  	v7 =	vld [tilespmem:s22+$0x6800]  }
0xee: {  	[tilespmem:s21+$0x4000] =	vst v6  }
0xef: {  	v6 =	vld [tilespmem:s22+$0x4000];
	_ =	sdelay $0x2  }
0xf0: {  	v5 =	vmul.f32 v7, v5;
	_ =	sdelay $0x1  }
0xf1: {  	v5 =	vsub.f32 v6, v5;
	_ =	sdelay $0x1  }
0xf2: {  	[tilespmem:s22+$0x4000] =	vst v5  }
0xf3: {  	s22 =	simm.s32 $0x0;
	[bflag:$0x0] =	sbarrier.arrive $0xFFFF  }
0xf4: {  	v5 =	vld [tilespmem:s22+$0x6000]  }
0xf5: {  	s23 =	simm.s32 $0x0;
	s21 =	simm.s32 $0x40;
	[tilespmem:s22+$0x5000] =	vst v0;
	v6 =	vld [tilespmem:s22+$0x4000]  }
.LBB2_26:
0xf6: {  	_ = 	snop  }
0xf7: {  	p2 =	sne.s32 s21, $0x1FC0  }
.Ltmp12:
0xf8: {  	_ = 	snop;
	(pc) =	sbr.rel @p2 .LBB2_26-.Ltmp12, $4  }
0xf9: {  	_ = 	snop  }
0xfa: {  	s24 =	sshra.s32 s21, $0x2;
	v7 =	vmul.f32 v6, v5  }
0xfb: {  	[tilespmem:s24+$0x5000] =	vst v0;
	v5 =	vld [tilespmem:s24+$0x6000]  }
0xfc: {  	s21 =	sadd.s32 $0x40, s21;
	v6 =	vld [tilespmem:s24+$0x4000];
	[tilespmem:s23+$0x4800] =	vst v7;
	s23 =	smov.u32 s24  }
0xfd: {  	_ =	sdelay $0x3  }
0xfe: {  	v5 =	vmul.f32 v6, v5;
	_ =	sdelay $0x1  }
0xff: {  	s21 =	simm.s32 $0x40;
	[tilespmem:s23+$0x4800] =	vst v5  }
.LBB2_28:
0x100: {  	p2 =	sne.s32 s21, $0x7FC0;
	v5 =	vld [tilespmem:s22+$0x2000];
	_ =	sdelay $0x2  }
0x101: {  	v6 =	vld [tilespmem:s22+$0x0];
	_ =	sdelay $0x1  }
0x102: {  	v7 =	vperm.xlane v5, v1;
	_ =	sdelay $0x1  }
0x103: {  	v7 =	vadd.f32 v7, v5;
	_ =	sdelay $0x1  }
0x104: {  	v8 =	vperm.xlane v7, v2;
	_ =	sdelay $0x1  }
0x105: {  	v9 =	vld.idx.msk [tilespmem:v6+s16+$0x0], $0xffff;
	v7 =	vadd.f32 v8, v7;
	_ =	sdelay $0x1  }
0x106: {  	v8 =	vperm.xlane v7, v3;
	_ =	sdelay $0x1  }
0x107: {  	v7 =	vadd.f32 v8, v7;
	_ =	sdelay $0x1  }
0x108: {  	v8 =	vmul.f32 v9, v5;
	v9 =	vperm.xlane v7, v4;
	_ =	sdelay $0x1  }
0x109: {  	v10 =	vperm.xlane v8, v1;
	v7 =	vadd.f32 v9, v7;
	_ =	sdelay $0x1  }
0x10a: {  	v8 =	vadd.f32 v10, v8;
	v7 =	vadd.f32 $9.999999710e-10, v7;
	_ =	sdelay $0x1  }
0x10b: {  	v9 =	vperm.xlane v8, v2;
	(erf) = vrcp.f32 v7;
	_ =	sdelay $0x1  }
0x10c: {  	v7 =	vadd.f32 v9, v8;
	_ =	sdelay $0x1  }
0x10d: {  	v8 =	vperm.xlane v7, v3;
	_ =	sdelay $0x1  }
0x10e: {  	v7 =	vadd.f32 v8, v7;
	_ =	sdelay $0x1  }
0x10f: {  	v8 =	vperm.xlane v7, v4  }
0x110: {  	v9 =	vpop (erf)  }
.Ltmp13:
0x111: {  	v7 =	vadd.f32 v8, v7;
	v5 =	vmul.f32 v9, v5;
	(pc) =	sbr.rel @p2 .LBB2_28-.Ltmp13, $3  }
0x112: {  	_ = 	snop  }
0x113: {  	v5 =	vmul.f32 v5, v7;
	_ =	sdelay $0x1  }
0x114: {  	s22 =	sshra.s32 s21, $0x2;
	s21 =	sadd.s32 $0x40, s21;
	[tilespmem:v6+s17+$0x0] =	vst.idx.add.f32.msk $0xffff, v5  }
0x115: {  	v5 =	vld [tilespmem:s22+$0x2000];
	_ =	sdelay $0x3  }
0x116: {  	v6 =	vld [tilespmem:s22+$0x0]  }
0x117: {  	v7 =	vperm.xlane v5, v1;
	_ =	sdelay $0x1  }
0x118: {  	v7 =	vadd.f32 v7, v5;
	_ =	sdelay $0x1  }
0x119: {  	v8 =	vperm.xlane v7, v2;
	_ =	sdelay $0x1  }
0x11a: {  	v7 =	vadd.f32 v8, v7  }
0x11b: {  	v61 =	vld.idx.msk [tilespmem:v6+s16+$0x0], $0xffff  }
0x11c: {  	v9 =	vperm.xlane v7, v3;
	_ =	sdelay $0x1  }
0x11d: {  	v7 =	vadd.f32 v9, v7;
	_ =	sdelay $0x1  }
0x11e: {  	v8 =	vmul.f32 v61, v5;
	v9 =	vperm.xlane v7, v4;
	_ =	sdelay $0x1  }
0x11f: {  	v10 =	vperm.xlane v8, v1;
	v7 =	vadd.f32 v9, v7;
	_ =	sdelay $0x1  }
0x120: {  	v8 =	vadd.f32 v10, v8;
	v7 =	vadd.f32 $9.999999710e-10, v7;
	_ =	sdelay $0x1  }
0x121: {  	v62 =	vperm.xlane v8, v2;
	(erf) = vrcp.f32 v7;
	_ =	sdelay $0x1  }
0x122: {  	v7 =	vadd.f32 v62, v8;
	_ =	sdelay $0x1  }
0x123: {  	v8 =	vperm.xlane v7, v3;
	_ =	sdelay $0x1  }
0x124: {  	v7 =	vadd.f32 v8, v7;
	_ =	sdelay $0x1  }
0x125: {  	v8 =	vperm.xlane v7, v4  }
0x126: {  	v63 =	vpop (erf)  }
0x127: {  	v7 =	vadd.f32 v8, v7;
	v5 =	vmul.f32 v63, v5;
	_ =	sdelay $0x1  }
0x128: {  	v5 =	vmul.f32 v5, v7;
	_ =	sdelay $0x1  }
0x129: {  	s21 =	simm.s32 $0x0;
	[tilespmem:v6+s17+$0x0] =	vst.idx.add.f32.msk $0xffff, v5  }
0x12a: {  	s22 =	simm.s32 $0x40;
	v5 =	vld [tilespmem:s21+$0x5000]  }
.LBB2_30:
0x12b: {  	p2 =	sne.s32 s22, $0x1FC0  }
.Ltmp14:
0x12c: {  	_ = 	snop;
	(pc) =	sbr.rel @p2 .LBB2_30-.Ltmp14, $3  }
0x12d: {  	_ =	sdelay $0x1  }
0x12e: {  	[tilespmem:s21+$0x5800] =	vst v5;
	s21 =	sshra.s32 s22, $0x2;
	s22 =	sadd.s32 $0x40, s22  }
0x12f: {  	v5 =	vld [tilespmem:s21+$0x5000]  }
.Ltmp15:
0x130: {  	_ = 	snop;
	(pc) =	sbr.rel @p0 .LBB2_35-.Ltmp15, $2  }
0x131: {  	_ =	sdelay $0x2  }
0x132: {  	[tilespmem:s21+$0x5800] =	vst v5  }
0x133: {  	s21 =	simm.s32 $0x40;
	s22 =	simm.s32 $0x0  }
.LBB2_33:
0x134: {  	p2 =	sne.s32 s21, $0x1FC0;
	[tilespmem:s22+$0x6800] =	vst v0;
	s22 =	smov.u32 s21;
	s21 =	sadd.s32 $0x40, s21  }
.Ltmp16:
0x135: {  	(pc) =	sbr.rel @p2 .LBB2_33-.Ltmp16, $2  }
0x136: {  	_ =	sdelay $0x2  }
0x137: {  	s22 =	sshra.s32 s22, $0x2  }
0x138: {  	[tilespmem:s22+$0x6800] =	vst v0  }
0x139: {  	[spmem:s1] =	stream.linear.scatter [tilespmem:s18], [sflag:$0x1], $0x800, $0x38;
	[tilespmem:$0x7180] =	vst v63  }
0x13a: {  	_ =	swait.ge [sflag:s11], $0x800  }
0x13b: {  	[sflag:s11] =	ssyncset.done $0x0  }
0x13c: {  	[sflag:s11] =	ssyncadd.s32 $0xFFFFF800  }
.LBB2_35:
0x13d: {  	[bflag:$0x0] =	sbarrier.arrive $0xFFFF  }
0x13e: {  	[spmem:s1] =	stream.indirect.scatter.add.f32 [tilespmem:s19], [sflag:$0x1], $0x800, s15, s11, $0xb8;
	[tilespmem:$0x7180] =	vst v63  }
0x13f: {  	_ =	swait.ge [sflag:s11], $0x800  }
0x140: {  	[sflag:s11] =	ssyncset.done $0x0  }
0x141: {  	[sflag:s11] =	ssyncadd.s32 $0xFFFFF800  }
0x142: {  	[bflag:$0x0] =	sbarrier.arrive $0xFFFF  }
0x143: {  	[tilespmem:s18], [sflag:$0x1] =	stream.linear.gather [spmem:s1], $0x800, $0x38;
	[tilespmem:$0x7180] =	vst v63  }
0x144: {  	_ =	swait.ge [sflag:s11], $0x800  }
0x145: {  	[sflag:s11] =	ssyncset.done $0x0  }
0x146: {  	s21 =	simm.s32 $0x0;
	[sflag:s11] =	ssyncadd.s32 $0xFFFFF800  }
0x147: {  	v5 =	vld [tilespmem:s21+$0x6000]  }
0x148: {  	v6 =	vld [tilespmem:s21+$0x6800];
	_ =	sdelay $0x1  }
0x149: {  	v7 =	vld [tilespmem:s21+$0x4000];
	_ =	sdelay $0x2  }
0x14a: {  	v6 =	vmul.f32 v6, v5  }
0x14b: {  	s22 =	simm.s32 $0x10  }
0x14c: {  	s23 =	simm.s32 $0x80;
	v5 =	vld [tilespmem:s22+$0x6000];
	v6 =	vsub.f32 v7, v6  }
.LBB2_36:
0x14d: {  	p2 =	sne.s32 s23, $0x1FC0;
	v7 =	vld [tilespmem:s22+$0x6800]  }
0x14e: {  	[tilespmem:s21+$0x4000] =	vst v6;
	s21 =	smov.u32 s22  }
0x14f: {  	v6 =	vld [tilespmem:s21+$0x4000]  }
.Ltmp17:
0x150: {  	(pc) =	sbr.rel @p2 .LBB2_36-.Ltmp17, $4  }
0x151: {  	_ = 	snop  }
0x152: {  	v7 =	vmul.f32 v7, v5  }
0x153: {  	s22 =	sshra.s32 s23, $0x2  }
0x154: {  	s23 =	sadd.s32 $0x40, s23;
	v5 =	vld [tilespmem:s22+$0x6000];
	v6 =	vsub.f32 v6, v7  }
0x155: {  	v7 =	vld [tilespmem:s22+$0x6800]  }
0x156: {  	[tilespmem:s21+$0x4000] =	vst v6  }
0x157: {  	v6 =	vld [tilespmem:s22+$0x4000];
	_ =	sdelay $0x2  }
0x158: {  	v5 =	vmul.f32 v7, v5;
	_ =	sdelay $0x1  }
0x159: {  	v5 =	vsub.f32 v6, v5;
	_ =	sdelay $0x1  }
0x15a: {  	[tilespmem:s22+$0x4000] =	vst v5  }
0x15b: {  	s22 =	simm.s32 $0x0;
	[bflag:$0x0] =	sbarrier.arrive $0xFFFF  }
0x15c: {  	v5 =	vld [tilespmem:s22+$0x6000]  }
0x15d: {  	s23 =	simm.s32 $0x0;
	s21 =	simm.s32 $0x40;
	[tilespmem:s22+$0x5000] =	vst v0;
	v6 =	vld [tilespmem:s22+$0x4000]  }
.LBB2_38:
0x15e: {  	_ = 	snop  }
0x15f: {  	p2 =	sne.s32 s21, $0x1FC0  }
.Ltmp18:
0x160: {  	_ = 	snop;
	(pc) =	sbr.rel @p2 .LBB2_38-.Ltmp18, $4  }
0x161: {  	_ = 	snop  }
0x162: {  	s24 =	sshra.s32 s21, $0x2;
	v7 =	vmul.f32 v6, v5  }
0x163: {  	[tilespmem:s24+$0x5000] =	vst v0;
	v5 =	vld [tilespmem:s24+$0x6000]  }
0x164: {  	s21 =	sadd.s32 $0x40, s21;
	v6 =	vld [tilespmem:s24+$0x4000];
	[tilespmem:s23+$0x4800] =	vst v7;
	s23 =	smov.u32 s24  }
0x165: {  	_ =	sdelay $0x3  }
0x166: {  	v5 =	vmul.f32 v6, v5;
	_ =	sdelay $0x1  }
0x167: {  	s21 =	simm.s32 $0x40;
	[tilespmem:s23+$0x4800] =	vst v5  }
.LBB2_40:
0x168: {  	p2 =	sne.s32 s21, $0x7FC0;
	v5 =	vld [tilespmem:s22+$0x2000];
	_ =	sdelay $0x2  }
0x169: {  	v6 =	vld [tilespmem:s22+$0x0];
	_ =	sdelay $0x1  }
0x16a: {  	v7 =	vperm.xlane v5, v1;
	_ =	sdelay $0x1  }
0x16b: {  	v7 =	vadd.f32 v7, v5;
	_ =	sdelay $0x1  }
0x16c: {  	v8 =	vperm.xlane v7, v2;
	_ =	sdelay $0x1  }
0x16d: {  	v9 =	vld.idx.msk [tilespmem:v6+s16+$0x0], $0xffff;
	v7 =	vadd.f32 v8, v7;
	_ =	sdelay $0x1  }
0x16e: {  	v8 =	vperm.xlane v7, v3;
	_ =	sdelay $0x1  }
0x16f: {  	v7 =	vadd.f32 v8, v7;
	_ =	sdelay $0x1  }
0x170: {  	v8 =	vmul.f32 v9, v5;
	v9 =	vperm.xlane v7, v4;
	_ =	sdelay $0x1  }
0x171: {  	v10 =	vperm.xlane v8, v1;
	v7 =	vadd.f32 v9, v7;
	_ =	sdelay $0x1  }
0x172: {  	v8 =	vadd.f32 v10, v8;
	v7 =	vadd.f32 $9.999999710e-10, v7;
	_ =	sdelay $0x1  }
0x173: {  	v9 =	vperm.xlane v8, v2;
	(erf) = vrcp.f32 v7;
	_ =	sdelay $0x1  }
0x174: {  	v7 =	vadd.f32 v9, v8;
	_ =	sdelay $0x1  }
0x175: {  	v8 =	vperm.xlane v7, v3;
	_ =	sdelay $0x1  }
0x176: {  	v7 =	vadd.f32 v8, v7;
	_ =	sdelay $0x1  }
0x177: {  	v8 =	vperm.xlane v7, v4  }
0x178: {  	v9 =	vpop (erf)  }
.Ltmp19:
0x179: {  	v7 =	vadd.f32 v8, v7;
	v5 =	vmul.f32 v9, v5;
	(pc) =	sbr.rel @p2 .LBB2_40-.Ltmp19, $3  }
0x17a: {  	_ = 	snop  }
0x17b: {  	v5 =	vmul.f32 v5, v7;
	_ =	sdelay $0x1  }
0x17c: {  	s22 =	sshra.s32 s21, $0x2;
	s21 =	sadd.s32 $0x40, s21;
	[tilespmem:v6+s17+$0x0] =	vst.idx.add.f32.msk $0xffff, v5  }
0x17d: {  	v5 =	vld [tilespmem:s22+$0x2000];
	_ =	sdelay $0x3  }
0x17e: {  	v6 =	vld [tilespmem:s22+$0x0]  }
0x17f: {  	v7 =	vperm.xlane v5, v1;
	_ =	sdelay $0x1  }
0x180: {  	v7 =	vadd.f32 v7, v5;
	_ =	sdelay $0x1  }
0x181: {  	v8 =	vperm.xlane v7, v2;
	_ =	sdelay $0x1  }
0x182: {  	v7 =	vadd.f32 v8, v7  }
0x183: {  	v61 =	vld.idx.msk [tilespmem:v6+s16+$0x0], $0xffff  }
0x184: {  	v9 =	vperm.xlane v7, v3;
	_ =	sdelay $0x1  }
0x185: {  	v7 =	vadd.f32 v9, v7;
	_ =	sdelay $0x1  }
0x186: {  	v8 =	vmul.f32 v61, v5;
	v9 =	vperm.xlane v7, v4;
	_ =	sdelay $0x1  }
0x187: {  	v10 =	vperm.xlane v8, v1;
	v7 =	vadd.f32 v9, v7;
	_ =	sdelay $0x1  }
0x188: {  	v8 =	vadd.f32 v10, v8;
	v7 =	vadd.f32 $9.999999710e-10, v7;
	_ =	sdelay $0x1  }
0x189: {  	v62 =	vperm.xlane v8, v2;
	(erf) = vrcp.f32 v7;
	_ =	sdelay $0x1  }
0x18a: {  	v7 =	vadd.f32 v62, v8;
	_ =	sdelay $0x1  }
0x18b: {  	v8 =	vperm.xlane v7, v3;
	_ =	sdelay $0x1  }
0x18c: {  	v7 =	vadd.f32 v8, v7;
	_ =	sdelay $0x1  }
0x18d: {  	v8 =	vperm.xlane v7, v4  }
0x18e: {  	v63 =	vpop (erf)  }
0x18f: {  	v7 =	vadd.f32 v8, v7;
	v5 =	vmul.f32 v63, v5;
	_ =	sdelay $0x1  }
0x190: {  	v5 =	vmul.f32 v5, v7;
	_ =	sdelay $0x1  }
0x191: {  	s21 =	simm.s32 $0x0;
	[tilespmem:v6+s17+$0x0] =	vst.idx.add.f32.msk $0xffff, v5  }
0x192: {  	s22 =	simm.s32 $0x40;
	v5 =	vld [tilespmem:s21+$0x5000]  }
.LBB2_42:
0x193: {  	p2 =	sne.s32 s22, $0x1FC0  }
.Ltmp20:
0x194: {  	_ = 	snop;
	(pc) =	sbr.rel @p2 .LBB2_42-.Ltmp20, $3  }
0x195: {  	_ =	sdelay $0x1  }
0x196: {  	[tilespmem:s21+$0x5800] =	vst v5;
	s21 =	sshra.s32 s22, $0x2;
	s22 =	sadd.s32 $0x40, s22  }
0x197: {  	v5 =	vld [tilespmem:s21+$0x5000]  }
.Ltmp21:
0x198: {  	_ = 	snop;
	(pc) =	sbr.rel @p0 .LBB2_47-.Ltmp21, $2  }
0x199: {  	_ =	sdelay $0x2  }
0x19a: {  	[tilespmem:s21+$0x5800] =	vst v5  }
0x19b: {  	s21 =	simm.s32 $0x40;
	s22 =	simm.s32 $0x0  }
.LBB2_45:
0x19c: {  	p2 =	sne.s32 s21, $0x1FC0;
	[tilespmem:s22+$0x6800] =	vst v0;
	s22 =	smov.u32 s21;
	s21 =	sadd.s32 $0x40, s21  }
.Ltmp22:
0x19d: {  	(pc) =	sbr.rel @p2 .LBB2_45-.Ltmp22, $2  }
0x19e: {  	_ =	sdelay $0x2  }
0x19f: {  	s22 =	sshra.s32 s22, $0x2  }
0x1a0: {  	[tilespmem:s22+$0x6800] =	vst v0  }
0x1a1: {  	[spmem:s1] =	stream.linear.scatter [tilespmem:s18], [sflag:$0x1], $0x800, $0x38;
	[tilespmem:$0x7180] =	vst v63  }
0x1a2: {  	_ =	swait.ge [sflag:s11], $0x800  }
0x1a3: {  	[sflag:s11] =	ssyncset.done $0x0  }
0x1a4: {  	[sflag:s11] =	ssyncadd.s32 $0xFFFFF800  }
.LBB2_47:
0x1a5: {  	[bflag:$0x0] =	sbarrier.arrive $0xFFFF  }
0x1a6: {  	[spmem:s1] =	stream.indirect.scatter.add.f32 [tilespmem:s19], [sflag:$0x1], $0x800, s15, s11, $0xb8;
	[tilespmem:$0x7180] =	vst v63  }
0x1a7: {  	_ =	swait.ge [sflag:s11], $0x800  }
0x1a8: {  	[sflag:s11] =	ssyncset.done $0x0  }
0x1a9: {  	[sflag:s11] =	ssyncadd.s32 $0xFFFFF800  }
0x1aa: {  	[bflag:$0x0] =	sbarrier.arrive $0xFFFF  }
0x1ab: {  	[tilespmem:s18], [sflag:$0x1] =	stream.linear.gather [spmem:s1], $0x800, $0x38;
	[tilespmem:$0x7180] =	vst v63  }
0x1ac: {  	_ =	swait.ge [sflag:s11], $0x800  }
0x1ad: {  	[sflag:s11] =	ssyncset.done $0x0  }
0x1ae: {  	s21 =	simm.s32 $0x0;
	[sflag:s11] =	ssyncadd.s32 $0xFFFFF800  }
0x1af: {  	v5 =	vld [tilespmem:s21+$0x6000]  }
0x1b0: {  	v6 =	vld [tilespmem:s21+$0x6800];
	_ =	sdelay $0x1  }
0x1b1: {  	v7 =	vld [tilespmem:s21+$0x4000];
	_ =	sdelay $0x2  }
0x1b2: {  	v6 =	vmul.f32 v6, v5  }
0x1b3: {  	s22 =	simm.s32 $0x10  }
0x1b4: {  	s23 =	simm.s32 $0x80;
	v5 =	vld [tilespmem:s22+$0x6000];
	v6 =	vsub.f32 v7, v6  }
.LBB2_48:
0x1b5: {  	p2 =	sne.s32 s23, $0x1FC0;
	v7 =	vld [tilespmem:s22+$0x6800]  }
0x1b6: {  	[tilespmem:s21+$0x4000] =	vst v6;
	s21 =	smov.u32 s22  }
0x1b7: {  	v6 =	vld [tilespmem:s21+$0x4000]  }
.Ltmp23:
0x1b8: {  	(pc) =	sbr.rel @p2 .LBB2_48-.Ltmp23, $4  }
0x1b9: {  	_ = 	snop  }
0x1ba: {  	v7 =	vmul.f32 v7, v5  }
0x1bb: {  	s22 =	sshra.s32 s23, $0x2  }
0x1bc: {  	s23 =	sadd.s32 $0x40, s23;
	v5 =	vld [tilespmem:s22+$0x6000];
	v6 =	vsub.f32 v6, v7  }
0x1bd: {  	v7 =	vld [tilespmem:s22+$0x6800]  }
0x1be: {  	[tilespmem:s21+$0x4000] =	vst v6  }
0x1bf: {  	v6 =	vld [tilespmem:s22+$0x4000];
	_ =	sdelay $0x2  }
0x1c0: {  	v5 =	vmul.f32 v7, v5;
	_ =	sdelay $0x1  }
0x1c1: {  	v5 =	vsub.f32 v6, v5;
	_ =	sdelay $0x1  }
0x1c2: {  	[tilespmem:s22+$0x4000] =	vst v5  }
0x1c3: {  	s22 =	simm.s32 $0x0;
	[bflag:$0x0] =	sbarrier.arrive $0xFFFF  }
0x1c4: {  	v5 =	vld [tilespmem:s22+$0x6000]  }
0x1c5: {  	s23 =	simm.s32 $0x0;
	s21 =	simm.s32 $0x40;
	[tilespmem:s22+$0x5000] =	vst v0;
	v6 =	vld [tilespmem:s22+$0x4000]  }
.LBB2_50:
0x1c6: {  	_ = 	snop  }
0x1c7: {  	p2 =	sne.s32 s21, $0x1FC0  }
.Ltmp24:
0x1c8: {  	_ = 	snop;
	(pc) =	sbr.rel @p2 .LBB2_50-.Ltmp24, $4  }
0x1c9: {  	_ = 	snop  }
0x1ca: {  	s24 =	sshra.s32 s21, $0x2;
	v7 =	vmul.f32 v6, v5  }
0x1cb: {  	[tilespmem:s24+$0x5000] =	vst v0;
	v5 =	vld [tilespmem:s24+$0x6000]  }
0x1cc: {  	s21 =	sadd.s32 $0x40, s21;
	v6 =	vld [tilespmem:s24+$0x4000];
	[tilespmem:s23+$0x4800] =	vst v7;
	s23 =	smov.u32 s24  }
0x1cd: {  	_ =	sdelay $0x3  }
0x1ce: {  	v5 =	vmul.f32 v6, v5;
	_ =	sdelay $0x1  }
0x1cf: {  	s21 =	simm.s32 $0x40;
	[tilespmem:s23+$0x4800] =	vst v5  }
.LBB2_52:
0x1d0: {  	p2 =	sne.s32 s21, $0x7FC0;
	v5 =	vld [tilespmem:s22+$0x2000];
	_ =	sdelay $0x2  }
0x1d1: {  	v6 =	vld [tilespmem:s22+$0x0];
	_ =	sdelay $0x1  }
0x1d2: {  	v7 =	vperm.xlane v5, v1;
	_ =	sdelay $0x1  }
0x1d3: {  	v7 =	vadd.f32 v7, v5;
	_ =	sdelay $0x1  }
0x1d4: {  	v8 =	vperm.xlane v7, v2;
	_ =	sdelay $0x1  }
0x1d5: {  	v9 =	vld.idx.msk [tilespmem:v6+s16+$0x0], $0xffff;
	v7 =	vadd.f32 v8, v7;
	_ =	sdelay $0x1  }
0x1d6: {  	v8 =	vperm.xlane v7, v3;
	_ =	sdelay $0x1  }
0x1d7: {  	v7 =	vadd.f32 v8, v7;
	_ =	sdelay $0x1  }
0x1d8: {  	v8 =	vmul.f32 v9, v5;
	v9 =	vperm.xlane v7, v4;
	_ =	sdelay $0x1  }
0x1d9: {  	v10 =	vperm.xlane v8, v1;
	v7 =	vadd.f32 v9, v7;
	_ =	sdelay $0x1  }
0x1da: {  	v8 =	vadd.f32 v10, v8;
	v7 =	vadd.f32 $9.999999710e-10, v7;
	_ =	sdelay $0x1  }
0x1db: {  	v9 =	vperm.xlane v8, v2;
	(erf) = vrcp.f32 v7;
	_ =	sdelay $0x1  }
0x1dc: {  	v7 =	vadd.f32 v9, v8;
	_ =	sdelay $0x1  }
0x1dd: {  	v8 =	vperm.xlane v7, v3;
	_ =	sdelay $0x1  }
0x1de: {  	v7 =	vadd.f32 v8, v7;
	_ =	sdelay $0x1  }
0x1df: {  	v8 =	vperm.xlane v7, v4  }
0x1e0: {  	v9 =	vpop (erf)  }
.Ltmp25:
0x1e1: {  	v7 =	vadd.f32 v8, v7;
	v5 =	vmul.f32 v9, v5;
	(pc) =	sbr.rel @p2 .LBB2_52-.Ltmp25, $3  }
0x1e2: {  	_ = 	snop  }
0x1e3: {  	v5 =	vmul.f32 v5, v7;
	_ =	sdelay $0x1  }
0x1e4: {  	s22 =	sshra.s32 s21, $0x2;
	s21 =	sadd.s32 $0x40, s21;
	[tilespmem:v6+s17+$0x0] =	vst.idx.add.f32.msk $0xffff, v5  }
0x1e5: {  	v5 =	vld [tilespmem:s22+$0x2000];
	_ =	sdelay $0x3  }
0x1e6: {  	v6 =	vld [tilespmem:s22+$0x0]  }
0x1e7: {  	v7 =	vperm.xlane v5, v1;
	_ =	sdelay $0x1  }
0x1e8: {  	v7 =	vadd.f32 v7, v5;
	_ =	sdelay $0x1  }
0x1e9: {  	v8 =	vperm.xlane v7, v2;
	_ =	sdelay $0x1  }
0x1ea: {  	v7 =	vadd.f32 v8, v7  }
0x1eb: {  	v61 =	vld.idx.msk [tilespmem:v6+s16+$0x0], $0xffff  }
0x1ec: {  	v9 =	vperm.xlane v7, v3;
	_ =	sdelay $0x1  }
0x1ed: {  	v7 =	vadd.f32 v9, v7;
	_ =	sdelay $0x1  }
0x1ee: {  	v8 =	vmul.f32 v61, v5;
	v9 =	vperm.xlane v7, v4;
	_ =	sdelay $0x1  }
0x1ef: {  	v10 =	vperm.xlane v8, v1;
	v7 =	vadd.f32 v9, v7;
	_ =	sdelay $0x1  }
0x1f0: {  	v8 =	vadd.f32 v10, v8;
	v7 =	vadd.f32 $9.999999710e-10, v7;
	_ =	sdelay $0x1  }
0x1f1: {  	v62 =	vperm.xlane v8, v2;
	(erf) = vrcp.f32 v7;
	_ =	sdelay $0x1  }
0x1f2: {  	v7 =	vadd.f32 v62, v8;
	_ =	sdelay $0x1  }
0x1f3: {  	v8 =	vperm.xlane v7, v3;
	_ =	sdelay $0x1  }
0x1f4: {  	v7 =	vadd.f32 v8, v7;
	_ =	sdelay $0x1  }
0x1f5: {  	v8 =	vperm.xlane v7, v4  }
0x1f6: {  	v63 =	vpop (erf)  }
0x1f7: {  	v7 =	vadd.f32 v8, v7;
	v5 =	vmul.f32 v63, v5;
	_ =	sdelay $0x1  }
0x1f8: {  	v5 =	vmul.f32 v5, v7;
	_ =	sdelay $0x1  }
0x1f9: {  	s21 =	simm.s32 $0x0;
	[tilespmem:v6+s17+$0x0] =	vst.idx.add.f32.msk $0xffff, v5  }
0x1fa: {  	s22 =	simm.s32 $0x40;
	v5 =	vld [tilespmem:s21+$0x5000]  }
.LBB2_54:
0x1fb: {  	p2 =	sne.s32 s22, $0x1FC0  }
.Ltmp26:
0x1fc: {  	_ = 	snop;
	(pc) =	sbr.rel @p2 .LBB2_54-.Ltmp26, $3  }
0x1fd: {  	_ =	sdelay $0x1  }
0x1fe: {  	[tilespmem:s21+$0x5800] =	vst v5;
	s21 =	sshra.s32 s22, $0x2;
	s22 =	sadd.s32 $0x40, s22  }
0x1ff: {  	v5 =	vld [tilespmem:s21+$0x5000]  }
.Ltmp27:
0x200: {  	_ = 	snop;
	(pc) =	sbr.rel @p0 .LBB2_59-.Ltmp27, $2  }
0x201: {  	_ =	sdelay $0x2  }
0x202: {  	[tilespmem:s21+$0x5800] =	vst v5  }
0x203: {  	s21 =	simm.s32 $0x40;
	s22 =	simm.s32 $0x0  }
.LBB2_57:
0x204: {  	p2 =	sne.s32 s21, $0x1FC0;
	[tilespmem:s22+$0x6800] =	vst v0;
	s22 =	smov.u32 s21;
	s21 =	sadd.s32 $0x40, s21  }
.Ltmp28:
0x205: {  	(pc) =	sbr.rel @p2 .LBB2_57-.Ltmp28, $2  }
0x206: {  	_ =	sdelay $0x2  }
0x207: {  	s22 =	sshra.s32 s22, $0x2  }
0x208: {  	[tilespmem:s22+$0x6800] =	vst v0  }
0x209: {  	[spmem:s1] =	stream.linear.scatter [tilespmem:s18], [sflag:$0x1], $0x800, $0x38;
	[tilespmem:$0x7180] =	vst v63  }
0x20a: {  	_ =	swait.ge [sflag:s11], $0x800  }
0x20b: {  	[sflag:s11] =	ssyncset.done $0x0  }
0x20c: {  	[sflag:s11] =	ssyncadd.s32 $0xFFFFF800  }
.LBB2_59:
0x20d: {  	[bflag:$0x0] =	sbarrier.arrive $0xFFFF  }
0x20e: {  	[spmem:s1] =	stream.indirect.scatter.add.f32 [tilespmem:s19], [sflag:$0x1], $0x800, s15, s11, $0xb8;
	[tilespmem:$0x7180] =	vst v63  }
0x20f: {  	_ =	swait.ge [sflag:s11], $0x800  }
0x210: {  	[sflag:s11] =	ssyncset.done $0x0  }
0x211: {  	[sflag:s11] =	ssyncadd.s32 $0xFFFFF800  }
0x212: {  	[bflag:$0x0] =	sbarrier.arrive $0xFFFF  }
0x213: {  	[tilespmem:s18], [sflag:$0x1] =	stream.linear.gather [spmem:s1], $0x800, $0x38;
	[tilespmem:$0x7180] =	vst v63  }
0x214: {  	_ =	swait.ge [sflag:s11], $0x800  }
0x215: {  	[sflag:s11] =	ssyncset.done $0x0  }
0x216: {  	s21 =	simm.s32 $0x0;
	[sflag:s11] =	ssyncadd.s32 $0xFFFFF800  }
0x217: {  	v5 =	vld [tilespmem:s21+$0x6000]  }
0x218: {  	v6 =	vld [tilespmem:s21+$0x6800];
	_ =	sdelay $0x1  }
0x219: {  	v7 =	vld [tilespmem:s21+$0x4000];
	_ =	sdelay $0x2  }
0x21a: {  	v6 =	vmul.f32 v6, v5  }
0x21b: {  	s22 =	simm.s32 $0x10  }
0x21c: {  	s23 =	simm.s32 $0x80;
	v5 =	vld [tilespmem:s22+$0x6000];
	v6 =	vsub.f32 v7, v6  }
.LBB2_60:
0x21d: {  	p2 =	sne.s32 s23, $0x1FC0;
	v7 =	vld [tilespmem:s22+$0x6800]  }
0x21e: {  	[tilespmem:s21+$0x4000] =	vst v6;
	s21 =	smov.u32 s22  }
0x21f: {  	v6 =	vld [tilespmem:s21+$0x4000]  }
.Ltmp29:
0x220: {  	(pc) =	sbr.rel @p2 .LBB2_60-.Ltmp29, $4  }
0x221: {  	_ = 	snop  }
0x222: {  	v7 =	vmul.f32 v7, v5  }
0x223: {  	s22 =	sshra.s32 s23, $0x2  }
0x224: {  	s23 =	sadd.s32 $0x40, s23;
	v5 =	vld [tilespmem:s22+$0x6000];
	v6 =	vsub.f32 v6, v7  }
0x225: {  	v7 =	vld [tilespmem:s22+$0x6800]  }
0x226: {  	[tilespmem:s21+$0x4000] =	vst v6  }
0x227: {  	v6 =	vld [tilespmem:s22+$0x4000];
	_ =	sdelay $0x2  }
0x228: {  	v5 =	vmul.f32 v7, v5;
	_ =	sdelay $0x1  }
0x229: {  	v5 =	vsub.f32 v6, v5;
	_ =	sdelay $0x1  }
0x22a: {  	[tilespmem:s22+$0x4000] =	vst v5  }
0x22b: {  	s22 =	simm.s32 $0x0;
	[bflag:$0x0] =	sbarrier.arrive $0xFFFF  }
0x22c: {  	v5 =	vld [tilespmem:s22+$0x6000]  }
0x22d: {  	s23 =	simm.s32 $0x0;
	s21 =	simm.s32 $0x40;
	[tilespmem:s22+$0x5000] =	vst v0;
	v6 =	vld [tilespmem:s22+$0x4000]  }
.LBB2_62:
0x22e: {  	_ = 	snop  }
0x22f: {  	p2 =	sne.s32 s21, $0x1FC0  }
.Ltmp30:
0x230: {  	_ = 	snop;
	(pc) =	sbr.rel @p2 .LBB2_62-.Ltmp30, $4  }
0x231: {  	_ = 	snop  }
0x232: {  	s24 =	sshra.s32 s21, $0x2;
	v7 =	vmul.f32 v6, v5  }
0x233: {  	[tilespmem:s24+$0x5000] =	vst v0;
	v5 =	vld [tilespmem:s24+$0x6000]  }
0x234: {  	s21 =	sadd.s32 $0x40, s21;
	v6 =	vld [tilespmem:s24+$0x4000];
	[tilespmem:s23+$0x4800] =	vst v7;
	s23 =	smov.u32 s24  }
0x235: {  	_ =	sdelay $0x3  }
0x236: {  	v5 =	vmul.f32 v6, v5;
	_ =	sdelay $0x1  }
0x237: {  	s21 =	simm.s32 $0x40;
	[tilespmem:s23+$0x4800] =	vst v5  }
.LBB2_64:
0x238: {  	p2 =	sne.s32 s21, $0x7FC0;
	v5 =	vld [tilespmem:s22+$0x2000];
	_ =	sdelay $0x2  }
0x239: {  	v6 =	vld [tilespmem:s22+$0x0];
	_ =	sdelay $0x1  }
0x23a: {  	v7 =	vperm.xlane v5, v1;
	_ =	sdelay $0x1  }
0x23b: {  	v7 =	vadd.f32 v7, v5;
	_ =	sdelay $0x1  }
0x23c: {  	v8 =	vperm.xlane v7, v2;
	_ =	sdelay $0x1  }
0x23d: {  	v9 =	vld.idx.msk [tilespmem:v6+s16+$0x0], $0xffff;
	v7 =	vadd.f32 v8, v7;
	_ =	sdelay $0x1  }
0x23e: {  	v8 =	vperm.xlane v7, v3;
	_ =	sdelay $0x1  }
0x23f: {  	v7 =	vadd.f32 v8, v7;
	_ =	sdelay $0x1  }
0x240: {  	v8 =	vmul.f32 v9, v5;
	v9 =	vperm.xlane v7, v4;
	_ =	sdelay $0x1  }
0x241: {  	v10 =	vperm.xlane v8, v1;
	v7 =	vadd.f32 v9, v7;
	_ =	sdelay $0x1  }
0x242: {  	v8 =	vadd.f32 v10, v8;
	v7 =	vadd.f32 $9.999999710e-10, v7;
	_ =	sdelay $0x1  }
0x243: {  	v9 =	vperm.xlane v8, v2;
	(erf) = vrcp.f32 v7;
	_ =	sdelay $0x1  }
0x244: {  	v7 =	vadd.f32 v9, v8;
	_ =	sdelay $0x1  }
0x245: {  	v8 =	vperm.xlane v7, v3;
	_ =	sdelay $0x1  }
0x246: {  	v7 =	vadd.f32 v8, v7;
	_ =	sdelay $0x1  }
0x247: {  	v8 =	vperm.xlane v7, v4  }
0x248: {  	v9 =	vpop (erf)  }
.Ltmp31:
0x249: {  	v7 =	vadd.f32 v8, v7;
	v5 =	vmul.f32 v9, v5;
	(pc) =	sbr.rel @p2 .LBB2_64-.Ltmp31, $3  }
0x24a: {  	_ = 	snop  }
0x24b: {  	v5 =	vmul.f32 v5, v7;
	_ =	sdelay $0x1  }
0x24c: {  	s22 =	sshra.s32 s21, $0x2;
	s21 =	sadd.s32 $0x40, s21;
	[tilespmem:v6+s17+$0x0] =	vst.idx.add.f32.msk $0xffff, v5  }
0x24d: {  	v5 =	vld [tilespmem:s22+$0x2000];
	_ =	sdelay $0x3  }
0x24e: {  	v6 =	vld [tilespmem:s22+$0x0]  }
0x24f: {  	v7 =	vperm.xlane v5, v1;
	_ =	sdelay $0x1  }
0x250: {  	v7 =	vadd.f32 v7, v5;
	_ =	sdelay $0x1  }
0x251: {  	v8 =	vperm.xlane v7, v2;
	_ =	sdelay $0x1  }
0x252: {  	v7 =	vadd.f32 v8, v7  }
0x253: {  	v61 =	vld.idx.msk [tilespmem:v6+s16+$0x0], $0xffff  }
0x254: {  	v9 =	vperm.xlane v7, v3;
	_ =	sdelay $0x1  }
0x255: {  	v7 =	vadd.f32 v9, v7;
	_ =	sdelay $0x1  }
0x256: {  	v8 =	vmul.f32 v61, v5;
	v9 =	vperm.xlane v7, v4;
	_ =	sdelay $0x1  }
0x257: {  	v10 =	vperm.xlane v8, v1;
	v7 =	vadd.f32 v9, v7;
	_ =	sdelay $0x1  }
0x258: {  	v8 =	vadd.f32 v10, v8;
	v7 =	vadd.f32 $9.999999710e-10, v7;
	_ =	sdelay $0x1  }
0x259: {  	v62 =	vperm.xlane v8, v2;
	(erf) = vrcp.f32 v7;
	_ =	sdelay $0x1  }
0x25a: {  	v7 =	vadd.f32 v62, v8;
	_ =	sdelay $0x1  }
0x25b: {  	v8 =	vperm.xlane v7, v3;
	_ =	sdelay $0x1  }
0x25c: {  	v7 =	vadd.f32 v8, v7;
	_ =	sdelay $0x1  }
0x25d: {  	v8 =	vperm.xlane v7, v4  }
0x25e: {  	v63 =	vpop (erf)  }
0x25f: {  	v7 =	vadd.f32 v8, v7;
	v5 =	vmul.f32 v63, v5;
	_ =	sdelay $0x1  }
0x260: {  	v5 =	vmul.f32 v5, v7;
	_ =	sdelay $0x1  }
0x261: {  	s21 =	simm.s32 $0x0;
	[tilespmem:v6+s17+$0x0] =	vst.idx.add.f32.msk $0xffff, v5  }
0x262: {  	s22 =	simm.s32 $0x40;
	v5 =	vld [tilespmem:s21+$0x5000]  }
.LBB2_66:
0x263: {  	p2 =	sne.s32 s22, $0x1FC0  }
.Ltmp32:
0x264: {  	_ = 	snop;
	(pc) =	sbr.rel @p2 .LBB2_66-.Ltmp32, $3  }
0x265: {  	_ =	sdelay $0x1  }
0x266: {  	[tilespmem:s21+$0x5800] =	vst v5;
	s21 =	sshra.s32 s22, $0x2;
	s22 =	sadd.s32 $0x40, s22  }
0x267: {  	v5 =	vld [tilespmem:s21+$0x5000]  }
.Ltmp33:
0x268: {  	_ = 	snop;
	(pc) =	sbr.rel @p0 .LBB2_71-.Ltmp33, $2  }
0x269: {  	_ =	sdelay $0x2  }
0x26a: {  	[tilespmem:s21+$0x5800] =	vst v5  }
0x26b: {  	s21 =	simm.s32 $0x40;
	s22 =	simm.s32 $0x0  }
.LBB2_69:
0x26c: {  	p2 =	sne.s32 s21, $0x1FC0;
	[tilespmem:s22+$0x6800] =	vst v0;
	s22 =	smov.u32 s21;
	s21 =	sadd.s32 $0x40, s21  }
.Ltmp34:
0x26d: {  	(pc) =	sbr.rel @p2 .LBB2_69-.Ltmp34, $2  }
0x26e: {  	_ =	sdelay $0x2  }
0x26f: {  	s22 =	sshra.s32 s22, $0x2  }
0x270: {  	[tilespmem:s22+$0x6800] =	vst v0  }
0x271: {  	[spmem:s1] =	stream.linear.scatter [tilespmem:s18], [sflag:$0x1], $0x800, $0x38;
	[tilespmem:$0x7180] =	vst v63  }
0x272: {  	_ =	swait.ge [sflag:s11], $0x800  }
0x273: {  	[sflag:s11] =	ssyncset.done $0x0  }
0x274: {  	[sflag:s11] =	ssyncadd.s32 $0xFFFFF800  }
.LBB2_71:
0x275: {  	[bflag:$0x0] =	sbarrier.arrive $0xFFFF  }
0x276: {  	[spmem:s1] =	stream.indirect.scatter.add.f32 [tilespmem:s19], [sflag:$0x1], $0x800, s15, s11, $0xb8;
	[tilespmem:$0x7180] =	vst v63  }
0x277: {  	_ =	swait.ge [sflag:s11], $0x800  }
0x278: {  	[sflag:s11] =	ssyncset.done $0x0  }
0x279: {  	[sflag:s11] =	ssyncadd.s32 $0xFFFFF800  }
0x27a: {  	[bflag:$0x0] =	sbarrier.arrive $0xFFFF  }
0x27b: {  	[tilespmem:s18], [sflag:$0x1] =	stream.linear.gather [spmem:s1], $0x800, $0x38;
	[tilespmem:$0x7180] =	vst v63  }
0x27c: {  	_ =	swait.ge [sflag:s11], $0x800  }
0x27d: {  	[sflag:s11] =	ssyncset.done $0x0  }
0x27e: {  	s21 =	simm.s32 $0x0;
	[sflag:s11] =	ssyncadd.s32 $0xFFFFF800  }
0x27f: {  	v5 =	vld [tilespmem:s21+$0x6000]  }
0x280: {  	v6 =	vld [tilespmem:s21+$0x6800];
	_ =	sdelay $0x1  }
0x281: {  	v7 =	vld [tilespmem:s21+$0x4000];
	_ =	sdelay $0x1  }
0x282: {  	s22 =	simm.s32 $0x10  }
0x283: {  	v9 =	vld [tilespmem:s22+$0x6800];
	v5 =	vmul.f32 v6, v5  }
0x284: {  	v6 =	vld [tilespmem:s22+$0x6000]  }
0x285: {  	v11 =	vmul.f32 v7, v7;
	v10 =	vsub.f32 v7, v5  }
0x286: {  	v8 =	vld [tilespmem:s22+$0x4000];
	v5 =	vimm.f32 $0.0e+00  }
0x287: {  	s21 =	simm.s32 $0x80;
	v10 =	vmul.f32 v10, v7;
	v7 =	vadd.f32 v11, v5  }
.LBB2_72:
0x288: {  	s22 =	sshra.s32 s21, $0x2;
	p2 =	sne.s32 s21, $0x1FC0  }
.Ltmp35:
0x289: {  	s21 =	sadd.s32 $0x40, s21;
	v11 =	vmul.f32 v9, v6;
	v6 =	vld [tilespmem:s22+$0x6000];
	v5 =	vadd.f32 v10, v5;
	(pc) =	sbr.rel @p2 .LBB2_72-.Ltmp35, $4  }
0x28a: {  	v9 =	vld [tilespmem:s22+$0x6800]  }
0x28b: {  	v10 =	vsub.f32 v8, v11;
	v11 =	vmul.f32 v8, v8;
	v12 =	vmov v8  }
0x28c: {  	v8 =	vld [tilespmem:s22+$0x4000]  }
0x28d: {  	v10 =	vmul.f32 v10, v12;
	v7 =	vadd.f32 v11, v7  }
0x28e: {  	_ = 	snop  }
0x28f: {  	v6 =	vmul.f32 v9, v6;
	_ =	sdelay $0x1  }
0x290: {  	v6 =	vsub.f32 v8, v6  }
0x291: {  	v62 =	vmul.f32 v8, v8  }
0x292: {  	v5 =	vadd.f32 v10, v5;
	v6 =	vmul.f32 v6, v8  }
0x293: {  	v7 =	vadd.f32 v62, v7  }
0x294: {  	v5 =	vadd.f32 v6, v5  }
0x295: {  	v6 =	vperm.xlane v7, v1  }
0x296: {  	v63 =	vperm.xlane v5, v1  }
0x297: {  	v6 =	vadd.f32 v6, v7  }
0x298: {  	v5 =	vadd.f32 v63, v5  }
0x299: {  	v7 =	vperm.xlane v6, v2  }
0x29a: {  	v8 =	vperm.xlane v5, v2  }
0x29b: {  	v6 =	vadd.f32 v7, v6  }
0x29c: {  	v5 =	vadd.f32 v8, v5  }
0x29d: {  	v7 =	vperm.xlane v6, v3  }
0x29e: {  	v8 =	vperm.xlane v5, v3  }
0x29f: {  	v6 =	vadd.f32 v7, v6  }
0x2a0: {  	v5 =	vadd.f32 v8, v5  }
0x2a1: {  	v7 =	vperm.xlane v6, v4  }
0x2a2: {  	v8 =	vperm.xlane v5, v4  }
0x2a3: {  	v6 =	vadd.f32 @!p1 v7, v6  }
0x2a4: {  	v5 =	vadd.f32 @!p1 v8, v5  }
0x2a5: {  	v6 =	vsel @!p1 vm0, $0x0, v6  }
0x2a6: {  	v5 =	vsel @!p1 vm1, v5, v6  }
0x2a7: {  	s21 =	simm.s32 @!p1 $0x0;
	s22 =	simm.s32 @!p1 $0x7080;
	[tilespmem:$0x7080] =	vst @!p1 v5  }
0x2a8: {  	[hbm4b:s6+s21] =	stream.linear.scatter @!p1 [tilespmem:s22], [sflag:$0x1], $0x80, $0x38;
	[tilespmem:$0x7180] =	vst v63  }
0x2a9: {  	s22 =	simm.s32 @!p1 $0x1  }
0x2aa: {  	s20 =	sadd.s32 $0x1, s20;
	_ =	swait.ge @!p1 [sflag:s22], $0x80  }
0x2ab: {  	p2 =	sne.s32 s20, s10;
	[sflag:s22] =	ssyncset.done @!p1 $0x0  }
.Ltmp36:
0x2ac: {  	s23 =	simm.s32 @!p1 $0x4000;
	[sflag:s22] =	ssyncadd.s32 @!p1 $0xFFFFFF80;
	(pc) =	sbr.rel @p2 .LBB2_1-.Ltmp36, $4  }
0x2ad: {  	[hbm4b:s7+s21] =	stream.linear.scatter @!p1 [tilespmem:s23], [sflag:$0x1], $0x800, $0x38;
	[tilespmem:$0x7180] =	vst v63  }
0x2ae: {  	_ =	swait.ge @!p1 [sflag:s22], $0x800  }
0x2af: {  	[sflag:s22] =	ssyncset.done @!p1 $0x0  }
0x2b0: {  	[sflag:s22] =	ssyncadd.s32 @!p1 $0xFFFFF800  }
0x2b1: {  	_ =	sfence.sel $0x180000  }
0x2b2: {  	[bflag:$0x0] =	sbarrier.arrive $0xFFFF  }
0x2b3: {  	_ =	strace $0x90000047  }
0x2b4: {  	s0 =	sadd.s32 @!p0 $0x100000, s0;
	[bflag:$0x2] =	sbarrier.arrive $0xFFFF  }
0x2b5: {  	[sflag:s0] =	ssyncadd.tile.s32 @!p0 $0x1;
	_ =	shalt  }
.Lfunc_end2:
_tile_overlayer_lowered:
.L_overlay_start_2:
0x2b6: {  	(tag) =	ssettag $0x2  }
0x2b7: {  	s0 =	rddreg [dreg:$0x0];
	s2 =	stileid.u32  }
0x2b8: {  	s1 =	rddreg [dreg:$0x1];
	p0 =	sne.s32 s2, $0x0  }
0x2b9: {  	s3 =	rddreg [dreg:$0x2];
	[bflag:$0x3] =	sbarrier.arrive $0xFFFF;
	s2 =	simm.s32 @!p0 $0x1C01  }
0x2ba: {  	[timem:s3], [sflag:s2] =	dma.local @!p0 [hbm:s0], s1  }
0x2bb: {  	s0 =	simm.s32 @!p0 $0x1  }
0x2bc: {  	_ =	swait.ge @!p0 [sflag:s0], s1  }
0x2bd: {  	s1 =	ssub.s32 @!p0 $0x0, s1;
	[sflag:s0] =	ssyncset.done @!p0 $0x0  }
0x2be: {  	[sflag:s0] =	ssyncadd.s32 @!p0 s1  }
0x2bf: {  	[bflag:$0x3] =	sbarrier.arrive $0xFFFF  }
0x2c0: {  	_ =	shalt  }

</sc_bundles>
